<compile_context>
chip_gen: v7x
topology: tpu7x:2x2x1
jax: 0.10.2.dev20260603
libtpu: 0.0.44.dev20260713+nightly
codegen_flags: <defaults>
</compile_context>

<pallas_src>
import functools

import jax
import jax.numpy as jnp
from jax import lax
from jax.experimental import pallas as pl
from jax.experimental.pallas import tpu as pltpu
from jax.experimental.pallas import tpu_sc as plsc

EMBED = 64
SEQ = 50
BATCH = 4096
BBLK = 128
NBB = BATCH // BBLK
NITEMS = SEQ * NBB


@functools.lru_cache(maxsize=None)
def _build():
    info = plsc.get_sparse_core_info()
    nc, ns = info.num_cores, info.num_subcores
    nw = nc * ns
    ipw = NITEMS // nw

    mesh = plsc.VectorSubcoreMesh(core_axis_name="c", subcore_axis_name="s")

    @functools.partial(
        pl.kernel,
        mesh=mesh,
        compiler_params=pltpu.CompilerParams(
            use_tc_tiling_on_sc=False, needs_layout_passes=False),
        out_type=jax.ShapeDtypeStruct((SEQ, 8, NBB, 8, BBLK), jnp.float32),
        scratch_types=[
            pltpu.VMEM((ipw, BBLK), jnp.int32),
            pltpu.VMEM((BBLK, EMBED), jnp.float32),
            pltpu.VMEM((BBLK, EMBED), jnp.float32),
            pltpu.VMEM((8, 8, BBLK + 1), jnp.float32),
            pltpu.VMEM((8, 8, BBLK + 1), jnp.float32),
            pltpu.SemaphoreType.DMA,
            pltpu.SemaphoreType.DMA,
            pltpu.SemaphoreType.DMA,
            pltpu.SemaphoreType.DMA,
        ],
    )
    def gather_t(idx_hbm, tab_hbm, v_hbm, idx_v, g0, g1, t0, t1,
                 sg0, sg1, sw0, sw1):
        wid = lax.axis_index("s") * nc + lax.axis_index("c")
        gs = (g0, g1)
        ts = (t0, t1)
        sgs = (sg0, sg1)
        sws = (sw0, sw1)

        pltpu.sync_copy(idx_hbm.at[wid], idx_v)

        lane = lax.iota(jnp.int32, 16)
        ebs, eis = [], []
        for p in range(4):
            e = lane + p * 16
            ebs.append(e // 8)
            eis.append(e % 8)

        pltpu.async_copy(tab_hbm.at[idx_v.at[0]], gs[0], sgs[0])

        def transpose_item(g_buf, t_buf):
            @plsc.parallel_loop(0, BBLK, step=1, unroll=8)
            def tbody(b):
                bsplat = jnp.full((16,), 0, jnp.int32) + b
                for p in range(4):
                    v = g_buf[b, pl.ds(p * 16, 16)]
                    plsc.store_scatter(t_buf, [ebs[p], eis[p], bsplat], v)

        def body(grp, _):
            for par in range(2):
                j = grp * 2 + par
                nxt = (par + 1) % 2
                pltpu.make_async_copy(
                    tab_hbm.at[idx_v.at[j]], gs[par], sgs[par]).wait()

                @pl.when(j + 1 < ipw)
                def _(j=j, nxt=nxt):
                    pltpu.async_copy(
                        tab_hbm.at[idx_v.at[j + 1]], gs[nxt], sgs[nxt])

                item = wid * ipw + j
                s = item // NBB
                bb = item % NBB

                @pl.when(j >= 2)
                def _(par=par, s=s, bb=bb):
                    pltpu.make_async_copy(
                        ts[par].at[:, :, pl.ds(0, BBLK)],
                        v_hbm.at[s, :, bb], sws[par]).wait()

                transpose_item(gs[par], ts[par])
                pltpu.async_copy(ts[par].at[:, :, pl.ds(0, BBLK)],
                                 v_hbm.at[s, :, bb], sws[par])
            return 0

        lax.fori_loop(0, ipw // 2, body, 0)
        for par in range(2):
            pltpu.make_async_copy(ts[par].at[:, :, pl.ds(0, BBLK)],
                                  v_hbm.at[0, :, 0], sws[par]).wait()

    return gather_t, nw, ipw


def kernel(num_tokens, unit_tokens, num_table, unit_table):
    fn, nw, ipw = _build()
    num_idx = num_tokens.T.reshape(nw, ipw, BBLK).astype(jnp.int32)
    unit_idx = unit_tokens.T.reshape(nw, ipw, BBLK).astype(jnp.int32)
    num_v = fn(num_idx, num_table)
    unit_v = fn(unit_idx, unit_table)
    num_out = num_v.transpose(2, 4, 0, 1, 3).reshape(BATCH, SEQ, EMBED)
    unit_out = unit_v.transpose(2, 4, 0, 1, 3).reshape(BATCH, SEQ, EMBED)
    return (num_out, unit_out)

# --- scband reference (transcript-rebuilt; emitter-appended) ---
"""Pipeline reference for scband-numeric-unit-embeddings-25898652795100 (READ-ONLY COPY).

The authoritative reference and input builder live on the scoring server;
editing this copy changes nothing except your own understanding.
"""

import jax, jax.numpy as jnp
import numpy as np

VOCAB = 100000
EMBED = 64

def setup_inputs(seed: int = 0) -> dict:
    key = jax.random.key(seed)
    k1, k2, k3, k4 = jax.random.split(key, 4)
    num_tokens = jax.random.randint(k1, (4096, 50), 0, VOCAB, dtype=jnp.int64 if jax.config.jax_enable_x64 else jnp.int32)
    unit_tokens = jax.random.randint(k2, (4096, 50), 0, VOCAB, dtype=jnp.int64 if jax.config.jax_enable_x64 else jnp.int32)
    num_table = jax.random.normal(k3, (VOCAB, EMBED), dtype=jnp.float32)
    unit_table = jax.random.normal(k4, (VOCAB, EMBED), dtype=jnp.float32)
    return {"num_tokens": num_tokens, "unit_tokens": unit_tokens, "num_table": num_table, "unit_table": unit_table}

def reference(num_tokens, unit_tokens, num_table, unit_table):
    # get_embedding(word) -> embedding vector per token; implemented as a
    # deterministic learned-table lookup (the original returned untracked
    # np.random vectors, which is not reproducible; an nn.Embedding-style
    # gather is the standard production interpretation).
    num_embeds = jnp.take(num_table, num_tokens, axis=0)
    unit_embeds = jnp.take(unit_table, unit_tokens, axis=0)
    return (num_embeds, unit_embeds)

if __name__ == "__main__":
    import jax
    _d = setup_inputs()
    print(jax.jit(kernel)(*tuple(_d.values())))

</pallas_src>

<mosaic_0001>
#map = affine_map<(d0, d1) -> (0, 0, 0)>
#map1 = affine_map<(d0, d1) -> (0, 0)>
#map2 = affine_map<(d0, d1) -> (0, 0, 0, 0, 0)>
module attributes {stable_mosaic.version = 14 : i64} {
  func.func @gather_t(%arg0: i32, %arg1: i32, %arg2: memref<32x50x128xi32, #tpu.memory_space<hbm>>, %arg3: memref<100000x64xf32, #tpu.memory_space<hbm>>, %arg4: memref<50x8x32x8x128xf32, #tpu.memory_space<hbm>>, %arg5: memref<50x128xi32, #tpu.memory_space<vmem>>, %arg6: memref<128x64xf32, #tpu.memory_space<vmem>>, %arg7: memref<128x64xf32, #tpu.memory_space<vmem>>, %arg8: memref<8x8x129xf32, #tpu.memory_space<vmem>>, %arg9: memref<8x8x129xf32, #tpu.memory_space<vmem>>, %arg10: memref<!tpu.dma_semaphore, #tpu.memory_space<semaphore_mem>>, %arg11: memref<!tpu.dma_semaphore, #tpu.memory_space<semaphore_mem>>, %arg12: memref<!tpu.dma_semaphore, #tpu.memory_space<semaphore_mem>>, %arg13: memref<!tpu.dma_semaphore, #tpu.memory_space<semaphore_mem>>) attributes {dimension_semantics = [#tpu.dimension_semantics<core_parallel>, #tpu.dimension_semantics<subcore_parallel>], iteration_bounds = array<i64: 2, 16>, scalar_prefetch = 0 : i64, scratch_operands = 9 : i64, tpu.core_type = #tpu.core_type<sc_vector_subcore>, window_params = [{transform_indices = #map}, {transform_indices = #map1}, {transform_indices = #map2}]} {
    %mul3A = arith.constant 2 : i32
    %mul3A_0 = arith.muli %arg1, %mul3A : i32
    %add3A = arith.addi %mul3A_0, %arg0 : i32
    "tpu.region"() ({
      %run_scoped3A = tpu.sem_alloc : memref<!tpu.dma_semaphore, #tpu.memory_space<semaphore_mem>>
      %dma_start3A_266 = arith.constant 0 : i32
      %dma_start3A_267 = arith.constant 0 : i32
      %dma_start3A_268 = tpu.memref_slice %arg2[%add3A, %dma_start3A_266, %dma_start3A_267] : memref<32x50x128xi32, #tpu.memory_space<hbm>> -> memref<1x50x128xi32, #tpu.memory_space<hbm>>
      %dma_start3A_269 = tpu.memref_squeeze %dma_start3A_268 : memref<1x50x128xi32, #tpu.memory_space<hbm>> -> memref<50x128xi32, #tpu.memory_space<hbm>>
      %dma_start3A_270 = arith.constant 0 : i32
      %dma_start3A_271 = arith.constant 0 : i32
      %dma_start3A_272 = tpu.memref_slice %arg2[%add3A, %dma_start3A_270, %dma_start3A_271] : memref<32x50x128xi32, #tpu.memory_space<hbm>> -> memref<1x50x128xi32, #tpu.memory_space<hbm>>
      %dma_start3A_273 = tpu.memref_squeeze %dma_start3A_272 : memref<1x50x128xi32, #tpu.memory_space<hbm>> -> memref<50x128xi32, #tpu.memory_space<hbm>>
      tpu.enqueue_dma source(%dma_start3A_273 : memref<50x128xi32, #tpu.memory_space<hbm>>) target(%arg5 : memref<50x128xi32, #tpu.memory_space<vmem>>) target_semaphore(%run_scoped3A : memref<!tpu.dma_semaphore, #tpu.memory_space<semaphore_mem>>)
      %dma_wait3A_274 = arith.constant 0 : i32
      %dma_wait3A_275 = arith.constant 0 : i32
      %dma_wait3A_276 = tpu.memref_slice %arg2[%add3A, %dma_wait3A_274, %dma_wait3A_275] : memref<32x50x128xi32, #tpu.memory_space<hbm>> -> memref<1x50x128xi32, #tpu.memory_space<hbm>>
      %dma_wait3A_277 = tpu.memref_squeeze %dma_wait3A_276 : memref<1x50x128xi32, #tpu.memory_space<hbm>> -> memref<50x128xi32, #tpu.memory_space<hbm>>
      %dma_wait3A_278 = arith.constant 0 : i32
      %dma_wait3A_279 = arith.constant 0 : i32
      %dma_wait3A_280 = tpu.memref_slice %arg2[%add3A, %dma_wait3A_278, %dma_wait3A_279] : memref<32x50x128xi32, #tpu.memory_space<hbm>> -> memref<1x50x128xi32, #tpu.memory_space<hbm>>
      %dma_wait3A_281 = tpu.memref_squeeze %dma_wait3A_280 : memref<1x50x128xi32, #tpu.memory_space<hbm>> -> memref<50x128xi32, #tpu.memory_space<hbm>>
      tpu.wait_dma2 semaphore(%run_scoped3A : memref<!tpu.dma_semaphore, #tpu.memory_space<semaphore_mem>>) src(%dma_wait3A_281 : memref<50x128xi32, #tpu.memory_space<hbm>>) dst(%arg5 : memref<50x128xi32, #tpu.memory_space<vmem>>)
      tpu.yield
    }) : () -> ()
    %iota3A = tpu.iota {dimensions = array<i32: 0>} : vector<16xi32>
    %add3A_1 = arith.constant 0 : i32
    %add3A_2 = vector.broadcast %add3A_1 : i32 to vector<16xi32>
    %add3A_3 = arith.addi %iota3A, %add3A_2 : vector<16xi32>
    %jit3A = arith.constant 8 : i32
    %div3A = vector.broadcast %jit3A : i32 to vector<16xi32>
    %div3A_4 = arith.divsi %add3A_3, %div3A : vector<16xi32>
    %sign3A = arith.constant 0 : i32
    %sign3A_5 = vector.broadcast %sign3A : i32 to vector<16xi32>
    %sign3A_6 = arith.cmpi sgt, %add3A_3, %sign3A_5 : vector<16xi32>
    %sign3A_7 = arith.extui %sign3A_6 : vector<16xi1> to vector<16xi32>
    %sign3A_8 = arith.constant 0 : i32
    %sign3A_9 = vector.broadcast %sign3A_8 : i32 to vector<16xi32>
    %sign3A_10 = arith.cmpi slt, %add3A_3, %sign3A_9 : vector<16xi32>
    %sign3A_11 = arith.extui %sign3A_10 : vector<16xi1> to vector<16xi32>
    %sign3A_12 = arith.subi %sign3A_7, %sign3A_11 : vector<16xi32>
    %sign3A_13 = arith.constant 0 : i32
    %sign3A_14 = arith.cmpi sgt, %jit3A, %sign3A_13 : i32
    %sign3A_15 = arith.extui %sign3A_14 : i1 to i32
    %sign3A_16 = arith.constant 0 : i32
    %sign3A_17 = arith.cmpi slt, %jit3A, %sign3A_16 : i32
    %sign3A_18 = arith.extui %sign3A_17 : i1 to i32
    %sign3A_19 = arith.subi %sign3A_15, %sign3A_18 : i32
    %ne3A = vector.broadcast %sign3A_19 : i32 to vector<16xi32>
    %ne3A_20 = arith.cmpi ne, %sign3A_12, %ne3A : vector<16xi32>
    %rem3A = vector.broadcast %jit3A : i32 to vector<16xi32>
    %rem3A_21 = arith.remsi %add3A_3, %rem3A : vector<16xi32>
    %ne3A_22 = arith.constant 0 : i32
    %ne3A_23 = vector.broadcast %ne3A_22 : i32 to vector<16xi32>
    %ne3A_24 = arith.cmpi ne, %rem3A_21, %ne3A_23 : vector<16xi32>
    %and3A = arith.andi %ne3A_20, %ne3A_24 : vector<16xi1>
    %sub3A = arith.constant 1 : i32
    %sub3A_25 = vector.broadcast %sub3A : i32 to vector<16xi32>
    %sub3A_26 = arith.subi %div3A_4, %sub3A_25 : vector<16xi32>
    %select_n3A = arith.select %and3A, %sub3A_26, %div3A_4 : vector<16xi1>, vector<16xi32>
    %jit3A_27 = arith.constant 8 : i32
    %eq3A = arith.constant 0 : i32
    %eq3A_28 = arith.cmpi eq, %jit3A_27, %eq3A : i32
    %jit3A_29 = arith.constant 1 : i32
    %select_n3A_30 = arith.select %eq3A_28, %jit3A_29, %jit3A_27 : i32
    %rem3A_31 = vector.broadcast %select_n3A_30 : i32 to vector<16xi32>
    %rem3A_32 = arith.remsi %add3A_3, %rem3A_31 : vector<16xi32>
    %ne3A_33 = arith.constant 0 : i32
    %ne3A_34 = vector.broadcast %ne3A_33 : i32 to vector<16xi32>
    %ne3A_35 = arith.cmpi ne, %rem3A_32, %ne3A_34 : vector<16xi32>
    %lt3A = arith.constant 0 : i32
    %lt3A_36 = vector.broadcast %lt3A : i32 to vector<16xi32>
    %lt3A_37 = arith.cmpi slt, %rem3A_32, %lt3A_36 : vector<16xi32>
    %lt3A_38 = arith.constant 0 : i32
    %lt3A_39 = arith.cmpi slt, %select_n3A_30, %lt3A_38 : i32
    %ne3A_40 = vector.broadcast %lt3A_39 : i1 to vector<16xi1>
    %ne3A_41 = vector.broadcast %ne3A_40 : vector<16xi1> to vector<16xi1>
    %ne3A_42 = arith.xori %lt3A_37, %ne3A_41 : vector<16xi1>
    %and3A_43 = arith.andi %ne3A_42, %ne3A_35 : vector<16xi1>
    %add3A_44 = vector.broadcast %select_n3A_30 : i32 to vector<16xi32>
    %add3A_45 = arith.addi %rem3A_32, %add3A_44 : vector<16xi32>
    %select_n3A_46 = arith.select %and3A_43, %add3A_45, %rem3A_32 : vector<16xi1>, vector<16xi32>
    %add3A_47 = arith.constant 16 : i32
    %add3A_48 = vector.broadcast %add3A_47 : i32 to vector<16xi32>
    %add3A_49 = arith.addi %iota3A, %add3A_48 : vector<16xi32>
    %jit3A_50 = arith.constant 8 : i32
    %div3A_51 = vector.broadcast %jit3A_50 : i32 to vector<16xi32>
    %div3A_52 = arith.divsi %add3A_49, %div3A_51 : vector<16xi32>
    %sign3A_53 = arith.constant 0 : i32
    %sign3A_54 = vector.broadcast %sign3A_53 : i32 to vector<16xi32>
    %sign3A_55 = arith.cmpi sgt, %add3A_49, %sign3A_54 : vector<16xi32>
    %sign3A_56 = arith.extui %sign3A_55 : vector<16xi1> to vector<16xi32>
    %sign3A_57 = arith.constant 0 : i32
    %sign3A_58 = vector.broadcast %sign3A_57 : i32 to vector<16xi32>
    %sign3A_59 = arith.cmpi slt, %add3A_49, %sign3A_58 : vector<16xi32>
    %sign3A_60 = arith.extui %sign3A_59 : vector<16xi1> to vector<16xi32>
    %sign3A_61 = arith.subi %sign3A_56, %sign3A_60 : vector<16xi32>
    %sign3A_62 = arith.constant 0 : i32
    %sign3A_63 = arith.cmpi sgt, %jit3A_50, %sign3A_62 : i32
    %sign3A_64 = arith.extui %sign3A_63 : i1 to i32
    %sign3A_65 = arith.constant 0 : i32
    %sign3A_66 = arith.cmpi slt, %jit3A_50, %sign3A_65 : i32
    %sign3A_67 = arith.extui %sign3A_66 : i1 to i32
    %sign3A_68 = arith.subi %sign3A_64, %sign3A_67 : i32
    %ne3A_69 = vector.broadcast %sign3A_68 : i32 to vector<16xi32>
    %ne3A_70 = arith.cmpi ne, %sign3A_61, %ne3A_69 : vector<16xi32>
    %rem3A_71 = vector.broadcast %jit3A_50 : i32 to vector<16xi32>
    %rem3A_72 = arith.remsi %add3A_49, %rem3A_71 : vector<16xi32>
    %ne3A_73 = arith.constant 0 : i32
    %ne3A_74 = vector.broadcast %ne3A_73 : i32 to vector<16xi32>
    %ne3A_75 = arith.cmpi ne, %rem3A_72, %ne3A_74 : vector<16xi32>
    %and3A_76 = arith.andi %ne3A_70, %ne3A_75 : vector<16xi1>
    %sub3A_77 = arith.constant 1 : i32
    %sub3A_78 = vector.broadcast %sub3A_77 : i32 to vector<16xi32>
    %sub3A_79 = arith.subi %div3A_52, %sub3A_78 : vector<16xi32>
    %select_n3A_80 = arith.select %and3A_76, %sub3A_79, %div3A_52 : vector<16xi1>, vector<16xi32>
    %jit3A_81 = arith.constant 8 : i32
    %eq3A_82 = arith.constant 0 : i32
    %eq3A_83 = arith.cmpi eq, %jit3A_81, %eq3A_82 : i32
    %jit3A_84 = arith.constant 1 : i32
    %select_n3A_85 = arith.select %eq3A_83, %jit3A_84, %jit3A_81 : i32
    %rem3A_86 = vector.broadcast %select_n3A_85 : i32 to vector<16xi32>
    %rem3A_87 = arith.remsi %add3A_49, %rem3A_86 : vector<16xi32>
    %ne3A_88 = arith.constant 0 : i32
    %ne3A_89 = vector.broadcast %ne3A_88 : i32 to vector<16xi32>
    %ne3A_90 = arith.cmpi ne, %rem3A_87, %ne3A_89 : vector<16xi32>
    %lt3A_91 = arith.constant 0 : i32
    %lt3A_92 = vector.broadcast %lt3A_91 : i32 to vector<16xi32>
    %lt3A_93 = arith.cmpi slt, %rem3A_87, %lt3A_92 : vector<16xi32>
    %lt3A_94 = arith.constant 0 : i32
    %lt3A_95 = arith.cmpi slt, %select_n3A_85, %lt3A_94 : i32
    %ne3A_96 = vector.broadcast %lt3A_95 : i1 to vector<16xi1>
    %ne3A_97 = vector.broadcast %ne3A_96 : vector<16xi1> to vector<16xi1>
    %ne3A_98 = arith.xori %lt3A_93, %ne3A_97 : vector<16xi1>
    %and3A_99 = arith.andi %ne3A_98, %ne3A_90 : vector<16xi1>
    %add3A_100 = vector.broadcast %select_n3A_85 : i32 to vector<16xi32>
    %add3A_101 = arith.addi %rem3A_87, %add3A_100 : vector<16xi32>
    %select_n3A_102 = arith.select %and3A_99, %add3A_101, %rem3A_87 : vector<16xi1>, vector<16xi32>
    %add3A_103 = arith.constant 32 : i32
    %add3A_104 = vector.broadcast %add3A_103 : i32 to vector<16xi32>
    %add3A_105 = arith.addi %iota3A, %add3A_104 : vector<16xi32>
    %jit3A_106 = arith.constant 8 : i32
    %div3A_107 = vector.broadcast %jit3A_106 : i32 to vector<16xi32>
    %div3A_108 = arith.divsi %add3A_105, %div3A_107 : vector<16xi32>
    %sign3A_109 = arith.constant 0 : i32
    %sign3A_110 = vector.broadcast %sign3A_109 : i32 to vector<16xi32>
    %sign3A_111 = arith.cmpi sgt, %add3A_105, %sign3A_110 : vector<16xi32>
    %sign3A_112 = arith.extui %sign3A_111 : vector<16xi1> to vector<16xi32>
    %sign3A_113 = arith.constant 0 : i32
    %sign3A_114 = vector.broadcast %sign3A_113 : i32 to vector<16xi32>
    %sign3A_115 = arith.cmpi slt, %add3A_105, %sign3A_114 : vector<16xi32>
    %sign3A_116 = arith.extui %sign3A_115 : vector<16xi1> to vector<16xi32>
    %sign3A_117 = arith.subi %sign3A_112, %sign3A_116 : vector<16xi32>
    %sign3A_118 = arith.constant 0 : i32
    %sign3A_119 = arith.cmpi sgt, %jit3A_106, %sign3A_118 : i32
    %sign3A_120 = arith.extui %sign3A_119 : i1 to i32
    %sign3A_121 = arith.constant 0 : i32
    %sign3A_122 = arith.cmpi slt, %jit3A_106, %sign3A_121 : i32
    %sign3A_123 = arith.extui %sign3A_122 : i1 to i32
    %sign3A_124 = arith.subi %sign3A_120, %sign3A_123 : i32
    %ne3A_125 = vector.broadcast %sign3A_124 : i32 to vector<16xi32>
    %ne3A_126 = arith.cmpi ne, %sign3A_117, %ne3A_125 : vector<16xi32>
    %rem3A_127 = vector.broadcast %jit3A_106 : i32 to vector<16xi32>
    %rem3A_128 = arith.remsi %add3A_105, %rem3A_127 : vector<16xi32>
    %ne3A_129 = arith.constant 0 : i32
    %ne3A_130 = vector.broadcast %ne3A_129 : i32 to vector<16xi32>
    %ne3A_131 = arith.cmpi ne, %rem3A_128, %ne3A_130 : vector<16xi32>
    %and3A_132 = arith.andi %ne3A_126, %ne3A_131 : vector<16xi1>
    %sub3A_133 = arith.constant 1 : i32
    %sub3A_134 = vector.broadcast %sub3A_133 : i32 to vector<16xi32>
    %sub3A_135 = arith.subi %div3A_108, %sub3A_134 : vector<16xi32>
    %select_n3A_136 = arith.select %and3A_132, %sub3A_135, %div3A_108 : vector<16xi1>, vector<16xi32>
    %jit3A_137 = arith.constant 8 : i32
    %eq3A_138 = arith.constant 0 : i32
    %eq3A_139 = arith.cmpi eq, %jit3A_137, %eq3A_138 : i32
    %jit3A_140 = arith.constant 1 : i32
    %select_n3A_141 = arith.select %eq3A_139, %jit3A_140, %jit3A_137 : i32
    %rem3A_142 = vector.broadcast %select_n3A_141 : i32 to vector<16xi32>
    %rem3A_143 = arith.remsi %add3A_105, %rem3A_142 : vector<16xi32>
    %ne3A_144 = arith.constant 0 : i32
    %ne3A_145 = vector.broadcast %ne3A_144 : i32 to vector<16xi32>
    %ne3A_146 = arith.cmpi ne, %rem3A_143, %ne3A_145 : vector<16xi32>
    %lt3A_147 = arith.constant 0 : i32
    %lt3A_148 = vector.broadcast %lt3A_147 : i32 to vector<16xi32>
    %lt3A_149 = arith.cmpi slt, %rem3A_143, %lt3A_148 : vector<16xi32>
    %lt3A_150 = arith.constant 0 : i32
    %lt3A_151 = arith.cmpi slt, %select_n3A_141, %lt3A_150 : i32
    %ne3A_152 = vector.broadcast %lt3A_151 : i1 to vector<16xi1>
    %ne3A_153 = vector.broadcast %ne3A_152 : vector<16xi1> to vector<16xi1>
    %ne3A_154 = arith.xori %lt3A_149, %ne3A_153 : vector<16xi1>
    %and3A_155 = arith.andi %ne3A_154, %ne3A_146 : vector<16xi1>
    %add3A_156 = vector.broadcast %select_n3A_141 : i32 to vector<16xi32>
    %add3A_157 = arith.addi %rem3A_143, %add3A_156 : vector<16xi32>
    %select_n3A_158 = arith.select %and3A_155, %add3A_157, %rem3A_143 : vector<16xi1>, vector<16xi32>
    %add3A_159 = arith.constant 48 : i32
    %add3A_160 = vector.broadcast %add3A_159 : i32 to vector<16xi32>
    %add3A_161 = arith.addi %iota3A, %add3A_160 : vector<16xi32>
    %jit3A_162 = arith.constant 8 : i32
    %div3A_163 = vector.broadcast %jit3A_162 : i32 to vector<16xi32>
    %div3A_164 = arith.divsi %add3A_161, %div3A_163 : vector<16xi32>
    %sign3A_165 = arith.constant 0 : i32
    %sign3A_166 = vector.broadcast %sign3A_165 : i32 to vector<16xi32>
    %sign3A_167 = arith.cmpi sgt, %add3A_161, %sign3A_166 : vector<16xi32>
    %sign3A_168 = arith.extui %sign3A_167 : vector<16xi1> to vector<16xi32>
    %sign3A_169 = arith.constant 0 : i32
    %sign3A_170 = vector.broadcast %sign3A_169 : i32 to vector<16xi32>
    %sign3A_171 = arith.cmpi slt, %add3A_161, %sign3A_170 : vector<16xi32>
    %sign3A_172 = arith.extui %sign3A_171 : vector<16xi1> to vector<16xi32>
    %sign3A_173 = arith.subi %sign3A_168, %sign3A_172 : vector<16xi32>
    %sign3A_174 = arith.constant 0 : i32
    %sign3A_175 = arith.cmpi sgt, %jit3A_162, %sign3A_174 : i32
    %sign3A_176 = arith.extui %sign3A_175 : i1 to i32
    %sign3A_177 = arith.constant 0 : i32
    %sign3A_178 = arith.cmpi slt, %jit3A_162, %sign3A_177 : i32
    %sign3A_179 = arith.extui %sign3A_178 : i1 to i32
    %sign3A_180 = arith.subi %sign3A_176, %sign3A_179 : i32
    %ne3A_181 = vector.broadcast %sign3A_180 : i32 to vector<16xi32>
    %ne3A_182 = arith.cmpi ne, %sign3A_173, %ne3A_181 : vector<16xi32>
    %rem3A_183 = vector.broadcast %jit3A_162 : i32 to vector<16xi32>
    %rem3A_184 = arith.remsi %add3A_161, %rem3A_183 : vector<16xi32>
    %ne3A_185 = arith.constant 0 : i32
    %ne3A_186 = vector.broadcast %ne3A_185 : i32 to vector<16xi32>
    %ne3A_187 = arith.cmpi ne, %rem3A_184, %ne3A_186 : vector<16xi32>
    %and3A_188 = arith.andi %ne3A_182, %ne3A_187 : vector<16xi1>
    %sub3A_189 = arith.constant 1 : i32
    %sub3A_190 = vector.broadcast %sub3A_189 : i32 to vector<16xi32>
    %sub3A_191 = arith.subi %div3A_164, %sub3A_190 : vector<16xi32>
    %select_n3A_192 = arith.select %and3A_188, %sub3A_191, %div3A_164 : vector<16xi1>, vector<16xi32>
    %jit3A_193 = arith.constant 8 : i32
    %eq3A_194 = arith.constant 0 : i32
    %eq3A_195 = arith.cmpi eq, %jit3A_193, %eq3A_194 : i32
    %jit3A_196 = arith.constant 1 : i32
    %select_n3A_197 = arith.select %eq3A_195, %jit3A_196, %jit3A_193 : i32
    %rem3A_198 = vector.broadcast %select_n3A_197 : i32 to vector<16xi32>
    %rem3A_199 = arith.remsi %add3A_161, %rem3A_198 : vector<16xi32>
    %ne3A_200 = arith.constant 0 : i32
    %ne3A_201 = vector.broadcast %ne3A_200 : i32 to vector<16xi32>
    %ne3A_202 = arith.cmpi ne, %rem3A_199, %ne3A_201 : vector<16xi32>
    %lt3A_203 = arith.constant 0 : i32
    %lt3A_204 = vector.broadcast %lt3A_203 : i32 to vector<16xi32>
    %lt3A_205 = arith.cmpi slt, %rem3A_199, %lt3A_204 : vector<16xi32>
    %lt3A_206 = arith.constant 0 : i32
    %lt3A_207 = arith.cmpi slt, %select_n3A_197, %lt3A_206 : i32
    %ne3A_208 = vector.broadcast %lt3A_207 : i1 to vector<16xi1>
    %ne3A_209 = vector.broadcast %ne3A_208 : vector<16xi1> to vector<16xi1>
    %ne3A_210 = arith.xori %lt3A_205, %ne3A_209 : vector<16xi1>
    %and3A_211 = arith.andi %ne3A_210, %ne3A_202 : vector<16xi1>
    %add3A_212 = vector.broadcast %select_n3A_197 : i32 to vector<16xi32>
    %add3A_213 = arith.addi %rem3A_199, %add3A_212 : vector<16xi32>
    %select_n3A_214 = arith.select %and3A_211, %add3A_213, %rem3A_199 : vector<16xi1>, vector<16xi32>
    %dma_start3A = arith.constant 0 : i32
    %dma_start3A_215 = arith.constant 0 : i32
    %dma_start3A_216 = tpu.memref_slice %arg5[%dma_start3A, %dma_start3A_215] : memref<50x128xi32, #tpu.memory_space<vmem>> -> memref<1x128xi32, #tpu.memory_space<vmem>>
    %dma_start3A_217 = tpu.memref_squeeze %dma_start3A_216 : memref<1x128xi32, #tpu.memory_space<vmem>> -> memref<128xi32, #tpu.memory_space<vmem>>
    %dma_start3A_218 = arith.constant 0 : i32
    %dma_start3A_219 = arith.constant 0 : i32
    %dma_start3A_220 = tpu.memref_slice %arg3[%dma_start3A_218, %dma_start3A_219] : memref<100000x64xf32, #tpu.memory_space<hbm>> -> memref<100000x64xf32, #tpu.memory_space<hbm>>
    tpu.enqueue_indirect_dma source(%dma_start3A_220 : memref<100000x64xf32, #tpu.memory_space<hbm>>) target(%arg6 : memref<128x64xf32, #tpu.memory_space<vmem>>) offsets(%dma_start3A_217 : memref<128xi32, #tpu.memory_space<vmem>>) semaphore(%arg10 : memref<!tpu.dma_semaphore, #tpu.memory_space<semaphore_mem>>)
    %scan3A = arith.constant 0 : i32
    %scan3A_221 = arith.constant 0 : i32
    %scan3A_222 = arith.constant 25 : i32
    %scan3A_223 = arith.addi %scan3A_221, %scan3A_222 : i32
    %scan3A_224 = arith.constant 1 : i32
    %scan3A_225 = scf.for %scan3A_266 = %scan3A_221 to %scan3A_223 step %scan3A_224 iter_args(%scan3A_267 = %scan3A) -> (i32)  : i32 {
      %mul3A_268 = arith.constant 2 : i32
      %mul3A_269 = arith.muli %scan3A_266, %mul3A_268 : i32
      %add3A_270 = arith.constant 0 : i32
      %add3A_271 = arith.addi %mul3A_269, %add3A_270 : i32
      %dma_wait3A_272 = arith.constant 0 : i32
      %dma_wait3A_273 = tpu.memref_slice %arg5[%add3A_271, %dma_wait3A_272] : memref<50x128xi32, #tpu.memory_space<vmem>> -> memref<1x128xi32, #tpu.memory_space<vmem>>
      %dma_wait3A_274 = tpu.memref_squeeze %dma_wait3A_273 : memref<1x128xi32, #tpu.memory_space<vmem>> -> memref<128xi32, #tpu.memory_space<vmem>>
      %dma_wait3A_275 = arith.constant 0 : i32
      %dma_wait3A_276 = arith.constant 0 : i32
      %dma_wait3A_277 = tpu.memref_slice %arg3[%dma_wait3A_275, %dma_wait3A_276] : memref<100000x64xf32, #tpu.memory_space<hbm>> -> memref<100000x64xf32, #tpu.memory_space<hbm>>
      tpu.wait_indirect_dma semaphore(%arg10 : memref<!tpu.dma_semaphore, #tpu.memory_space<semaphore_mem>>) src(%dma_wait3A_277 : memref<100000x64xf32, #tpu.memory_space<hbm>>) dst(%arg6 : memref<128x64xf32, #tpu.memory_space<vmem>>)
      %add3A_278 = arith.constant 1 : i32
      %add3A_279 = arith.addi %add3A_271, %add3A_278 : i32
      %lt3A_280 = arith.constant 50 : i32
      %lt3A_281 = arith.cmpi slt, %add3A_279, %lt3A_280 : i32
      %convert_element_type3A = arith.extui %lt3A_281 : i1 to i32
      %cond3A = arith.constant 0 : i32
      %cond3A_282 = arith.cmpi ne, %convert_element_type3A, %cond3A : i32
      scf.if %cond3A_282 {
        %add3A_437 = arith.constant 1 : i32
        %add3A_438 = arith.addi %add3A_271, %add3A_437 : i32
        %dma_start3A_439 = arith.constant 0 : i32
        %dma_start3A_440 = tpu.memref_slice %arg5[%add3A_438, %dma_start3A_439] : memref<50x128xi32, #tpu.memory_space<vmem>> -> memref<1x128xi32, #tpu.memory_space<vmem>>
        %dma_start3A_441 = tpu.memref_squeeze %dma_start3A_440 : memref<1x128xi32, #tpu.memory_space<vmem>> -> memref<128xi32, #tpu.memory_space<vmem>>
        %dma_start3A_442 = arith.constant 0 : i32
        %dma_start3A_443 = arith.constant 0 : i32
        %dma_start3A_444 = tpu.memref_slice %arg3[%dma_start3A_442, %dma_start3A_443] : memref<100000x64xf32, #tpu.memory_space<hbm>> -> memref<100000x64xf32, #tpu.memory_space<hbm>>
        tpu.enqueue_indirect_dma source(%dma_start3A_444 : memref<100000x64xf32, #tpu.memory_space<hbm>>) target(%arg7 : memref<128x64xf32, #tpu.memory_space<vmem>>) offsets(%dma_start3A_441 : memref<128xi32, #tpu.memory_space<vmem>>) semaphore(%arg11 : memref<!tpu.dma_semaphore, #tpu.memory_space<semaphore_mem>>)
      } else {
      }
      %mul3A_283 = arith.constant 50 : i32
      %mul3A_284 = arith.muli %add3A, %mul3A_283 : i32
      %add3A_285 = arith.addi %mul3A_284, %add3A_271 : i32
      %jit3A_286 = arith.constant 32 : i32
      %div3A_287 = arith.divsi %add3A_285, %jit3A_286 : i32
      %sign3A_288 = arith.constant 0 : i32
      %sign3A_289 = arith.cmpi sgt, %add3A_285, %sign3A_288 : i32
      %sign3A_290 = arith.extui %sign3A_289 : i1 to i32
      %sign3A_291 = arith.constant 0 : i32
      %sign3A_292 = arith.cmpi slt, %add3A_285, %sign3A_291 : i32
      %sign3A_293 = arith.extui %sign3A_292 : i1 to i32
      %sign3A_294 = arith.subi %sign3A_290, %sign3A_293 : i32
      %sign3A_295 = arith.constant 0 : i32
      %sign3A_296 = arith.cmpi sgt, %jit3A_286, %sign3A_295 : i32
      %sign3A_297 = arith.extui %sign3A_296 : i1 to i32
      %sign3A_298 = arith.constant 0 : i32
      %sign3A_299 = arith.cmpi slt, %jit3A_286, %sign3A_298 : i32
      %sign3A_300 = arith.extui %sign3A_299 : i1 to i32
      %sign3A_301 = arith.subi %sign3A_297, %sign3A_300 : i32
      %ne3A_302 = arith.cmpi ne, %sign3A_294, %sign3A_301 : i32
      %rem3A_303 = arith.remsi %add3A_285, %jit3A_286 : i32
      %ne3A_304 = arith.constant 0 : i32
      %ne3A_305 = arith.cmpi ne, %rem3A_303, %ne3A_304 : i32
      %and3A_306 = arith.andi %ne3A_302, %ne3A_305 : i1
      %sub3A_307 = arith.constant 1 : i32
      %sub3A_308 = arith.subi %div3A_287, %sub3A_307 : i32
      %select_n3A_309 = arith.select %and3A_306, %sub3A_308, %div3A_287 : i32
      %jit3A_310 = arith.constant 32 : i32
      %eq3A_311 = arith.constant 0 : i32
      %eq3A_312 = arith.cmpi eq, %jit3A_310, %eq3A_311 : i32
      %jit3A_313 = arith.constant 1 : i32
      %select_n3A_314 = arith.select %eq3A_312, %jit3A_313, %jit3A_310 : i32
      %rem3A_315 = arith.remsi %add3A_285, %select_n3A_314 : i32
      %ne3A_316 = arith.constant 0 : i32
      %ne3A_317 = arith.cmpi ne, %rem3A_315, %ne3A_316 : i32
      %lt3A_318 = arith.constant 0 : i32
      %lt3A_319 = arith.cmpi slt, %rem3A_315, %lt3A_318 : i32
      %lt3A_320 = arith.constant 0 : i32
      %lt3A_321 = arith.cmpi slt, %select_n3A_314, %lt3A_320 : i32
      %ne3A_322 = arith.xori %lt3A_319, %lt3A_321 : i1
      %and3A_323 = arith.andi %ne3A_322, %ne3A_317 : i1
      %add3A_324 = arith.addi %rem3A_315, %select_n3A_314 : i32
      %select_n3A_325 = arith.select %and3A_323, %add3A_324, %rem3A_315 : i32
      %ge3A = arith.constant 2 : i32
      %ge3A_326 = arith.cmpi sge, %add3A_271, %ge3A : i32
      %convert_element_type3A_327 = arith.extui %ge3A_326 : i1 to i32
      %cond3A_328 = arith.constant 0 : i32
      %cond3A_329 = arith.cmpi ne, %convert_element_type3A_327, %cond3A_328 : i32
      scf.if %cond3A_329 {
        %dma_wait3A_437 = arith.constant 0 : i32
        %dma_wait3A_438 = arith.constant 0 : i32
        %dma_wait3A_439 = arith.constant 0 : i32
        %dma_wait3A_440 = tpu.memref_slice %arg8[%dma_wait3A_437, %dma_wait3A_438, %dma_wait3A_439] : memref<8x8x129xf32, #tpu.memory_space<vmem>> -> memref<8x8x128xf32, #tpu.memory_space<vmem>>
        %dma_wait3A_441 = arith.constant 0 : i32
        %dma_wait3A_442 = arith.constant 0 : i32
        %dma_wait3A_443 = arith.constant 0 : i32
        %dma_wait3A_444 = tpu.memref_slice %arg4[%select_n3A_309, %dma_wait3A_441, %select_n3A_325, %dma_wait3A_442, %dma_wait3A_443] : memref<50x8x32x8x128xf32, #tpu.memory_space<hbm>> -> memref<1x8x1x8x128xf32, #tpu.memory_space<hbm>>
        %dma_wait3A_445 = tpu.memref_squeeze %dma_wait3A_444 : memref<1x8x1x8x128xf32, #tpu.memory_space<hbm>> -> memref<8x8x128xf32, #tpu.memory_space<hbm>>
        %dma_wait3A_446 = arith.constant 0 : i32
        %dma_wait3A_447 = arith.constant 0 : i32
        %dma_wait3A_448 = arith.constant 0 : i32
        %dma_wait3A_449 = tpu.memref_slice %arg4[%select_n3A_309, %dma_wait3A_446, %select_n3A_325, %dma_wait3A_447, %dma_wait3A_448] : memref<50x8x32x8x128xf32, #tpu.memory_space<hbm>> -> memref<1x8x1x8x128xf32, #tpu.memory_space<hbm>>
        %dma_wait3A_450 = tpu.memref_squeeze %dma_wait3A_449 : memref<1x8x1x8x128xf32, #tpu.memory_space<hbm>> -> memref<8x8x128xf32, #tpu.memory_space<hbm>>
        %dma_wait3A_451 = arith.constant 0 : i32
        %dma_wait3A_452 = arith.constant 0 : i32
        %dma_wait3A_453 = arith.constant 0 : i32
        %dma_wait3A_454 = tpu.memref_slice %arg8[%dma_wait3A_451, %dma_wait3A_452, %dma_wait3A_453] : memref<8x8x129xf32, #tpu.memory_space<vmem>> -> memref<8x8x128xf32, #tpu.memory_space<vmem>>
        tpu.wait_dma2 semaphore(%arg12 : memref<!tpu.dma_semaphore, #tpu.memory_space<semaphore_mem>>) src(%dma_wait3A_454 : memref<8x8x128xf32, #tpu.memory_space<vmem>>) dst(%dma_wait3A_450 : memref<8x8x128xf32, #tpu.memory_space<hbm>>)
      } else {
      }
      %parallel_loop3A = arith.constant 0 : i32
      %parallel_loop3A_330 = arith.constant 128 : i32
      %parallel_loop3A_331 = arith.constant 1 : i32
      scf.for %parallel_loop3A_437 = %parallel_loop3A to %parallel_loop3A_330 step %parallel_loop3A_331  : i32 {
        %parallel_loop3A_438 = arith.constant 0 : i32
        %parallel_loop3A_439 = vector.broadcast %parallel_loop3A_438 : i32 to vector<16xi32>
        %parallel_loop3A_440 = vector.broadcast %parallel_loop3A_437 : i32 to vector<16xi32>
        %parallel_loop3A_441 = arith.addi %parallel_loop3A_439, %parallel_loop3A_440 : vector<16xi32>
        %parallel_loop3A_442 = arith.index_cast %parallel_loop3A_437 : i32 to index
        %parallel_loop3A_443 = arith.constant 0 : index
        %parallel_loop3A_444 = tpu.vector_load %arg6[%parallel_loop3A_442, %parallel_loop3A_443] {strides = array<i32>} : memref<128x64xf32, #tpu.memory_space<vmem>>, vector<16xf32>,
        tpu.vector_store_idx %arg8[%select_n3A, %select_n3A_46, %parallel_loop3A_441], %parallel_loop3A_444 : memref<8x8x129xf32, #tpu.memory_space<vmem>>[vector<16xi32>, vector<16xi32>, vector<16xi32>], vector<16xf32>,
        %parallel_loop3A_445 = arith.index_cast %parallel_loop3A_437 : i32 to index
        %parallel_loop3A_446 = arith.constant 16 : index
        %parallel_loop3A_447 = tpu.vector_load %arg6[%parallel_loop3A_445, %parallel_loop3A_446] {strides = array<i32>} : memref<128x64xf32, #tpu.memory_space<vmem>>, vector<16xf32>,
        tpu.vector_store_idx %arg8[%select_n3A_80, %select_n3A_102, %parallel_loop3A_441], %parallel_loop3A_447 : memref<8x8x129xf32, #tpu.memory_space<vmem>>[vector<16xi32>, vector<16xi32>, vector<16xi32>], vector<16xf32>,
        %parallel_loop3A_448 = arith.index_cast %parallel_loop3A_437 : i32 to index
        %parallel_loop3A_449 = arith.constant 32 : index
        %parallel_loop3A_450 = tpu.vector_load %arg6[%parallel_loop3A_448, %parallel_loop3A_449] {strides = array<i32>} : memref<128x64xf32, #tpu.memory_space<vmem>>, vector<16xf32>,
        tpu.vector_store_idx %arg8[%select_n3A_136, %select_n3A_158, %parallel_loop3A_441], %parallel_loop3A_450 : memref<8x8x129xf32, #tpu.memory_space<vmem>>[vector<16xi32>, vector<16xi32>, vector<16xi32>], vector<16xf32>,
        %parallel_loop3A_451 = arith.index_cast %parallel_loop3A_437 : i32 to index
        %parallel_loop3A_452 = arith.constant 48 : index
        %parallel_loop3A_453 = tpu.vector_load %arg6[%parallel_loop3A_451, %parallel_loop3A_452] {strides = array<i32>} : memref<128x64xf32, #tpu.memory_space<vmem>>, vector<16xf32>,
        tpu.vector_store_idx %arg8[%select_n3A_192, %select_n3A_214, %parallel_loop3A_441], %parallel_loop3A_453 : memref<8x8x129xf32, #tpu.memory_space<vmem>>[vector<16xi32>, vector<16xi32>, vector<16xi32>], vector<16xf32>,
      } {sc.loop_unroll_factor = 8 : i64, sc.parallel_access}
      %dma_start3A_332 = arith.constant 0 : i32
      %dma_start3A_333 = arith.constant 0 : i32
      %dma_start3A_334 = arith.constant 0 : i32
      %dma_start3A_335 = tpu.memref_slice %arg8[%dma_start3A_332, %dma_start3A_333, %dma_start3A_334] : memref<8x8x129xf32, #tpu.memory_space<vmem>> -> memref<8x8x128xf32, #tpu.memory_space<vmem>>
      %dma_start3A_336 = arith.constant 0 : i32
      %dma_start3A_337 = arith.constant 0 : i32
      %dma_start3A_338 = arith.constant 0 : i32
      %dma_start3A_339 = tpu.memref_slice %arg4[%select_n3A_309, %dma_start3A_336, %select_n3A_325, %dma_start3A_337, %dma_start3A_338] : memref<50x8x32x8x128xf32, #tpu.memory_space<hbm>> -> memref<1x8x1x8x128xf32, #tpu.memory_space<hbm>>
      %dma_start3A_340 = tpu.memref_squeeze %dma_start3A_339 : memref<1x8x1x8x128xf32, #tpu.memory_space<hbm>> -> memref<8x8x128xf32, #tpu.memory_space<hbm>>
      %dma_start3A_341 = arith.constant 0 : i32
      %dma_start3A_342 = arith.constant 0 : i32
      %dma_start3A_343 = arith.constant 0 : i32
      %dma_start3A_344 = tpu.memref_slice %arg4[%select_n3A_309, %dma_start3A_341, %select_n3A_325, %dma_start3A_342, %dma_start3A_343] : memref<50x8x32x8x128xf32, #tpu.memory_space<hbm>> -> memref<1x8x1x8x128xf32, #tpu.memory_space<hbm>>
      %dma_start3A_345 = tpu.memref_squeeze %dma_start3A_344 : memref<1x8x1x8x128xf32, #tpu.memory_space<hbm>> -> memref<8x8x128xf32, #tpu.memory_space<hbm>>
      %dma_start3A_346 = arith.constant 0 : i32
      %dma_start3A_347 = arith.constant 0 : i32
      %dma_start3A_348 = arith.constant 0 : i32
      %dma_start3A_349 = tpu.memref_slice %arg8[%dma_start3A_346, %dma_start3A_347, %dma_start3A_348] : memref<8x8x129xf32, #tpu.memory_space<vmem>> -> memref<8x8x128xf32, #tpu.memory_space<vmem>>
      tpu.enqueue_dma source(%dma_start3A_349 : memref<8x8x128xf32, #tpu.memory_space<vmem>>) target(%dma_start3A_345 : memref<8x8x128xf32, #tpu.memory_space<hbm>>) target_semaphore(%arg12 : memref<!tpu.dma_semaphore, #tpu.memory_space<semaphore_mem>>)
      %mul3A_350 = arith.constant 2 : i32
      %mul3A_351 = arith.muli %scan3A_266, %mul3A_350 : i32
      %add3A_352 = arith.constant 1 : i32
      %add3A_353 = arith.addi %mul3A_351, %add3A_352 : i32
      %dma_wait3A_354 = arith.constant 0 : i32
      %dma_wait3A_355 = tpu.memref_slice %arg5[%add3A_353, %dma_wait3A_354] : memref<50x128xi32, #tpu.memory_space<vmem>> -> memref<1x128xi32, #tpu.memory_space<vmem>>
      %dma_wait3A_356 = tpu.memref_squeeze %dma_wait3A_355 : memref<1x128xi32, #tpu.memory_space<vmem>> -> memref<128xi32, #tpu.memory_space<vmem>>
      %dma_wait3A_357 = arith.constant 0 : i32
      %dma_wait3A_358 = arith.constant 0 : i32
      %dma_wait3A_359 = tpu.memref_slice %arg3[%dma_wait3A_357, %dma_wait3A_358] : memref<100000x64xf32, #tpu.memory_space<hbm>> -> memref<100000x64xf32, #tpu.memory_space<hbm>>
      tpu.wait_indirect_dma semaphore(%arg11 : memref<!tpu.dma_semaphore, #tpu.memory_space<semaphore_mem>>) src(%dma_wait3A_359 : memref<100000x64xf32, #tpu.memory_space<hbm>>) dst(%arg7 : memref<128x64xf32, #tpu.memory_space<vmem>>)
      %add3A_360 = arith.constant 1 : i32
      %add3A_361 = arith.addi %add3A_353, %add3A_360 : i32
      %lt3A_362 = arith.constant 50 : i32
      %lt3A_363 = arith.cmpi slt, %add3A_361, %lt3A_362 : i32
      %convert_element_type3A_364 = arith.extui %lt3A_363 : i1 to i32
      %cond3A_365 = arith.constant 0 : i32
      %cond3A_366 = arith.cmpi ne, %convert_element_type3A_364, %cond3A_365 : i32
      scf.if %cond3A_366 {
        %add3A_437 = arith.constant 1 : i32
        %add3A_438 = arith.addi %add3A_353, %add3A_437 : i32
        %dma_start3A_439 = arith.constant 0 : i32
        %dma_start3A_440 = tpu.memref_slice %arg5[%add3A_438, %dma_start3A_439] : memref<50x128xi32, #tpu.memory_space<vmem>> -> memref<1x128xi32, #tpu.memory_space<vmem>>
        %dma_start3A_441 = tpu.memref_squeeze %dma_start3A_440 : memref<1x128xi32, #tpu.memory_space<vmem>> -> memref<128xi32, #tpu.memory_space<vmem>>
        %dma_start3A_442 = arith.constant 0 : i32
        %dma_start3A_443 = arith.constant 0 : i32
        %dma_start3A_444 = tpu.memref_slice %arg3[%dma_start3A_442, %dma_start3A_443] : memref<100000x64xf32, #tpu.memory_space<hbm>> -> memref<100000x64xf32, #tpu.memory_space<hbm>>
        tpu.enqueue_indirect_dma source(%dma_start3A_444 : memref<100000x64xf32, #tpu.memory_space<hbm>>) target(%arg6 : memref<128x64xf32, #tpu.memory_space<vmem>>) offsets(%dma_start3A_441 : memref<128xi32, #tpu.memory_space<vmem>>) semaphore(%arg10 : memref<!tpu.dma_semaphore, #tpu.memory_space<semaphore_mem>>)
      } else {
      }
      %mul3A_367 = arith.constant 50 : i32
      %mul3A_368 = arith.muli %add3A, %mul3A_367 : i32
      %add3A_369 = arith.addi %mul3A_368, %add3A_353 : i32
      %jit3A_370 = arith.constant 32 : i32
      %div3A_371 = arith.divsi %add3A_369, %jit3A_370 : i32
      %sign3A_372 = arith.constant 0 : i32
      %sign3A_373 = arith.cmpi sgt, %add3A_369, %sign3A_372 : i32
      %sign3A_374 = arith.extui %sign3A_373 : i1 to i32
      %sign3A_375 = arith.constant 0 : i32
      %sign3A_376 = arith.cmpi slt, %add3A_369, %sign3A_375 : i32
      %sign3A_377 = arith.extui %sign3A_376 : i1 to i32
      %sign3A_378 = arith.subi %sign3A_374, %sign3A_377 : i32
      %sign3A_379 = arith.constant 0 : i32
      %sign3A_380 = arith.cmpi sgt, %jit3A_370, %sign3A_379 : i32
      %sign3A_381 = arith.extui %sign3A_380 : i1 to i32
      %sign3A_382 = arith.constant 0 : i32
      %sign3A_383 = arith.cmpi slt, %jit3A_370, %sign3A_382 : i32
      %sign3A_384 = arith.extui %sign3A_383 : i1 to i32
      %sign3A_385 = arith.subi %sign3A_381, %sign3A_384 : i32
      %ne3A_386 = arith.cmpi ne, %sign3A_378, %sign3A_385 : i32
      %rem3A_387 = arith.remsi %add3A_369, %jit3A_370 : i32
      %ne3A_388 = arith.constant 0 : i32
      %ne3A_389 = arith.cmpi ne, %rem3A_387, %ne3A_388 : i32
      %and3A_390 = arith.andi %ne3A_386, %ne3A_389 : i1
      %sub3A_391 = arith.constant 1 : i32
      %sub3A_392 = arith.subi %div3A_371, %sub3A_391 : i32
      %select_n3A_393 = arith.select %and3A_390, %sub3A_392, %div3A_371 : i32
      %jit3A_394 = arith.constant 32 : i32
      %eq3A_395 = arith.constant 0 : i32
      %eq3A_396 = arith.cmpi eq, %jit3A_394, %eq3A_395 : i32
      %jit3A_397 = arith.constant 1 : i32
      %select_n3A_398 = arith.select %eq3A_396, %jit3A_397, %jit3A_394 : i32
      %rem3A_399 = arith.remsi %add3A_369, %select_n3A_398 : i32
      %ne3A_400 = arith.constant 0 : i32
      %ne3A_401 = arith.cmpi ne, %rem3A_399, %ne3A_400 : i32
      %lt3A_402 = arith.constant 0 : i32
      %lt3A_403 = arith.cmpi slt, %rem3A_399, %lt3A_402 : i32
      %lt3A_404 = arith.constant 0 : i32
      %lt3A_405 = arith.cmpi slt, %select_n3A_398, %lt3A_404 : i32
      %ne3A_406 = arith.xori %lt3A_403, %lt3A_405 : i1
      %and3A_407 = arith.andi %ne3A_406, %ne3A_401 : i1
      %add3A_408 = arith.addi %rem3A_399, %select_n3A_398 : i32
      %select_n3A_409 = arith.select %and3A_407, %add3A_408, %rem3A_399 : i32
      %ge3A_410 = arith.constant 2 : i32
      %ge3A_411 = arith.cmpi sge, %add3A_353, %ge3A_410 : i32
      %convert_element_type3A_412 = arith.extui %ge3A_411 : i1 to i32
      %cond3A_413 = arith.constant 0 : i32
      %cond3A_414 = arith.cmpi ne, %convert_element_type3A_412, %cond3A_413 : i32
      scf.if %cond3A_414 {
        %dma_wait3A_437 = arith.constant 0 : i32
        %dma_wait3A_438 = arith.constant 0 : i32
        %dma_wait3A_439 = arith.constant 0 : i32
        %dma_wait3A_440 = tpu.memref_slice %arg9[%dma_wait3A_437, %dma_wait3A_438, %dma_wait3A_439] : memref<8x8x129xf32, #tpu.memory_space<vmem>> -> memref<8x8x128xf32, #tpu.memory_space<vmem>>
        %dma_wait3A_441 = arith.constant 0 : i32
        %dma_wait3A_442 = arith.constant 0 : i32
        %dma_wait3A_443 = arith.constant 0 : i32
        %dma_wait3A_444 = tpu.memref_slice %arg4[%select_n3A_393, %dma_wait3A_441, %select_n3A_409, %dma_wait3A_442, %dma_wait3A_443] : memref<50x8x32x8x128xf32, #tpu.memory_space<hbm>> -> memref<1x8x1x8x128xf32, #tpu.memory_space<hbm>>
        %dma_wait3A_445 = tpu.memref_squeeze %dma_wait3A_444 : memref<1x8x1x8x128xf32, #tpu.memory_space<hbm>> -> memref<8x8x128xf32, #tpu.memory_space<hbm>>
        %dma_wait3A_446 = arith.constant 0 : i32
        %dma_wait3A_447 = arith.constant 0 : i32
        %dma_wait3A_448 = arith.constant 0 : i32
        %dma_wait3A_449 = tpu.memref_slice %arg4[%select_n3A_393, %dma_wait3A_446, %select_n3A_409, %dma_wait3A_447, %dma_wait3A_448] : memref<50x8x32x8x128xf32, #tpu.memory_space<hbm>> -> memref<1x8x1x8x128xf32, #tpu.memory_space<hbm>>
        %dma_wait3A_450 = tpu.memref_squeeze %dma_wait3A_449 : memref<1x8x1x8x128xf32, #tpu.memory_space<hbm>> -> memref<8x8x128xf32, #tpu.memory_space<hbm>>
        %dma_wait3A_451 = arith.constant 0 : i32
        %dma_wait3A_452 = arith.constant 0 : i32
        %dma_wait3A_453 = arith.constant 0 : i32
        %dma_wait3A_454 = tpu.memref_slice %arg9[%dma_wait3A_451, %dma_wait3A_452, %dma_wait3A_453] : memref<8x8x129xf32, #tpu.memory_space<vmem>> -> memref<8x8x128xf32, #tpu.memory_space<vmem>>
        tpu.wait_dma2 semaphore(%arg13 : memref<!tpu.dma_semaphore, #tpu.memory_space<semaphore_mem>>) src(%dma_wait3A_454 : memref<8x8x128xf32, #tpu.memory_space<vmem>>) dst(%dma_wait3A_450 : memref<8x8x128xf32, #tpu.memory_space<hbm>>)
      } else {
      }
      %parallel_loop3A_415 = arith.constant 0 : i32
      %parallel_loop3A_416 = arith.constant 128 : i32
      %parallel_loop3A_417 = arith.constant 1 : i32
      scf.for %parallel_loop3A_437 = %parallel_loop3A_415 to %parallel_loop3A_416 step %parallel_loop3A_417  : i32 {
        %parallel_loop3A_438 = arith.constant 0 : i32
        %parallel_loop3A_439 = vector.broadcast %parallel_loop3A_438 : i32 to vector<16xi32>
        %parallel_loop3A_440 = vector.broadcast %parallel_loop3A_437 : i32 to vector<16xi32>
        %parallel_loop3A_441 = arith.addi %parallel_loop3A_439, %parallel_loop3A_440 : vector<16xi32>
        %parallel_loop3A_442 = arith.index_cast %parallel_loop3A_437 : i32 to index
        %parallel_loop3A_443 = arith.constant 0 : index
        %parallel_loop3A_444 = tpu.vector_load %arg7[%parallel_loop3A_442, %parallel_loop3A_443] {strides = array<i32>} : memref<128x64xf32, #tpu.memory_space<vmem>>, vector<16xf32>,
        tpu.vector_store_idx %arg9[%select_n3A, %select_n3A_46, %parallel_loop3A_441], %parallel_loop3A_444 : memref<8x8x129xf32, #tpu.memory_space<vmem>>[vector<16xi32>, vector<16xi32>, vector<16xi32>], vector<16xf32>,
        %parallel_loop3A_445 = arith.index_cast %parallel_loop3A_437 : i32 to index
        %parallel_loop3A_446 = arith.constant 16 : index
        %parallel_loop3A_447 = tpu.vector_load %arg7[%parallel_loop3A_445, %parallel_loop3A_446] {strides = array<i32>} : memref<128x64xf32, #tpu.memory_space<vmem>>, vector<16xf32>,
        tpu.vector_store_idx %arg9[%select_n3A_80, %select_n3A_102, %parallel_loop3A_441], %parallel_loop3A_447 : memref<8x8x129xf32, #tpu.memory_space<vmem>>[vector<16xi32>, vector<16xi32>, vector<16xi32>], vector<16xf32>,
        %parallel_loop3A_448 = arith.index_cast %parallel_loop3A_437 : i32 to index
        %parallel_loop3A_449 = arith.constant 32 : index
        %parallel_loop3A_450 = tpu.vector_load %arg7[%parallel_loop3A_448, %parallel_loop3A_449] {strides = array<i32>} : memref<128x64xf32, #tpu.memory_space<vmem>>, vector<16xf32>,
        tpu.vector_store_idx %arg9[%select_n3A_136, %select_n3A_158, %parallel_loop3A_441], %parallel_loop3A_450 : memref<8x8x129xf32, #tpu.memory_space<vmem>>[vector<16xi32>, vector<16xi32>, vector<16xi32>], vector<16xf32>,
        %parallel_loop3A_451 = arith.index_cast %parallel_loop3A_437 : i32 to index
        %parallel_loop3A_452 = arith.constant 48 : index
        %parallel_loop3A_453 = tpu.vector_load %arg7[%parallel_loop3A_451, %parallel_loop3A_452] {strides = array<i32>} : memref<128x64xf32, #tpu.memory_space<vmem>>, vector<16xf32>,
        tpu.vector_store_idx %arg9[%select_n3A_192, %select_n3A_214, %parallel_loop3A_441], %parallel_loop3A_453 : memref<8x8x129xf32, #tpu.memory_space<vmem>>[vector<16xi32>, vector<16xi32>, vector<16xi32>], vector<16xf32>,
      } {sc.loop_unroll_factor = 8 : i64, sc.parallel_access}
      %dma_start3A_418 = arith.constant 0 : i32
      %dma_start3A_419 = arith.constant 0 : i32
      %dma_start3A_420 = arith.constant 0 : i32
      %dma_start3A_421 = tpu.memref_slice %arg9[%dma_start3A_418, %dma_start3A_419, %dma_start3A_420] : memref<8x8x129xf32, #tpu.memory_space<vmem>> -> memref<8x8x128xf32, #tpu.memory_space<vmem>>
      %dma_start3A_422 = arith.constant 0 : i32
      %dma_start3A_423 = arith.constant 0 : i32
      %dma_start3A_424 = arith.constant 0 : i32
      %dma_start3A_425 = tpu.memref_slice %arg4[%select_n3A_393, %dma_start3A_422, %select_n3A_409, %dma_start3A_423, %dma_start3A_424] : memref<50x8x32x8x128xf32, #tpu.memory_space<hbm>> -> memref<1x8x1x8x128xf32, #tpu.memory_space<hbm>>
      %dma_start3A_426 = tpu.memref_squeeze %dma_start3A_425 : memref<1x8x1x8x128xf32, #tpu.memory_space<hbm>> -> memref<8x8x128xf32, #tpu.memory_space<hbm>>
      %dma_start3A_427 = arith.constant 0 : i32
      %dma_start3A_428 = arith.constant 0 : i32
      %dma_start3A_429 = arith.constant 0 : i32
      %dma_start3A_430 = tpu.memref_slice %arg4[%select_n3A_393, %dma_start3A_427, %select_n3A_409, %dma_start3A_428, %dma_start3A_429] : memref<50x8x32x8x128xf32, #tpu.memory_space<hbm>> -> memref<1x8x1x8x128xf32, #tpu.memory_space<hbm>>
      %dma_start3A_431 = tpu.memref_squeeze %dma_start3A_430 : memref<1x8x1x8x128xf32, #tpu.memory_space<hbm>> -> memref<8x8x128xf32, #tpu.memory_space<hbm>>
      %dma_start3A_432 = arith.constant 0 : i32
      %dma_start3A_433 = arith.constant 0 : i32
      %dma_start3A_434 = arith.constant 0 : i32
      %dma_start3A_435 = tpu.memref_slice %arg9[%dma_start3A_432, %dma_start3A_433, %dma_start3A_434] : memref<8x8x129xf32, #tpu.memory_space<vmem>> -> memref<8x8x128xf32, #tpu.memory_space<vmem>>
      tpu.enqueue_dma source(%dma_start3A_435 : memref<8x8x128xf32, #tpu.memory_space<vmem>>) target(%dma_start3A_431 : memref<8x8x128xf32, #tpu.memory_space<hbm>>) target_semaphore(%arg13 : memref<!tpu.dma_semaphore, #tpu.memory_space<semaphore_mem>>)
      %scan3A_436 = arith.constant 0 : i32
      scf.yield %scan3A_436 : i32
    }
    %scan3A_226 = arith.constant 25 : i32
    %dma_wait3A = arith.constant 0 : i32
    %dma_wait3A_227 = arith.constant 0 : i32
    %dma_wait3A_228 = arith.constant 0 : i32
    %dma_wait3A_229 = arith.constant 0 : i32
    %dma_wait3A_230 = arith.constant 0 : i32
    %dma_wait3A_231 = tpu.memref_slice %arg8[%dma_wait3A_228, %dma_wait3A_229, %dma_wait3A_230] : memref<8x8x129xf32, #tpu.memory_space<vmem>> -> memref<8x8x128xf32, #tpu.memory_space<vmem>>
    %dma_wait3A_232 = arith.constant 0 : i32
    %dma_wait3A_233 = arith.constant 0 : i32
    %dma_wait3A_234 = arith.constant 0 : i32
    %dma_wait3A_235 = tpu.memref_slice %arg4[%dma_wait3A, %dma_wait3A_232, %dma_wait3A_227, %dma_wait3A_233, %dma_wait3A_234] : memref<50x8x32x8x128xf32, #tpu.memory_space<hbm>> -> memref<1x8x1x8x128xf32, #tpu.memory_space<hbm>>
    %dma_wait3A_236 = tpu.memref_squeeze %dma_wait3A_235 : memref<1x8x1x8x128xf32, #tpu.memory_space<hbm>> -> memref<8x8x128xf32, #tpu.memory_space<hbm>>
    %dma_wait3A_237 = arith.constant 0 : i32
    %dma_wait3A_238 = arith.constant 0 : i32
    %dma_wait3A_239 = arith.constant 0 : i32
    %dma_wait3A_240 = tpu.memref_slice %arg4[%dma_wait3A, %dma_wait3A_237, %dma_wait3A_227, %dma_wait3A_238, %dma_wait3A_239] : memref<50x8x32x8x128xf32, #tpu.memory_space<hbm>> -> memref<1x8x1x8x128xf32, #tpu.memory_space<hbm>>
    %dma_wait3A_241 = tpu.memref_squeeze %dma_wait3A_240 : memref<1x8x1x8x128xf32, #tpu.memory_space<hbm>> -> memref<8x8x128xf32, #tpu.memory_space<hbm>>
    %dma_wait3A_242 = arith.constant 0 : i32
    %dma_wait3A_243 = arith.constant 0 : i32
    %dma_wait3A_244 = arith.constant 0 : i32
    %dma_wait3A_245 = tpu.memref_slice %arg8[%dma_wait3A_242, %dma_wait3A_243, %dma_wait3A_244] : memref<8x8x129xf32, #tpu.memory_space<vmem>> -> memref<8x8x128xf32, #tpu.memory_space<vmem>>
    tpu.wait_dma2 semaphore(%arg12 : memref<!tpu.dma_semaphore, #tpu.memory_space<semaphore_mem>>) src(%dma_wait3A_245 : memref<8x8x128xf32, #tpu.memory_space<vmem>>) dst(%dma_wait3A_241 : memref<8x8x128xf32, #tpu.memory_space<hbm>>)
    %dma_wait3A_246 = arith.constant 0 : i32
    %dma_wait3A_247 = arith.constant 0 : i32
    %dma_wait3A_248 = arith.constant 0 : i32
    %dma_wait3A_249 = arith.constant 0 : i32
    %dma_wait3A_250 = arith.constant 0 : i32
    %dma_wait3A_251 = tpu.memref_slice %arg9[%dma_wait3A_248, %dma_wait3A_249, %dma_wait3A_250] : memref<8x8x129xf32, #tpu.memory_space<vmem>> -> memref<8x8x128xf32, #tpu.memory_space<vmem>>
    %dma_wait3A_252 = arith.constant 0 : i32
    %dma_wait3A_253 = arith.constant 0 : i32
    %dma_wait3A_254 = arith.constant 0 : i32
    %dma_wait3A_255 = tpu.memref_slice %arg4[%dma_wait3A_246, %dma_wait3A_252, %dma_wait3A_247, %dma_wait3A_253, %dma_wait3A_254] : memref<50x8x32x8x128xf32, #tpu.memory_space<hbm>> -> memref<1x8x1x8x128xf32, #tpu.memory_space<hbm>>
    %dma_wait3A_256 = tpu.memref_squeeze %dma_wait3A_255 : memref<1x8x1x8x128xf32, #tpu.memory_space<hbm>> -> memref<8x8x128xf32, #tpu.memory_space<hbm>>
    %dma_wait3A_257 = arith.constant 0 : i32
    %dma_wait3A_258 = arith.constant 0 : i32
    %dma_wait3A_259 = arith.constant 0 : i32
    %dma_wait3A_260 = tpu.memref_slice %arg4[%dma_wait3A_246, %dma_wait3A_257, %dma_wait3A_247, %dma_wait3A_258, %dma_wait3A_259] : memref<50x8x32x8x128xf32, #tpu.memory_space<hbm>> -> memref<1x8x1x8x128xf32, #tpu.memory_space<hbm>>
    %dma_wait3A_261 = tpu.memref_squeeze %dma_wait3A_260 : memref<1x8x1x8x128xf32, #tpu.memory_space<hbm>> -> memref<8x8x128xf32, #tpu.memory_space<hbm>>
    %dma_wait3A_262 = arith.constant 0 : i32
    %dma_wait3A_263 = arith.constant 0 : i32
    %dma_wait3A_264 = arith.constant 0 : i32
    %dma_wait3A_265 = tpu.memref_slice %arg9[%dma_wait3A_262, %dma_wait3A_263, %dma_wait3A_264] : memref<8x8x129xf32, #tpu.memory_space<vmem>> -> memref<8x8x128xf32, #tpu.memory_space<vmem>>
    tpu.wait_dma2 semaphore(%arg13 : memref<!tpu.dma_semaphore, #tpu.memory_space<semaphore_mem>>) src(%dma_wait3A_265 : memref<8x8x128xf32, #tpu.memory_space<vmem>>) dst(%dma_wait3A_261 : memref<8x8x128xf32, #tpu.memory_space<hbm>>)
    return
  }
}

#map = affine_map<(d0, d1) -> (0, 0, 0)>
#map1 = affine_map<(d0, d1) -> (0, 0)>
#map2 = affine_map<(d0, d1) -> (0, 0, 0, 0, 0)>
module attributes {stable_mosaic.version = 14 : i64} {
  func.func @gather_t(%arg0: i32, %arg1: i32, %arg2: memref<32x50x128xi32, #tpu.memory_space<hbm>>, %arg3: memref<100000x64xf32, #tpu.memory_space<hbm>>, %arg4: memref<50x8x32x8x128xf32, #tpu.memory_space<hbm>>, %arg5: memref<50x128xi32, #tpu.memory_space<vmem>>, %arg6: memref<128x64xf32, #tpu.memory_space<vmem>>, %arg7: memref<128x64xf32, #tpu.memory_space<vmem>>, %arg8: memref<8x8x129xf32, #tpu.memory_space<vmem>>, %arg9: memref<8x8x129xf32, #tpu.memory_space<vmem>>, %arg10: memref<!tpu.dma_semaphore, #tpu.memory_space<semaphore_mem>>, %arg11: memref<!tpu.dma_semaphore, #tpu.memory_space<semaphore_mem>>, %arg12: memref<!tpu.dma_semaphore, #tpu.memory_space<semaphore_mem>>, %arg13: memref<!tpu.dma_semaphore, #tpu.memory_space<semaphore_mem>>) attributes {dimension_semantics = [#tpu.dimension_semantics<core_parallel>, #tpu.dimension_semantics<subcore_parallel>], iteration_bounds = array<i64: 2, 16>, scalar_prefetch = 0 : i64, scratch_operands = 9 : i64, tpu.core_type = #tpu.core_type<sc_vector_subcore>, window_params = [{transform_indices = #map}, {transform_indices = #map1}, {transform_indices = #map2}]} {
    %mul3A = arith.constant 2 : i32
    %mul3A_0 = arith.muli %arg1, %mul3A : i32
    %add3A = arith.addi %mul3A_0, %arg0 : i32
    "tpu.region"() ({
      %run_scoped3A = tpu.sem_alloc : memref<!tpu.dma_semaphore, #tpu.memory_space<semaphore_mem>>
      %dma_start3A_266 = arith.constant 0 : i32
      %dma_start3A_267 = arith.constant 0 : i32
      %dma_start3A_268 = tpu.memref_slice %arg2[%add3A, %dma_start3A_266, %dma_start3A_267] : memref<32x50x128xi32, #tpu.memory_space<hbm>> -> memref<1x50x128xi32, #tpu.memory_space<hbm>>
      %dma_start3A_269 = tpu.memref_squeeze %dma_start3A_268 : memref<1x50x128xi32, #tpu.memory_space<hbm>> -> memref<50x128xi32, #tpu.memory_space<hbm>>
      %dma_start3A_270 = arith.constant 0 : i32
      %dma_start3A_271 = arith.constant 0 : i32
      %dma_start3A_272 = tpu.memref_slice %arg2[%add3A, %dma_start3A_270, %dma_start3A_271] : memref<32x50x128xi32, #tpu.memory_space<hbm>> -> memref<1x50x128xi32, #tpu.memory_space<hbm>>
      %dma_start3A_273 = tpu.memref_squeeze %dma_start3A_272 : memref<1x50x128xi32, #tpu.memory_space<hbm>> -> memref<50x128xi32, #tpu.memory_space<hbm>>
      tpu.enqueue_dma source(%dma_start3A_273 : memref<50x128xi32, #tpu.memory_space<hbm>>) target(%arg5 : memref<50x128xi32, #tpu.memory_space<vmem>>) target_semaphore(%run_scoped3A : memref<!tpu.dma_semaphore, #tpu.memory_space<semaphore_mem>>)
      %dma_wait3A_274 = arith.constant 0 : i32
      %dma_wait3A_275 = arith.constant 0 : i32
      %dma_wait3A_276 = tpu.memref_slice %arg2[%add3A, %dma_wait3A_274, %dma_wait3A_275] : memref<32x50x128xi32, #tpu.memory_space<hbm>> -> memref<1x50x128xi32, #tpu.memory_space<hbm>>
      %dma_wait3A_277 = tpu.memref_squeeze %dma_wait3A_276 : memref<1x50x128xi32, #tpu.memory_space<hbm>> -> memref<50x128xi32, #tpu.memory_space<hbm>>
      %dma_wait3A_278 = arith.constant 0 : i32
      %dma_wait3A_279 = arith.constant 0 : i32
      %dma_wait3A_280 = tpu.memref_slice %arg2[%add3A, %dma_wait3A_278, %dma_wait3A_279] : memref<32x50x128xi32, #tpu.memory_space<hbm>> -> memref<1x50x128xi32, #tpu.memory_space<hbm>>
      %dma_wait3A_281 = tpu.memref_squeeze %dma_wait3A_280 : memref<1x50x128xi32, #tpu.memory_space<hbm>> -> memref<50x128xi32, #tpu.memory_space<hbm>>
      tpu.wait_dma2 semaphore(%run_scoped3A : memref<!tpu.dma_semaphore, #tpu.memory_space<semaphore_mem>>) src(%dma_wait3A_281 : memref<50x128xi32, #tpu.memory_space<hbm>>) dst(%arg5 : memref<50x128xi32, #tpu.memory_space<vmem>>)
      tpu.yield
    }) : () -> ()
    %iota3A = tpu.iota {dimensions = array<i32: 0>} : vector<16xi32>
    %add3A_1 = arith.constant 0 : i32
    %add3A_2 = vector.broadcast %add3A_1 : i32 to vector<16xi32>
    %add3A_3 = arith.addi %iota3A, %add3A_2 : vector<16xi32>
    %jit3A = arith.constant 8 : i32
    %div3A = vector.broadcast %jit3A : i32 to vector<16xi32>
    %div3A_4 = arith.divsi %add3A_3, %div3A : vector<16xi32>
    %sign3A = arith.constant 0 : i32
    %sign3A_5 = vector.broadcast %sign3A : i32 to vector<16xi32>
    %sign3A_6 = arith.cmpi sgt, %add3A_3, %sign3A_5 : vector<16xi32>
    %sign3A_7 = arith.extui %sign3A_6 : vector<16xi1> to vector<16xi32>
    %sign3A_8 = arith.constant 0 : i32
    %sign3A_9 = vector.broadcast %sign3A_8 : i32 to vector<16xi32>
    %sign3A_10 = arith.cmpi slt, %add3A_3, %sign3A_9 : vector<16xi32>
    %sign3A_11 = arith.extui %sign3A_10 : vector<16xi1> to vector<16xi32>
    %sign3A_12 = arith.subi %sign3A_7, %sign3A_11 : vector<16xi32>
    %sign3A_13 = arith.constant 0 : i32
    %sign3A_14 = arith.cmpi sgt, %jit3A, %sign3A_13 : i32
    %sign3A_15 = arith.extui %sign3A_14 : i1 to i32
    %sign3A_16 = arith.constant 0 : i32
    %sign3A_17 = arith.cmpi slt, %jit3A, %sign3A_16 : i32
    %sign3A_18 = arith.extui %sign3A_17 : i1 to i32
    %sign3A_19 = arith.subi %sign3A_15, %sign3A_18 : i32
    %ne3A = vector.broadcast %sign3A_19 : i32 to vector<16xi32>
    %ne3A_20 = arith.cmpi ne, %sign3A_12, %ne3A : vector<16xi32>
    %rem3A = vector.broadcast %jit3A : i32 to vector<16xi32>
    %rem3A_21 = arith.remsi %add3A_3, %rem3A : vector<16xi32>
    %ne3A_22 = arith.constant 0 : i32
    %ne3A_23 = vector.broadcast %ne3A_22 : i32 to vector<16xi32>
    %ne3A_24 = arith.cmpi ne, %rem3A_21, %ne3A_23 : vector<16xi32>
    %and3A = arith.andi %ne3A_20, %ne3A_24 : vector<16xi1>
    %sub3A = arith.constant 1 : i32
    %sub3A_25 = vector.broadcast %sub3A : i32 to vector<16xi32>
    %sub3A_26 = arith.subi %div3A_4, %sub3A_25 : vector<16xi32>
    %select_n3A = arith.select %and3A, %sub3A_26, %div3A_4 : vector<16xi1>, vector<16xi32>
    %jit3A_27 = arith.constant 8 : i32
    %eq3A = arith.constant 0 : i32
    %eq3A_28 = arith.cmpi eq, %jit3A_27, %eq3A : i32
    %jit3A_29 = arith.constant 1 : i32
    %select_n3A_30 = arith.select %eq3A_28, %jit3A_29, %jit3A_27 : i32
    %rem3A_31 = vector.broadcast %select_n3A_30 : i32 to vector<16xi32>
    %rem3A_32 = arith.remsi %add3A_3, %rem3A_31 : vector<16xi32>
    %ne3A_33 = arith.constant 0 : i32
    %ne3A_34 = vector.broadcast %ne3A_33 : i32 to vector<16xi32>
    %ne3A_35 = arith.cmpi ne, %rem3A_32, %ne3A_34 : vector<16xi32>
    %lt3A = arith.constant 0 : i32
    %lt3A_36 = vector.broadcast %lt3A : i32 to vector<16xi32>
    %lt3A_37 = arith.cmpi slt, %rem3A_32, %lt3A_36 : vector<16xi32>
    %lt3A_38 = arith.constant 0 : i32
    %lt3A_39 = arith.cmpi slt, %select_n3A_30, %lt3A_38 : i32
    %ne3A_40 = vector.broadcast %lt3A_39 : i1 to vector<16xi1>
    %ne3A_41 = vector.broadcast %ne3A_40 : vector<16xi1> to vector<16xi1>
    %ne3A_42 = arith.xori %lt3A_37, %ne3A_41 : vector<16xi1>
    %and3A_43 = arith.andi %ne3A_42, %ne3A_35 : vector<16xi1>
    %add3A_44 = vector.broadcast %select_n3A_30 : i32 to vector<16xi32>
    %add3A_45 = arith.addi %rem3A_32, %add3A_44 : vector<16xi32>
    %select_n3A_46 = arith.select %and3A_43, %add3A_45, %rem3A_32 : vector<16xi1>, vector<16xi32>
    %add3A_47 = arith.constant 16 : i32
    %add3A_48 = vector.broadcast %add3A_47 : i32 to vector<16xi32>
    %add3A_49 = arith.addi %iota3A, %add3A_48 : vector<16xi32>
    %jit3A_50 = arith.constant 8 : i32
    %div3A_51 = vector.broadcast %jit3A_50 : i32 to vector<16xi32>
    %div3A_52 = arith.divsi %add3A_49, %div3A_51 : vector<16xi32>
    %sign3A_53 = arith.constant 0 : i32
    %sign3A_54 = vector.broadcast %sign3A_53 : i32 to vector<16xi32>
    %sign3A_55 = arith.cmpi sgt, %add3A_49, %sign3A_54 : vector<16xi32>
    %sign3A_56 = arith.extui %sign3A_55 : vector<16xi1> to vector<16xi32>
    %sign3A_57 = arith.constant 0 : i32
    %sign3A_58 = vector.broadcast %sign3A_57 : i32 to vector<16xi32>
    %sign3A_59 = arith.cmpi slt, %add3A_49, %sign3A_58 : vector<16xi32>
    %sign3A_60 = arith.extui %sign3A_59 : vector<16xi1> to vector<16xi32>
    %sign3A_61 = arith.subi %sign3A_56, %sign3A_60 : vector<16xi32>
    %sign3A_62 = arith.constant 0 : i32
    %sign3A_63 = arith.cmpi sgt, %jit3A_50, %sign3A_62 : i32
    %sign3A_64 = arith.extui %sign3A_63 : i1 to i32
    %sign3A_65 = arith.constant 0 : i32
    %sign3A_66 = arith.cmpi slt, %jit3A_50, %sign3A_65 : i32
    %sign3A_67 = arith.extui %sign3A_66 : i1 to i32
    %sign3A_68 = arith.subi %sign3A_64, %sign3A_67 : i32
    %ne3A_69 = vector.broadcast %sign3A_68 : i32 to vector<16xi32>
    %ne3A_70 = arith.cmpi ne, %sign3A_61, %ne3A_69 : vector<16xi32>
    %rem3A_71 = vector.broadcast %jit3A_50 : i32 to vector<16xi32>
    %rem3A_72 = arith.remsi %add3A_49, %rem3A_71 : vector<16xi32>
    %ne3A_73 = arith.constant 0 : i32
    %ne3A_74 = vector.broadcast %ne3A_73 : i32 to vector<16xi32>
    %ne3A_75 = arith.cmpi ne, %rem3A_72, %ne3A_74 : vector<16xi32>
    %and3A_76 = arith.andi %ne3A_70, %ne3A_75 : vector<16xi1>
    %sub3A_77 = arith.constant 1 : i32
    %sub3A_78 = vector.broadcast %sub3A_77 : i32 to vector<16xi32>
    %sub3A_79 = arith.subi %div3A_52, %sub3A_78 : vector<16xi32>
    %select_n3A_80 = arith.select %and3A_76, %sub3A_79, %div3A_52 : vector<16xi1>, vector<16xi32>
    %jit3A_81 = arith.constant 8 : i32
    %eq3A_82 = arith.constant 0 : i32
    %eq3A_83 = arith.cmpi eq, %jit3A_81, %eq3A_82 : i32
    %jit3A_84 = arith.constant 1 : i32
    %select_n3A_85 = arith.select %eq3A_83, %jit3A_84, %jit3A_81 : i32
    %rem3A_86 = vector.broadcast %select_n3A_85 : i32 to vector<16xi32>
    %rem3A_87 = arith.remsi %add3A_49, %rem3A_86 : vector<16xi32>
    %ne3A_88 = arith.constant 0 : i32
    %ne3A_89 = vector.broadcast %ne3A_88 : i32 to vector<16xi32>
    %ne3A_90 = arith.cmpi ne, %rem3A_87, %ne3A_89 : vector<16xi32>
    %lt3A_91 = arith.constant 0 : i32
    %lt3A_92 = vector.broadcast %lt3A_91 : i32 to vector<16xi32>
    %lt3A_93 = arith.cmpi slt, %rem3A_87, %lt3A_92 : vector<16xi32>
    %lt3A_94 = arith.constant 0 : i32
    %lt3A_95 = arith.cmpi slt, %select_n3A_85, %lt3A_94 : i32
    %ne3A_96 = vector.broadcast %lt3A_95 : i1 to vector<16xi1>
    %ne3A_97 = vector.broadcast %ne3A_96 : vector<16xi1> to vector<16xi1>
    %ne3A_98 = arith.xori %lt3A_93, %ne3A_97 : vector<16xi1>
    %and3A_99 = arith.andi %ne3A_98, %ne3A_90 : vector<16xi1>
    %add3A_100 = vector.broadcast %select_n3A_85 : i32 to vector<16xi32>
    %add3A_101 = arith.addi %rem3A_87, %add3A_100 : vector<16xi32>
    %select_n3A_102 = arith.select %and3A_99, %add3A_101, %rem3A_87 : vector<16xi1>, vector<16xi32>
    %add3A_103 = arith.constant 32 : i32
    %add3A_104 = vector.broadcast %add3A_103 : i32 to vector<16xi32>
    %add3A_105 = arith.addi %iota3A, %add3A_104 : vector<16xi32>
    %jit3A_106 = arith.constant 8 : i32
    %div3A_107 = vector.broadcast %jit3A_106 : i32 to vector<16xi32>
    %div3A_108 = arith.divsi %add3A_105, %div3A_107 : vector<16xi32>
    %sign3A_109 = arith.constant 0 : i32
    %sign3A_110 = vector.broadcast %sign3A_109 : i32 to vector<16xi32>
    %sign3A_111 = arith.cmpi sgt, %add3A_105, %sign3A_110 : vector<16xi32>
    %sign3A_112 = arith.extui %sign3A_111 : vector<16xi1> to vector<16xi32>
    %sign3A_113 = arith.constant 0 : i32
    %sign3A_114 = vector.broadcast %sign3A_113 : i32 to vector<16xi32>
    %sign3A_115 = arith.cmpi slt, %add3A_105, %sign3A_114 : vector<16xi32>
    %sign3A_116 = arith.extui %sign3A_115 : vector<16xi1> to vector<16xi32>
    %sign3A_117 = arith.subi %sign3A_112, %sign3A_116 : vector<16xi32>
    %sign3A_118 = arith.constant 0 : i32
    %sign3A_119 = arith.cmpi sgt, %jit3A_106, %sign3A_118 : i32
    %sign3A_120 = arith.extui %sign3A_119 : i1 to i32
    %sign3A_121 = arith.constant 0 : i32
    %sign3A_122 = arith.cmpi slt, %jit3A_106, %sign3A_121 : i32
    %sign3A_123 = arith.extui %sign3A_122 : i1 to i32
    %sign3A_124 = arith.subi %sign3A_120, %sign3A_123 : i32
    %ne3A_125 = vector.broadcast %sign3A_124 : i32 to vector<16xi32>
    %ne3A_126 = arith.cmpi ne, %sign3A_117, %ne3A_125 : vector<16xi32>
    %rem3A_127 = vector.broadcast %jit3A_106 : i32 to vector<16xi32>
    %rem3A_128 = arith.remsi %add3A_105, %rem3A_127 : vector<16xi32>
    %ne3A_129 = arith.constant 0 : i32
    %ne3A_130 = vector.broadcast %ne3A_129 : i32 to vector<16xi32>
    %ne3A_131 = arith.cmpi ne, %rem3A_128, %ne3A_130 : vector<16xi32>
    %and3A_132 = arith.andi %ne3A_126, %ne3A_131 : vector<16xi1>
    %sub3A_133 = arith.constant 1 : i32
    %sub3A_134 = vector.broadcast %sub3A_133 : i32 to vector<16xi32>
    %sub3A_135 = arith.subi %div3A_108, %sub3A_134 : vector<16xi32>
    %select_n3A_136 = arith.select %and3A_132, %sub3A_135, %div3A_108 : vector<16xi1>, vector<16xi32>
    %jit3A_137 = arith.constant 8 : i32
    %eq3A_138 = arith.constant 0 : i32
    %eq3A_139 = arith.cmpi eq, %jit3A_137, %eq3A_138 : i32
    %jit3A_140 = arith.constant 1 : i32
    %select_n3A_141 = arith.select %eq3A_139, %jit3A_140, %jit3A_137 : i32
    %rem3A_142 = vector.broadcast %select_n3A_141 : i32 to vector<16xi32>
    %rem3A_143 = arith.remsi %add3A_105, %rem3A_142 : vector<16xi32>
    %ne3A_144 = arith.constant 0 : i32
    %ne3A_145 = vector.broadcast %ne3A_144 : i32 to vector<16xi32>
    %ne3A_146 = arith.cmpi ne, %rem3A_143, %ne3A_145 : vector<16xi32>
    %lt3A_147 = arith.constant 0 : i32
    %lt3A_148 = vector.broadcast %lt3A_147 : i32 to vector<16xi32>
    %lt3A_149 = arith.cmpi slt, %rem3A_143, %lt3A_148 : vector<16xi32>
    %lt3A_150 = arith.constant 0 : i32
    %lt3A_151 = arith.cmpi slt, %select_n3A_141, %lt3A_150 : i32
    %ne3A_152 = vector.broadcast %lt3A_151 : i1 to vector<16xi1>
    %ne3A_153 = vector.broadcast %ne3A_152 : vector<16xi1> to vector<16xi1>
    %ne3A_154 = arith.xori %lt3A_149, %ne3A_153 : vector<16xi1>
    %and3A_155 = arith.andi %ne3A_154, %ne3A_146 : vector<16xi1>
    %add3A_156 = vector.broadcast %select_n3A_141 : i32 to vector<16xi32>
    %add3A_157 = arith.addi %rem3A_143, %add3A_156 : vector<16xi32>
    %select_n3A_158 = arith.select %and3A_155, %add3A_157, %rem3A_143 : vector<16xi1>, vector<16xi32>
    %add3A_159 = arith.constant 48 : i32
    %add3A_160 = vector.broadcast %add3A_159 : i32 to vector<16xi32>
    %add3A_161 = arith.addi %iota3A, %add3A_160 : vector<16xi32>
    %jit3A_162 = arith.constant 8 : i32
    %div3A_163 = vector.broadcast %jit3A_162 : i32 to vector<16xi32>
    %div3A_164 = arith.divsi %add3A_161, %div3A_163 : vector<16xi32>
    %sign3A_165 = arith.constant 0 : i32
    %sign3A_166 = vector.broadcast %sign3A_165 : i32 to vector<16xi32>
    %sign3A_167 = arith.cmpi sgt, %add3A_161, %sign3A_166 : vector<16xi32>
    %sign3A_168 = arith.extui %sign3A_167 : vector<16xi1> to vector<16xi32>
    %sign3A_169 = arith.constant 0 : i32
    %sign3A_170 = vector.broadcast %sign3A_169 : i32 to vector<16xi32>
    %sign3A_171 = arith.cmpi slt, %add3A_161, %sign3A_170 : vector<16xi32>
    %sign3A_172 = arith.extui %sign3A_171 : vector<16xi1> to vector<16xi32>
    %sign3A_173 = arith.subi %sign3A_168, %sign3A_172 : vector<16xi32>
    %sign3A_174 = arith.constant 0 : i32
    %sign3A_175 = arith.cmpi sgt, %jit3A_162, %sign3A_174 : i32
    %sign3A_176 = arith.extui %sign3A_175 : i1 to i32
    %sign3A_177 = arith.constant 0 : i32
    %sign3A_178 = arith.cmpi slt, %jit3A_162, %sign3A_177 : i32
    %sign3A_179 = arith.extui %sign3A_178 : i1 to i32
    %sign3A_180 = arith.subi %sign3A_176, %sign3A_179 : i32
    %ne3A_181 = vector.broadcast %sign3A_180 : i32 to vector<16xi32>
    %ne3A_182 = arith.cmpi ne, %sign3A_173, %ne3A_181 : vector<16xi32>
    %rem3A_183 = vector.broadcast %jit3A_162 : i32 to vector<16xi32>
    %rem3A_184 = arith.remsi %add3A_161, %rem3A_183 : vector<16xi32>
    %ne3A_185 = arith.constant 0 : i32
    %ne3A_186 = vector.broadcast %ne3A_185 : i32 to vector<16xi32>
    %ne3A_187 = arith.cmpi ne, %rem3A_184, %ne3A_186 : vector<16xi32>
    %and3A_188 = arith.andi %ne3A_182, %ne3A_187 : vector<16xi1>
    %sub3A_189 = arith.constant 1 : i32
    %sub3A_190 = vector.broadcast %sub3A_189 : i32 to vector<16xi32>
    %sub3A_191 = arith.subi %div3A_164, %sub3A_190 : vector<16xi32>
    %select_n3A_192 = arith.select %and3A_188, %sub3A_191, %div3A_164 : vector<16xi1>, vector<16xi32>
    %jit3A_193 = arith.constant 8 : i32
    %eq3A_194 = arith.constant 0 : i32
    %eq3A_195 = arith.cmpi eq, %jit3A_193, %eq3A_194 : i32
    %jit3A_196 = arith.constant 1 : i32
    %select_n3A_197 = arith.select %eq3A_195, %jit3A_196, %jit3A_193 : i32
    %rem3A_198 = vector.broadcast %select_n3A_197 : i32 to vector<16xi32>
    %rem3A_199 = arith.remsi %add3A_161, %rem3A_198 : vector<16xi32>
    %ne3A_200 = arith.constant 0 : i32
    %ne3A_201 = vector.broadcast %ne3A_200 : i32 to vector<16xi32>
    %ne3A_202 = arith.cmpi ne, %rem3A_199, %ne3A_201 : vector<16xi32>
    %lt3A_203 = arith.constant 0 : i32
    %lt3A_204 = vector.broadcast %lt3A_203 : i32 to vector<16xi32>
    %lt3A_205 = arith.cmpi slt, %rem3A_199, %lt3A_204 : vector<16xi32>
    %lt3A_206 = arith.constant 0 : i32
    %lt3A_207 = arith.cmpi slt, %select_n3A_197, %lt3A_206 : i32
    %ne3A_208 = vector.broadcast %lt3A_207 : i1 to vector<16xi1>
    %ne3A_209 = vector.broadcast %ne3A_208 : vector<16xi1> to vector<16xi1>
    %ne3A_210 = arith.xori %lt3A_205, %ne3A_209 : vector<16xi1>
    %and3A_211 = arith.andi %ne3A_210, %ne3A_202 : vector<16xi1>
    %add3A_212 = vector.broadcast %select_n3A_197 : i32 to vector<16xi32>
    %add3A_213 = arith.addi %rem3A_199, %add3A_212 : vector<16xi32>
    %select_n3A_214 = arith.select %and3A_211, %add3A_213, %rem3A_199 : vector<16xi1>, vector<16xi32>
    %dma_start3A = arith.constant 0 : i32
    %dma_start3A_215 = arith.constant 0 : i32
    %dma_start3A_216 = tpu.memref_slice %arg5[%dma_start3A, %dma_start3A_215] : memref<50x128xi32, #tpu.memory_space<vmem>> -> memref<1x128xi32, #tpu.memory_space<vmem>>
    %dma_start3A_217 = tpu.memref_squeeze %dma_start3A_216 : memref<1x128xi32, #tpu.memory_space<vmem>> -> memref<128xi32, #tpu.memory_space<vmem>>
    %dma_start3A_218 = arith.constant 0 : i32
    %dma_start3A_219 = arith.constant 0 : i32
    %dma_start3A_220 = tpu.memref_slice %arg3[%dma_start3A_218, %dma_start3A_219] : memref<100000x64xf32, #tpu.memory_space<hbm>> -> memref<100000x64xf32, #tpu.memory_space<hbm>>
    tpu.enqueue_indirect_dma source(%dma_start3A_220 : memref<100000x64xf32, #tpu.memory_space<hbm>>) target(%arg6 : memref<128x64xf32, #tpu.memory_space<vmem>>) offsets(%dma_start3A_217 : memref<128xi32, #tpu.memory_space<vmem>>) semaphore(%arg10 : memref<!tpu.dma_semaphore, #tpu.memory_space<semaphore_mem>>)
    %scan3A = arith.constant 0 : i32
    %scan3A_221 = arith.constant 0 : i32
    %scan3A_222 = arith.constant 25 : i32
    %scan3A_223 = arith.addi %scan3A_221, %scan3A_222 : i32
    %scan3A_224 = arith.constant 1 : i32
    %scan3A_225 = scf.for %scan3A_266 = %scan3A_221 to %scan3A_223 step %scan3A_224 iter_args(%scan3A_267 = %scan3A) -> (i32)  : i32 {
      %mul3A_268 = arith.constant 2 : i32
      %mul3A_269 = arith.muli %scan3A_266, %mul3A_268 : i32
      %add3A_270 = arith.constant 0 : i32
      %add3A_271 = arith.addi %mul3A_269, %add3A_270 : i32
      %dma_wait3A_272 = arith.constant 0 : i32
      %dma_wait3A_273 = tpu.memref_slice %arg5[%add3A_271, %dma_wait3A_272] : memref<50x128xi32, #tpu.memory_space<vmem>> -> memref<1x128xi32, #tpu.memory_space<vmem>>
      %dma_wait3A_274 = tpu.memref_squeeze %dma_wait3A_273 : memref<1x128xi32, #tpu.memory_space<vmem>> -> memref<128xi32, #tpu.memory_space<vmem>>
      %dma_wait3A_275 = arith.constant 0 : i32
      %dma_wait3A_276 = arith.constant 0 : i32
      %dma_wait3A_277 = tpu.memref_slice %arg3[%dma_wait3A_275, %dma_wait3A_276] : memref<100000x64xf32, #tpu.memory_space<hbm>> -> memref<100000x64xf32, #tpu.memory_space<hbm>>
      tpu.wait_indirect_dma semaphore(%arg10 : memref<!tpu.dma_semaphore, #tpu.memory_space<semaphore_mem>>) src(%dma_wait3A_277 : memref<100000x64xf32, #tpu.memory_space<hbm>>) dst(%arg6 : memref<128x64xf32, #tpu.memory_space<vmem>>)
      %add3A_278 = arith.constant 1 : i32
      %add3A_279 = arith.addi %add3A_271, %add3A_278 : i32
      %lt3A_280 = arith.constant 50 : i32
      %lt3A_281 = arith.cmpi slt, %add3A_279, %lt3A_280 : i32
      %convert_element_type3A = arith.extui %lt3A_281 : i1 to i32
      %cond3A = arith.constant 0 : i32
      %cond3A_282 = arith.cmpi ne, %convert_element_type3A, %cond3A : i32
      scf.if %cond3A_282 {
        %add3A_437 = arith.constant 1 : i32
        %add3A_438 = arith.addi %add3A_271, %add3A_437 : i32
        %dma_start3A_439 = arith.constant 0 : i32
        %dma_start3A_440 = tpu.memref_slice %arg5[%add3A_438, %dma_start3A_439] : memref<50x128xi32, #tpu.memory_space<vmem>> -> memref<1x128xi32, #tpu.memory_space<vmem>>
        %dma_start3A_441 = tpu.memref_squeeze %dma_start3A_440 : memref<1x128xi32, #tpu.memory_space<vmem>> -> memref<128xi32, #tpu.memory_space<vmem>>
        %dma_start3A_442 = arith.constant 0 : i32
        %dma_start3A_443 = arith.constant 0 : i32
        %dma_start3A_444 = tpu.memref_slice %arg3[%dma_start3A_442, %dma_start3A_443] : memref<100000x64xf32, #tpu.memory_space<hbm>> -> memref<100000x64xf32, #tpu.memory_space<hbm>>
        tpu.enqueue_indirect_dma source(%dma_start3A_444 : memref<100000x64xf32, #tpu.memory_space<hbm>>) target(%arg7 : memref<128x64xf32, #tpu.memory_space<vmem>>) offsets(%dma_start3A_441 : memref<128xi32, #tpu.memory_space<vmem>>) semaphore(%arg11 : memref<!tpu.dma_semaphore, #tpu.memory_space<semaphore_mem>>)
      } else {
      }
      %mul3A_283 = arith.constant 50 : i32
      %mul3A_284 = arith.muli %add3A, %mul3A_283 : i32
      %add3A_285 = arith.addi %mul3A_284, %add3A_271 : i32
      %jit3A_286 = arith.constant 32 : i32
      %div3A_287 = arith.divsi %add3A_285, %jit3A_286 : i32
      %sign3A_288 = arith.constant 0 : i32
      %sign3A_289 = arith.cmpi sgt, %add3A_285, %sign3A_288 : i32
      %sign3A_290 = arith.extui %sign3A_289 : i1 to i32
      %sign3A_291 = arith.constant 0 : i32
      %sign3A_292 = arith.cmpi slt, %add3A_285, %sign3A_291 : i32
      %sign3A_293 = arith.extui %sign3A_292 : i1 to i32
      %sign3A_294 = arith.subi %sign3A_290, %sign3A_293 : i32
      %sign3A_295 = arith.constant 0 : i32
      %sign3A_296 = arith.cmpi sgt, %jit3A_286, %sign3A_295 : i32
      %sign3A_297 = arith.extui %sign3A_296 : i1 to i32
      %sign3A_298 = arith.constant 0 : i32
      %sign3A_299 = arith.cmpi slt, %jit3A_286, %sign3A_298 : i32
      %sign3A_300 = arith.extui %sign3A_299 : i1 to i32
      %sign3A_301 = arith.subi %sign3A_297, %sign3A_300 : i32
      %ne3A_302 = arith.cmpi ne, %sign3A_294, %sign3A_301 : i32
      %rem3A_303 = arith.remsi %add3A_285, %jit3A_286 : i32
      %ne3A_304 = arith.constant 0 : i32
      %ne3A_305 = arith.cmpi ne, %rem3A_303, %ne3A_304 : i32
      %and3A_306 = arith.andi %ne3A_302, %ne3A_305 : i1
      %sub3A_307 = arith.constant 1 : i32
      %sub3A_308 = arith.subi %div3A_287, %sub3A_307 : i32
      %select_n3A_309 = arith.select %and3A_306, %sub3A_308, %div3A_287 : i32
      %jit3A_310 = arith.constant 32 : i32
      %eq3A_311 = arith.constant 0 : i32
      %eq3A_312 = arith.cmpi eq, %jit3A_310, %eq3A_311 : i32
      %jit3A_313 = arith.constant 1 : i32
      %select_n3A_314 = arith.select %eq3A_312, %jit3A_313, %jit3A_310 : i32
      %rem3A_315 = arith.remsi %add3A_285, %select_n3A_314 : i32
      %ne3A_316 = arith.constant 0 : i32
      %ne3A_317 = arith.cmpi ne, %rem3A_315, %ne3A_316 : i32
      %lt3A_318 = arith.constant 0 : i32
      %lt3A_319 = arith.cmpi slt, %rem3A_315, %lt3A_318 : i32
      %lt3A_320 = arith.constant 0 : i32
      %lt3A_321 = arith.cmpi slt, %select_n3A_314, %lt3A_320 : i32
      %ne3A_322 = arith.xori %lt3A_319, %lt3A_321 : i1
      %and3A_323 = arith.andi %ne3A_322, %ne3A_317 : i1
      %add3A_324 = arith.addi %rem3A_315, %select_n3A_314 : i32
      %select_n3A_325 = arith.select %and3A_323, %add3A_324, %rem3A_315 : i32
      %ge3A = arith.constant 2 : i32
      %ge3A_326 = arith.cmpi sge, %add3A_271, %ge3A : i32
      %convert_element_type3A_327 = arith.extui %ge3A_326 : i1 to i32
      %cond3A_328 = arith.constant 0 : i32
      %cond3A_329 = arith.cmpi ne, %convert_element_type3A_327, %cond3A_328 : i32
      scf.if %cond3A_329 {
        %dma_wait3A_437 = arith.constant 0 : i32
        %dma_wait3A_438 = arith.constant 0 : i32
        %dma_wait3A_439 = arith.constant 0 : i32
        %dma_wait3A_440 = tpu.memref_slice %arg8[%dma_wait3A_437, %dma_wait3A_438, %dma_wait3A_439] : memref<8x8x129xf32, #tpu.memory_space<vmem>> -> memref<8x8x128xf32, #tpu.memory_space<vmem>>
        %dma_wait3A_441 = arith.constant 0 : i32
        %dma_wait3A_442 = arith.constant 0 : i32
        %dma_wait3A_443 = arith.constant 0 : i32
        %dma_wait3A_444 = tpu.memref_slice %arg4[%select_n3A_309, %dma_wait3A_441, %select_n3A_325, %dma_wait3A_442, %dma_wait3A_443] : memref<50x8x32x8x128xf32, #tpu.memory_space<hbm>> -> memref<1x8x1x8x128xf32, #tpu.memory_space<hbm>>
        %dma_wait3A_445 = tpu.memref_squeeze %dma_wait3A_444 : memref<1x8x1x8x128xf32, #tpu.memory_space<hbm>> -> memref<8x8x128xf32, #tpu.memory_space<hbm>>
        %dma_wait3A_446 = arith.constant 0 : i32
        %dma_wait3A_447 = arith.constant 0 : i32
        %dma_wait3A_448 = arith.constant 0 : i32
        %dma_wait3A_449 = tpu.memref_slice %arg4[%select_n3A_309, %dma_wait3A_446, %select_n3A_325, %dma_wait3A_447, %dma_wait3A_448] : memref<50x8x32x8x128xf32, #tpu.memory_space<hbm>> -> memref<1x8x1x8x128xf32, #tpu.memory_space<hbm>>
        %dma_wait3A_450 = tpu.memref_squeeze %dma_wait3A_449 : memref<1x8x1x8x128xf32, #tpu.memory_space<hbm>> -> memref<8x8x128xf32, #tpu.memory_space<hbm>>
        %dma_wait3A_451 = arith.constant 0 : i32
        %dma_wait3A_452 = arith.constant 0 : i32
        %dma_wait3A_453 = arith.constant 0 : i32
        %dma_wait3A_454 = tpu.memref_slice %arg8[%dma_wait3A_451, %dma_wait3A_452, %dma_wait3A_453] : memref<8x8x129xf32, #tpu.memory_space<vmem>> -> memref<8x8x128xf32, #tpu.memory_space<vmem>>
        tpu.wait_dma2 semaphore(%arg12 : memref<!tpu.dma_semaphore, #tpu.memory_space<semaphore_mem>>) src(%dma_wait3A_454 : memref<8x8x128xf32, #tpu.memory_space<vmem>>) dst(%dma_wait3A_450 : memref<8x8x128xf32, #tpu.memory_space<hbm>>)
      } else {
      }
      %parallel_loop3A = arith.constant 0 : i32
      %parallel_loop3A_330 = arith.constant 128 : i32
      %parallel_loop3A_331 = arith.constant 1 : i32
      scf.for %parallel_loop3A_437 = %parallel_loop3A to %parallel_loop3A_330 step %parallel_loop3A_331  : i32 {
        %parallel_loop3A_438 = arith.constant 0 : i32
        %parallel_loop3A_439 = vector.broadcast %parallel_loop3A_438 : i32 to vector<16xi32>
        %parallel_loop3A_440 = vector.broadcast %parallel_loop3A_437 : i32 to vector<16xi32>
        %parallel_loop3A_441 = arith.addi %parallel_loop3A_439, %parallel_loop3A_440 : vector<16xi32>
        %parallel_loop3A_442 = arith.index_cast %parallel_loop3A_437 : i32 to index
        %parallel_loop3A_443 = arith.constant 0 : index
        %parallel_loop3A_444 = tpu.vector_load %arg6[%parallel_loop3A_442, %parallel_loop3A_443] {strides = array<i32>} : memref<128x64xf32, #tpu.memory_space<vmem>>, vector<16xf32>,
        tpu.vector_store_idx %arg8[%select_n3A, %select_n3A_46, %parallel_loop3A_441], %parallel_loop3A_444 : memref<8x8x129xf32, #tpu.memory_space<vmem>>[vector<16xi32>, vector<16xi32>, vector<16xi32>], vector<16xf32>,
        %parallel_loop3A_445 = arith.index_cast %parallel_loop3A_437 : i32 to index
        %parallel_loop3A_446 = arith.constant 16 : index
        %parallel_loop3A_447 = tpu.vector_load %arg6[%parallel_loop3A_445, %parallel_loop3A_446] {strides = array<i32>} : memref<128x64xf32, #tpu.memory_space<vmem>>, vector<16xf32>,
        tpu.vector_store_idx %arg8[%select_n3A_80, %select_n3A_102, %parallel_loop3A_441], %parallel_loop3A_447 : memref<8x8x129xf32, #tpu.memory_space<vmem>>[vector<16xi32>, vector<16xi32>, vector<16xi32>], vector<16xf32>,
        %parallel_loop3A_448 = arith.index_cast %parallel_loop3A_437 : i32 to index
        %parallel_loop3A_449 = arith.constant 32 : index
        %parallel_loop3A_450 = tpu.vector_load %arg6[%parallel_loop3A_448, %parallel_loop3A_449] {strides = array<i32>} : memref<128x64xf32, #tpu.memory_space<vmem>>, vector<16xf32>,
        tpu.vector_store_idx %arg8[%select_n3A_136, %select_n3A_158, %parallel_loop3A_441], %parallel_loop3A_450 : memref<8x8x129xf32, #tpu.memory_space<vmem>>[vector<16xi32>, vector<16xi32>, vector<16xi32>], vector<16xf32>,
        %parallel_loop3A_451 = arith.index_cast %parallel_loop3A_437 : i32 to index
        %parallel_loop3A_452 = arith.constant 48 : index
        %parallel_loop3A_453 = tpu.vector_load %arg6[%parallel_loop3A_451, %parallel_loop3A_452] {strides = array<i32>} : memref<128x64xf32, #tpu.memory_space<vmem>>, vector<16xf32>,
        tpu.vector_store_idx %arg8[%select_n3A_192, %select_n3A_214, %parallel_loop3A_441], %parallel_loop3A_453 : memref<8x8x129xf32, #tpu.memory_space<vmem>>[vector<16xi32>, vector<16xi32>, vector<16xi32>], vector<16xf32>,
      } {sc.loop_unroll_factor = 8 : i64, sc.parallel_access}
      %dma_start3A_332 = arith.constant 0 : i32
      %dma_start3A_333 = arith.constant 0 : i32
      %dma_start3A_334 = arith.constant 0 : i32
      %dma_start3A_335 = tpu.memref_slice %arg8[%dma_start3A_332, %dma_start3A_333, %dma_start3A_334] : memref<8x8x129xf32, #tpu.memory_space<vmem>> -> memref<8x8x128xf32, #tpu.memory_space<vmem>>
      %dma_start3A_336 = arith.constant 0 : i32
      %dma_start3A_337 = arith.constant 0 : i32
      %dma_start3A_338 = arith.constant 0 : i32
      %dma_start3A_339 = tpu.memref_slice %arg4[%select_n3A_309, %dma_start3A_336, %select_n3A_325, %dma_start3A_337, %dma_start3A_338] : memref<50x8x32x8x128xf32, #tpu.memory_space<hbm>> -> memref<1x8x1x8x128xf32, #tpu.memory_space<hbm>>
      %dma_start3A_340 = tpu.memref_squeeze %dma_start3A_339 : memref<1x8x1x8x128xf32, #tpu.memory_space<hbm>> -> memref<8x8x128xf32, #tpu.memory_space<hbm>>
      %dma_start3A_341 = arith.constant 0 : i32
      %dma_start3A_342 = arith.constant 0 : i32
      %dma_start3A_343 = arith.constant 0 : i32
      %dma_start3A_344 = tpu.memref_slice %arg4[%select_n3A_309, %dma_start3A_341, %select_n3A_325, %dma_start3A_342, %dma_start3A_343] : memref<50x8x32x8x128xf32, #tpu.memory_space<hbm>> -> memref<1x8x1x8x128xf32, #tpu.memory_space<hbm>>
      %dma_start3A_345 = tpu.memref_squeeze %dma_start3A_344 : memref<1x8x1x8x128xf32, #tpu.memory_space<hbm>> -> memref<8x8x128xf32, #tpu.memory_space<hbm>>
      %dma_start3A_346 = arith.constant 0 : i32
      %dma_start3A_347 = arith.constant 0 : i32
      %dma_start3A_348 = arith.constant 0 : i32
      %dma_start3A_349 = tpu.memref_slice %arg8[%dma_start3A_346, %dma_start3A_347, %dma_start3A_348] : memref<8x8x129xf32, #tpu.memory_space<vmem>> -> memref<8x8x128xf32, #tpu.memory_space<vmem>>
      tpu.enqueue_dma source(%dma_start3A_349 : memref<8x8x128xf32, #tpu.memory_space<vmem>>) target(%dma_start3A_345 : memref<8x8x128xf32, #tpu.memory_space<hbm>>) target_semaphore(%arg12 : memref<!tpu.dma_semaphore, #tpu.memory_space<semaphore_mem>>)
      %mul3A_350 = arith.constant 2 : i32
      %mul3A_351 = arith.muli %scan3A_266, %mul3A_350 : i32
      %add3A_352 = arith.constant 1 : i32
      %add3A_353 = arith.addi %mul3A_351, %add3A_352 : i32
      %dma_wait3A_354 = arith.constant 0 : i32
      %dma_wait3A_355 = tpu.memref_slice %arg5[%add3A_353, %dma_wait3A_354] : memref<50x128xi32, #tpu.memory_space<vmem>> -> memref<1x128xi32, #tpu.memory_space<vmem>>
      %dma_wait3A_356 = tpu.memref_squeeze %dma_wait3A_355 : memref<1x128xi32, #tpu.memory_space<vmem>> -> memref<128xi32, #tpu.memory_space<vmem>>
      %dma_wait3A_357 = arith.constant 0 : i32
      %dma_wait3A_358 = arith.constant 0 : i32
      %dma_wait3A_359 = tpu.memref_slice %arg3[%dma_wait3A_357, %dma_wait3A_358] : memref<100000x64xf32, #tpu.memory_space<hbm>> -> memref<100000x64xf32, #tpu.memory_space<hbm>>
      tpu.wait_indirect_dma semaphore(%arg11 : memref<!tpu.dma_semaphore, #tpu.memory_space<semaphore_mem>>) src(%dma_wait3A_359 : memref<100000x64xf32, #tpu.memory_space<hbm>>) dst(%arg7 : memref<128x64xf32, #tpu.memory_space<vmem>>)
      %add3A_360 = arith.constant 1 : i32
      %add3A_361 = arith.addi %add3A_353, %add3A_360 : i32
      %lt3A_362 = arith.constant 50 : i32
      %lt3A_363 = arith.cmpi slt, %add3A_361, %lt3A_362 : i32
      %convert_element_type3A_364 = arith.extui %lt3A_363 : i1 to i32
      %cond3A_365 = arith.constant 0 : i32
      %cond3A_366 = arith.cmpi ne, %convert_element_type3A_364, %cond3A_365 : i32
      scf.if %cond3A_366 {
        %add3A_437 = arith.constant 1 : i32
        %add3A_438 = arith.addi %add3A_353, %add3A_437 : i32
        %dma_start3A_439 = arith.constant 0 : i32
        %dma_start3A_440 = tpu.memref_slice %arg5[%add3A_438, %dma_start3A_439] : memref<50x128xi32, #tpu.memory_space<vmem>> -> memref<1x128xi32, #tpu.memory_space<vmem>>
        %dma_start3A_441 = tpu.memref_squeeze %dma_start3A_440 : memref<1x128xi32, #tpu.memory_space<vmem>> -> memref<128xi32, #tpu.memory_space<vmem>>
        %dma_start3A_442 = arith.constant 0 : i32
        %dma_start3A_443 = arith.constant 0 : i32
        %dma_start3A_444 = tpu.memref_slice %arg3[%dma_start3A_442, %dma_start3A_443] : memref<100000x64xf32, #tpu.memory_space<hbm>> -> memref<100000x64xf32, #tpu.memory_space<hbm>>
        tpu.enqueue_indirect_dma source(%dma_start3A_444 : memref<100000x64xf32, #tpu.memory_space<hbm>>) target(%arg6 : memref<128x64xf32, #tpu.memory_space<vmem>>) offsets(%dma_start3A_441 : memref<128xi32, #tpu.memory_space<vmem>>) semaphore(%arg10 : memref<!tpu.dma_semaphore, #tpu.memory_space<semaphore_mem>>)
      } else {
      }
      %mul3A_367 = arith.constant 50 : i32
      %mul3A_368 = arith.muli %add3A, %mul3A_367 : i32
      %add3A_369 = arith.addi %mul3A_368, %add3A_353 : i32
      %jit3A_370 = arith.constant 32 : i32
      %div3A_371 = arith.divsi %add3A_369, %jit3A_370 : i32
      %sign3A_372 = arith.constant 0 : i32
      %sign3A_373 = arith.cmpi sgt, %add3A_369, %sign3A_372 : i32
      %sign3A_374 = arith.extui %sign3A_373 : i1 to i32
      %sign3A_375 = arith.constant 0 : i32
      %sign3A_376 = arith.cmpi slt, %add3A_369, %sign3A_375 : i32
      %sign3A_377 = arith.extui %sign3A_376 : i1 to i32
      %sign3A_378 = arith.subi %sign3A_374, %sign3A_377 : i32
      %sign3A_379 = arith.constant 0 : i32
      %sign3A_380 = arith.cmpi sgt, %jit3A_370, %sign3A_379 : i32
      %sign3A_381 = arith.extui %sign3A_380 : i1 to i32
      %sign3A_382 = arith.constant 0 : i32
      %sign3A_383 = arith.cmpi slt, %jit3A_370, %sign3A_382 : i32
      %sign3A_384 = arith.extui %sign3A_383 : i1 to i32
      %sign3A_385 = arith.subi %sign3A_381, %sign3A_384 : i32
      %ne3A_386 = arith.cmpi ne, %sign3A_378, %sign3A_385 : i32
      %rem3A_387 = arith.remsi %add3A_369, %jit3A_370 : i32
      %ne3A_388 = arith.constant 0 : i32
      %ne3A_389 = arith.cmpi ne, %rem3A_387, %ne3A_388 : i32
      %and3A_390 = arith.andi %ne3A_386, %ne3A_389 : i1
      %sub3A_391 = arith.constant 1 : i32
      %sub3A_392 = arith.subi %div3A_371, %sub3A_391 : i32
      %select_n3A_393 = arith.select %and3A_390, %sub3A_392, %div3A_371 : i32
      %jit3A_394 = arith.constant 32 : i32
      %eq3A_395 = arith.constant 0 : i32
      %eq3A_396 = arith.cmpi eq, %jit3A_394, %eq3A_395 : i32
      %jit3A_397 = arith.constant 1 : i32
      %select_n3A_398 = arith.select %eq3A_396, %jit3A_397, %jit3A_394 : i32
      %rem3A_399 = arith.remsi %add3A_369, %select_n3A_398 : i32
      %ne3A_400 = arith.constant 0 : i32
      %ne3A_401 = arith.cmpi ne, %rem3A_399, %ne3A_400 : i32
      %lt3A_402 = arith.constant 0 : i32
      %lt3A_403 = arith.cmpi slt, %rem3A_399, %lt3A_402 : i32
      %lt3A_404 = arith.constant 0 : i32
      %lt3A_405 = arith.cmpi slt, %select_n3A_398, %lt3A_404 : i32
      %ne3A_406 = arith.xori %lt3A_403, %lt3A_405 : i1
      %and3A_407 = arith.andi %ne3A_406, %ne3A_401 : i1
      %add3A_408 = arith.addi %rem3A_399, %select_n3A_398 : i32
      %select_n3A_409 = arith.select %and3A_407, %add3A_408, %rem3A_399 : i32
      %ge3A_410 = arith.constant 2 : i32
      %ge3A_411 = arith.cmpi sge, %add3A_353, %ge3A_410 : i32
      %convert_element_type3A_412 = arith.extui %ge3A_411 : i1 to i32
      %cond3A_413 = arith.constant 0 : i32
      %cond3A_414 = arith.cmpi ne, %convert_element_type3A_412, %cond3A_413 : i32
      scf.if %cond3A_414 {
        %dma_wait3A_437 = arith.constant 0 : i32
        %dma_wait3A_438 = arith.constant 0 : i32
        %dma_wait3A_439 = arith.constant 0 : i32
        %dma_wait3A_440 = tpu.memref_slice %arg9[%dma_wait3A_437, %dma_wait3A_438, %dma_wait3A_439] : memref<8x8x129xf32, #tpu.memory_space<vmem>> -> memref<8x8x128xf32, #tpu.memory_space<vmem>>
        %dma_wait3A_441 = arith.constant 0 : i32
        %dma_wait3A_442 = arith.constant 0 : i32
        %dma_wait3A_443 = arith.constant 0 : i32
        %dma_wait3A_444 = tpu.memref_slice %arg4[%select_n3A_393, %dma_wait3A_441, %select_n3A_409, %dma_wait3A_442, %dma_wait3A_443] : memref<50x8x32x8x128xf32, #tpu.memory_space<hbm>> -> memref<1x8x1x8x128xf32, #tpu.memory_space<hbm>>
        %dma_wait3A_445 = tpu.memref_squeeze %dma_wait3A_444 : memref<1x8x1x8x128xf32, #tpu.memory_space<hbm>> -> memref<8x8x128xf32, #tpu.memory_space<hbm>>
        %dma_wait3A_446 = arith.constant 0 : i32
        %dma_wait3A_447 = arith.constant 0 : i32
        %dma_wait3A_448 = arith.constant 0 : i32
        %dma_wait3A_449 = tpu.memref_slice %arg4[%select_n3A_393, %dma_wait3A_446, %select_n3A_409, %dma_wait3A_447, %dma_wait3A_448] : memref<50x8x32x8x128xf32, #tpu.memory_space<hbm>> -> memref<1x8x1x8x128xf32, #tpu.memory_space<hbm>>
        %dma_wait3A_450 = tpu.memref_squeeze %dma_wait3A_449 : memref<1x8x1x8x128xf32, #tpu.memory_space<hbm>> -> memref<8x8x128xf32, #tpu.memory_space<hbm>>
        %dma_wait3A_451 = arith.constant 0 : i32
        %dma_wait3A_452 = arith.constant 0 : i32
        %dma_wait3A_453 = arith.constant 0 : i32
        %dma_wait3A_454 = tpu.memref_slice %arg9[%dma_wait3A_451, %dma_wait3A_452, %dma_wait3A_453] : memref<8x8x129xf32, #tpu.memory_space<vmem>> -> memref<8x8x128xf32, #tpu.memory_space<vmem>>
        tpu.wait_dma2 semaphore(%arg13 : memref<!tpu.dma_semaphore, #tpu.memory_space<semaphore_mem>>) src(%dma_wait3A_454 : memref<8x8x128xf32, #tpu.memory_space<vmem>>) dst(%dma_wait3A_450 : memref<8x8x128xf32, #tpu.memory_space<hbm>>)
      } else {
      }
      %parallel_loop3A_415 = arith.constant 0 : i32
      %parallel_loop3A_416 = arith.constant 128 : i32
      %parallel_loop3A_417 = arith.constant 1 : i32
      scf.for %parallel_loop3A_437 = %parallel_loop3A_415 to %parallel_loop3A_416 step %parallel_loop3A_417  : i32 {
        %parallel_loop3A_438 = arith.constant 0 : i32
        %parallel_loop3A_439 = vector.broadcast %parallel_loop3A_438 : i32 to vector<16xi32>
        %parallel_loop3A_440 = vector.broadcast %parallel_loop3A_437 : i32 to vector<16xi32>
        %parallel_loop3A_441 = arith.addi %parallel_loop3A_439, %parallel_loop3A_440 : vector<16xi32>
        %parallel_loop3A_442 = arith.index_cast %parallel_loop3A_437 : i32 to index
        %parallel_loop3A_443 = arith.constant 0 : index
        %parallel_loop3A_444 = tpu.vector_load %arg7[%parallel_loop3A_442, %parallel_loop3A_443] {strides = array<i32>} : memref<128x64xf32, #tpu.memory_space<vmem>>, vector<16xf32>,
        tpu.vector_store_idx %arg9[%select_n3A, %select_n3A_46, %parallel_loop3A_441], %parallel_loop3A_444 : memref<8x8x129xf32, #tpu.memory_space<vmem>>[vector<16xi32>, vector<16xi32>, vector<16xi32>], vector<16xf32>,
        %parallel_loop3A_445 = arith.index_cast %parallel_loop3A_437 : i32 to index
        %parallel_loop3A_446 = arith.constant 16 : index
        %parallel_loop3A_447 = tpu.vector_load %arg7[%parallel_loop3A_445, %parallel_loop3A_446] {strides = array<i32>} : memref<128x64xf32, #tpu.memory_space<vmem>>, vector<16xf32>,
        tpu.vector_store_idx %arg9[%select_n3A_80, %select_n3A_102, %parallel_loop3A_441], %parallel_loop3A_447 : memref<8x8x129xf32, #tpu.memory_space<vmem>>[vector<16xi32>, vector<16xi32>, vector<16xi32>], vector<16xf32>,
        %parallel_loop3A_448 = arith.index_cast %parallel_loop3A_437 : i32 to index
        %parallel_loop3A_449 = arith.constant 32 : index
        %parallel_loop3A_450 = tpu.vector_load %arg7[%parallel_loop3A_448, %parallel_loop3A_449] {strides = array<i32>} : memref<128x64xf32, #tpu.memory_space<vmem>>, vector<16xf32>,
        tpu.vector_store_idx %arg9[%select_n3A_136, %select_n3A_158, %parallel_loop3A_441], %parallel_loop3A_450 : memref<8x8x129xf32, #tpu.memory_space<vmem>>[vector<16xi32>, vector<16xi32>, vector<16xi32>], vector<16xf32>,
        %parallel_loop3A_451 = arith.index_cast %parallel_loop3A_437 : i32 to index
        %parallel_loop3A_452 = arith.constant 48 : index
        %parallel_loop3A_453 = tpu.vector_load %arg7[%parallel_loop3A_451, %parallel_loop3A_452] {strides = array<i32>} : memref<128x64xf32, #tpu.memory_space<vmem>>, vector<16xf32>,
        tpu.vector_store_idx %arg9[%select_n3A_192, %select_n3A_214, %parallel_loop3A_441], %parallel_loop3A_453 : memref<8x8x129xf32, #tpu.memory_space<vmem>>[vector<16xi32>, vector<16xi32>, vector<16xi32>], vector<16xf32>,
      } {sc.loop_unroll_factor = 8 : i64, sc.parallel_access}
      %dma_start3A_418 = arith.constant 0 : i32
      %dma_start3A_419 = arith.constant 0 : i32
      %dma_start3A_420 = arith.constant 0 : i32
      %dma_start3A_421 = tpu.memref_slice %arg9[%dma_start3A_418, %dma_start3A_419, %dma_start3A_420] : memref<8x8x129xf32, #tpu.memory_space<vmem>> -> memref<8x8x128xf32, #tpu.memory_space<vmem>>
      %dma_start3A_422 = arith.constant 0 : i32
      %dma_start3A_423 = arith.constant 0 : i32
      %dma_start3A_424 = arith.constant 0 : i32
      %dma_start3A_425 = tpu.memref_slice %arg4[%select_n3A_393, %dma_start3A_422, %select_n3A_409, %dma_start3A_423, %dma_start3A_424] : memref<50x8x32x8x128xf32, #tpu.memory_space<hbm>> -> memref<1x8x1x8x128xf32, #tpu.memory_space<hbm>>
      %dma_start3A_426 = tpu.memref_squeeze %dma_start3A_425 : memref<1x8x1x8x128xf32, #tpu.memory_space<hbm>> -> memref<8x8x128xf32, #tpu.memory_space<hbm>>
      %dma_start3A_427 = arith.constant 0 : i32
      %dma_start3A_428 = arith.constant 0 : i32
      %dma_start3A_429 = arith.constant 0 : i32
      %dma_start3A_430 = tpu.memref_slice %arg4[%select_n3A_393, %dma_start3A_427, %select_n3A_409, %dma_start3A_428, %dma_start3A_429] : memref<50x8x32x8x128xf32, #tpu.memory_space<hbm>> -> memref<1x8x1x8x128xf32, #tpu.memory_space<hbm>>
      %dma_start3A_431 = tpu.memref_squeeze %dma_start3A_430 : memref<1x8x1x8x128xf32, #tpu.memory_space<hbm>> -> memref<8x8x128xf32, #tpu.memory_space<hbm>>
      %dma_start3A_432 = arith.constant 0 : i32
      %dma_start3A_433 = arith.constant 0 : i32
      %dma_start3A_434 = arith.constant 0 : i32
      %dma_start3A_435 = tpu.memref_slice %arg9[%dma_start3A_432, %dma_start3A_433, %dma_start3A_434] : memref<8x8x129xf32, #tpu.memory_space<vmem>> -> memref<8x8x128xf32, #tpu.memory_space<vmem>>
      tpu.enqueue_dma source(%dma_start3A_435 : memref<8x8x128xf32, #tpu.memory_space<vmem>>) target(%dma_start3A_431 : memref<8x8x128xf32, #tpu.memory_space<hbm>>) target_semaphore(%arg13 : memref<!tpu.dma_semaphore, #tpu.memory_space<semaphore_mem>>)
      %scan3A_436 = arith.constant 0 : i32
      scf.yield %scan3A_436 : i32
    }
    %scan3A_226 = arith.constant 25 : i32
    %dma_wait3A = arith.constant 0 : i32
    %dma_wait3A_227 = arith.constant 0 : i32
    %dma_wait3A_228 = arith.constant 0 : i32
    %dma_wait3A_229 = arith.constant 0 : i32
    %dma_wait3A_230 = arith.constant 0 : i32
    %dma_wait3A_231 = tpu.memref_slice %arg8[%dma_wait3A_228, %dma_wait3A_229, %dma_wait3A_230] : memref<8x8x129xf32, #tpu.memory_space<vmem>> -> memref<8x8x128xf32, #tpu.memory_space<vmem>>
    %dma_wait3A_232 = arith.constant 0 : i32
    %dma_wait3A_233 = arith.constant 0 : i32
    %dma_wait3A_234 = arith.constant 0 : i32
    %dma_wait3A_235 = tpu.memref_slice %arg4[%dma_wait3A, %dma_wait3A_232, %dma_wait3A_227, %dma_wait3A_233, %dma_wait3A_234] : memref<50x8x32x8x128xf32, #tpu.memory_space<hbm>> -> memref<1x8x1x8x128xf32, #tpu.memory_space<hbm>>
    %dma_wait3A_236 = tpu.memref_squeeze %dma_wait3A_235 : memref<1x8x1x8x128xf32, #tpu.memory_space<hbm>> -> memref<8x8x128xf32, #tpu.memory_space<hbm>>
    %dma_wait3A_237 = arith.constant 0 : i32
    %dma_wait3A_238 = arith.constant 0 : i32
    %dma_wait3A_239 = arith.constant 0 : i32
    %dma_wait3A_240 = tpu.memref_slice %arg4[%dma_wait3A, %dma_wait3A_237, %dma_wait3A_227, %dma_wait3A_238, %dma_wait3A_239] : memref<50x8x32x8x128xf32, #tpu.memory_space<hbm>> -> memref<1x8x1x8x128xf32, #tpu.memory_space<hbm>>
    %dma_wait3A_241 = tpu.memref_squeeze %dma_wait3A_240 : memref<1x8x1x8x128xf32, #tpu.memory_space<hbm>> -> memref<8x8x128xf32, #tpu.memory_space<hbm>>
    %dma_wait3A_242 = arith.constant 0 : i32
    %dma_wait3A_243 = arith.constant 0 : i32
    %dma_wait3A_244 = arith.constant 0 : i32
    %dma_wait3A_245 = tpu.memref_slice %arg8[%dma_wait3A_242, %dma_wait3A_243, %dma_wait3A_244] : memref<8x8x129xf32, #tpu.memory_space<vmem>> -> memref<8x8x128xf32, #tpu.memory_space<vmem>>
    tpu.wait_dma2 semaphore(%arg12 : memref<!tpu.dma_semaphore, #tpu.memory_space<semaphore_mem>>) src(%dma_wait3A_245 : memref<8x8x128xf32, #tpu.memory_space<vmem>>) dst(%dma_wait3A_241 : memref<8x8x128xf32, #tpu.memory_space<hbm>>)
    %dma_wait3A_246 = arith.constant 0 : i32
    %dma_wait3A_247 = arith.constant 0 : i32
    %dma_wait3A_248 = arith.constant 0 : i32
    %dma_wait3A_249 = arith.constant 0 : i32
    %dma_wait3A_250 = arith.constant 0 : i32
    %dma_wait3A_251 = tpu.memref_slice %arg9[%dma_wait3A_248, %dma_wait3A_249, %dma_wait3A_250] : memref<8x8x129xf32, #tpu.memory_space<vmem>> -> memref<8x8x128xf32, #tpu.memory_space<vmem>>
    %dma_wait3A_252 = arith.constant 0 : i32
    %dma_wait3A_253 = arith.constant 0 : i32
    %dma_wait3A_254 = arith.constant 0 : i32
    %dma_wait3A_255 = tpu.memref_slice %arg4[%dma_wait3A_246, %dma_wait3A_252, %dma_wait3A_247, %dma_wait3A_253, %dma_wait3A_254] : memref<50x8x32x8x128xf32, #tpu.memory_space<hbm>> -> memref<1x8x1x8x128xf32, #tpu.memory_space<hbm>>
    %dma_wait3A_256 = tpu.memref_squeeze %dma_wait3A_255 : memref<1x8x1x8x128xf32, #tpu.memory_space<hbm>> -> memref<8x8x128xf32, #tpu.memory_space<hbm>>
    %dma_wait3A_257 = arith.constant 0 : i32
    %dma_wait3A_258 = arith.constant 0 : i32
    %dma_wait3A_259 = arith.constant 0 : i32
    %dma_wait3A_260 = tpu.memref_slice %arg4[%dma_wait3A_246, %dma_wait3A_257, %dma_wait3A_247, %dma_wait3A_258, %dma_wait3A_259] : memref<50x8x32x8x128xf32, #tpu.memory_space<hbm>> -> memref<1x8x1x8x128xf32, #tpu.memory_space<hbm>>
    %dma_wait3A_261 = tpu.memref_squeeze %dma_wait3A_260 : memref<1x8x1x8x128xf32, #tpu.memory_space<hbm>> -> memref<8x8x128xf32, #tpu.memory_space<hbm>>
    %dma_wait3A_262 = arith.constant 0 : i32
    %dma_wait3A_263 = arith.constant 0 : i32
    %dma_wait3A_264 = arith.constant 0 : i32
    %dma_wait3A_265 = tpu.memref_slice %arg9[%dma_wait3A_262, %dma_wait3A_263, %dma_wait3A_264] : memref<8x8x129xf32, #tpu.memory_space<vmem>> -> memref<8x8x128xf32, #tpu.memory_space<vmem>>
    tpu.wait_dma2 semaphore(%arg13 : memref<!tpu.dma_semaphore, #tpu.memory_space<semaphore_mem>>) src(%dma_wait3A_265 : memref<8x8x128xf32, #tpu.memory_space<vmem>>) dst(%dma_wait3A_261 : memref<8x8x128xf32, #tpu.memory_space<hbm>>)
    return
  }
}

</mosaic_0001>

<sc_bundles>
// kernel: kernel.4.cloned.1.call-start
scs
__scs_entry_jumppad:
0x0: {  	(pc) =	sbr.rel $0x88, $3  }
0x1: {  	(tag) =	ssettag $0x0;
	lr =	simm.s32 $0x1  }
0x2: {  	[smem:$0x3F9D] =	sst lr;
	_ =	strace $0xD0000000  }
0x3: {  	_ = 	snop  }
0x4: {  	_ = 	snop  }
0x5: {  	_ = 	snop  }
0x6: {  	_ = 	snop  }
0x7: {  	_ = 	snop  }
__scs_overlays_trampoline_lowered:
0x8: {  	[smem:$0x3FAC] =	sst s0  }
0x9: {  	[smem:$0x3FAD] =	sst s1  }
0xa: {  	[smem:$0x3FAE] =	sst s2  }
0xb: {  	[smem:$0x3FAF] =	sst s3  }
0xc: {  	[smem:$0x3FB0] =	sst s4  }
0xd: {  	[smem:$0x3FB1] =	sst s5  }
0xe: {  	[smem:$0x3FB2] =	sst s6  }
0xf: {  	[smem:$0x3FB3] =	sst s7  }
0x10: {  	[smem:$0x3FB4] =	sst s8  }
0x11: {  	[smem:$0x3FB5] =	sst s9;
	s0 =	simm.s32 @!p0 $0x0  }
0x12: {  	s1 =	sld [smem:$0x3F9B];
	s0 =	simm.s32 @p0 $0x1  }
0x13: {  	[smem:$0x3FB6] =	sst s0;
	s0 =	simm.s32 @!p1 $0x0  }
0x14: {  	s2 =	sld [smem:$0x3F9A];
	s0 =	simm.s32 @p1 $0x1  }
0x15: {  	[smem:$0x3FB7] =	sst s0;
	s0 =	simm.s32 @!p2 $0x0  }
0x16: {  	s3 =	sld [smem:$0x3FDB];
	s0 =	simm.s32 @p2 $0x1  }
0x17: {  	s4 =	simm.s32 $0x1BF5;
	[smem:$0x3FB9] =	sst s0  }
0x18: {  	s0 =	sld [smem:$0x3F9C];
	_ =	swait.ge [sflag:s4], $0x0  }
0x19: {  	s7 =	sld [smem:$0x3F9D]  }
0x1a: {  	s8 =	sadd.s32 $0xFFFFE003, lr  }
0x1b: {  	s9 =	sadd.s32 $0xFFFFFEF7, lr;
	s5 =	simm.s32 $0xFFFFFFFF;
	p2 =	slt.u32 s8, $0xFFFFF086  }
0x1c: {  	p1 =	slt.u32 s9, $0xF7A;
	s5 =	simm.s32 @!p2 $0x0  }
0x1d: {  	s5 =	simm.s32 @p1 $0x1;
	p0 =	seq.s32 s7, s2  }
0x1e: {  	s7 =	smul.u32 @!p0 $0xF7A, s2;
	p2 =	seq.s32 @!p0 s5, $0x0  }
0x1f: {  	s9 =	smul.u32 $0xF7A, s1;
	s8 =	simm.s32 @!p0 $0x1BF5;
	p2 =	por !p2, p0  }
0x20: {  	[sflag:s8] =	ssyncset.s32 @!p0 $0xFFFFF086;
	s6 =	sadd.s32 @!p0 s3, s7;
	s7 =	simm.s32 @!p0 $0x108  }
0x21: {  	s3 =	sadd.s32 s3, s9;
	s6 =	sadd.s32 @!p0 $0x88, s6;
	s7 =	simm.s32 @p2 $0x1082  }
0x22: {  	[simem:s7], [sflag:s8] =	dma.local @!p0 [hbm:s6], $0xF7A  }
0x23: {  	s9 =	sor.u32 $0xD0000000, s2;
	s6 =	simm.s32 $0x108;
	_ =	swait.ge @!p0 [sflag:s8], $0x0  }
0x24: {  	s3 =	sadd.s32 $0x88, s3;
	s6 =	simm.s32 @!p1 $0x1082;
	[sflag:s4] =	ssyncset.s32 $0xFFFFF086  }
0x25: {  	[simem:s6], [sflag:s4] =	dma.local [hbm:s3], $0xF7A  }
0x26: {  	[smem:$0x3F9D] =	sst s1;
	(tag) =	ssettag s2;
	_ =	strace s9  }
0x27: {  	s1 =	sld [smem:$0x3FAD]  }
0x28: {  	s2 =	sld [smem:$0x3FAE]  }
0x29: {  	s4 =	sld [smem:$0x3FB0]  }
0x2a: {  	p0 =	seq.s32 s5, $0x0;
	s5 =	sld [smem:$0x3FB1]  }
0x2b: {  	s6 =	sld [smem:$0x3FB2]  }
0x2c: {  	s7 =	sld [smem:$0x3FB3]  }
0x2d: {  	s3 =	simm.s32 $0x108;
	s8 =	sld [smem:$0x3FB4]  }
0x2e: {  	s3 =	simm.s32 @!p0 $0x1082;
	s9 =	sld [smem:$0x3FB5]  }
0x2f: {  	lr =	sadd.s32 s0, s3;
	s0 =	sld [smem:$0x3FAC]  }
0x30: {  	s3 =	sld [smem:$0x3FAF]  }
0x31: {  	[smem:$0x3FB8] =	sst s10  }
0x32: {  	s10 =	sld [smem:$0x3FB6];
	_ =	sdelay $0x3  }
0x33: {  	p0 =	seq.s32 s10, $0x1;
	s10 =	sld [smem:$0x3FB8];
	_ =	sdelay $0x3  }
0x34: {  	[smem:$0x3FB8] =	sst s10  }
0x35: {  	s10 =	sld [smem:$0x3FB7];
	_ =	sdelay $0x3  }
0x36: {  	p1 =	seq.s32 s10, $0x1;
	s10 =	sld [smem:$0x3FB8];
	_ =	sdelay $0x3  }
0x37: {  	[smem:$0x3FB8] =	sst s10  }
0x38: {  	s10 =	sld [smem:$0x3FB9]  }
0x39: {  	_ = 	snop;
	(pc) =	sbr.ind lr, $3  }
0x3a: {  	_ = 	snop  }
0x3b: {  	_ = 	snop  }
0x3c: {  	p2 =	seq.s32 s10, $0x1;
	s10 =	sld [smem:$0x3FB8]  }
0x3d: {  	_ =	shalt  }
0x3e: {  	_ =	shalt  }
0x3f: {  	_ =	shalt  }
0x40: {  	_ =	shalt  }
0x41: {  	_ =	shalt  }
0x42: {  	_ =	shalt  }
0x43: {  	_ =	shalt  }
0x44: {  	_ =	shalt  }
0x45: {  	_ =	shalt  }
0x46: {  	_ =	shalt  }
0x47: {  	_ =	shalt  }
0x48: {  	_ =	shalt  }
0x49: {  	_ =	shalt  }
0x4a: {  	_ =	shalt  }
0x4b: {  	_ =	shalt  }
0x4c: {  	_ =	shalt  }
0x4d: {  	_ =	shalt  }
0x4e: {  	_ =	shalt  }
0x4f: {  	_ =	shalt  }
0x50: {  	_ =	shalt  }
0x51: {  	_ =	shalt  }
0x52: {  	_ =	shalt  }
0x53: {  	_ =	shalt  }
0x54: {  	_ =	shalt  }
0x55: {  	_ =	shalt  }
0x56: {  	_ =	shalt  }
0x57: {  	_ =	shalt  }
0x58: {  	_ =	shalt  }
0x59: {  	_ =	shalt  }
0x5a: {  	_ =	shalt  }
0x5b: {  	_ =	shalt  }
0x5c: {  	_ =	shalt  }
0x5d: {  	_ =	shalt  }
0x5e: {  	_ =	shalt  }
0x5f: {  	_ =	shalt  }
0x60: {  	_ =	shalt  }
0x61: {  	_ =	shalt  }
0x62: {  	_ =	shalt  }
0x63: {  	_ =	shalt  }
0x64: {  	_ =	shalt  }
0x65: {  	_ =	shalt  }
0x66: {  	_ =	shalt  }
0x67: {  	_ =	shalt  }
0x68: {  	_ =	shalt  }
0x69: {  	_ =	shalt  }
0x6a: {  	_ =	shalt  }
0x6b: {  	_ =	shalt  }
0x6c: {  	_ =	shalt  }
0x6d: {  	_ =	shalt  }
0x6e: {  	_ =	shalt  }
0x6f: {  	_ =	shalt  }
0x70: {  	_ =	shalt  }
0x71: {  	_ =	shalt  }
0x72: {  	_ =	shalt  }
0x73: {  	_ =	shalt  }
0x74: {  	_ =	shalt  }
0x75: {  	_ =	shalt  }
0x76: {  	_ =	shalt  }
0x77: {  	_ =	shalt  }
0x78: {  	_ =	shalt  }
0x79: {  	_ =	shalt  }
0x7a: {  	_ =	shalt  }
0x7b: {  	_ =	shalt  }
0x7c: {  	_ =	shalt  }
0x7d: {  	_ =	shalt  }
0x7e: {  	_ =	shalt  }
0x7f: {  	_ =	shalt  }
0x80: {  	_ =	shalt  }
0x81: {  	_ =	shalt  }
0x82: {  	_ =	shalt  }
0x83: {  	_ =	shalt  }
0x84: {  	_ =	shalt  }
0x85: {  	_ =	shalt  }
0x86: {  	_ =	shalt  }
0x87: {  	_ =	shalt  }
.Lfunc_end0:
.L_simem_size_0:
called_computation_lowered:
.L_overlay_start_0:
0x88: {  	s2 =	sld [smem:$0x3FD9]  }
0x89: {  	s3 =	sld [smem:$0x3FFE];
	_ =	sdelay $0x1  }
0x8a: {  	s1 =	srdreg.scid  }
0x8b: {  	s0 =	sand.u32 $0x1, s1  }
0x8c: {  	s15 =	sshll.u32 s0, $0xA;
	s2 =	sadd.s32 s3, s2  }
0x8d: {  	s2 =	sadd.s32 s2, s15  }
0x8e: {  	[smem:$0x3FC4] =	sst s2  }
0x8f: {  	_ = 	snop  }
0x90: {  	s2 =	sld [smem:$0x3FD0];
	_ =	sdelay $0x2  }
0x91: {  	s16 =	simm.s32 $0xB;
	s4 =	simm.s32 $0x10  }
0x92: {  	[smem:s4], [sflag:s16] =	dma.local [hbm:s2], $0x1  }
0x93: {  	_ =	swait.eq [sflag:s16], $0x1  }
0x94: {  	[sflag:s16] =	ssyncset.done $0x0  }
0x95: {  	[sflag:s16] =	ssyncadd.s32 $0xFFFFFFFF  }
0x96: {  	s17 =	sld [smem:$0x10];
	(tm) =	ssettm $0x1  }
0x97: {  	s18 =	sld [smem:$0x3FFB];
	_ =	sdelay $0x3  }
0x98: {  	_ =	strace s18  }
0x99: {  	s2 =	sld [smem:$0x3FFC];
	_ =	sdelay $0x3  }
0x9a: {  	_ =	strace s2  }
0x9b: {  	s2 =	sld [smem:$0x3FFD];
	_ =	sdelay $0x3  }
0x9c: {  	_ =	strace s2  }
0x9d: {  	_ =	strace $0x8FFFFFFF  }
0x9e: {  	s19 =	sld [smem:$0x3FDB];
	_ =	sdelay $0x1  }
0x9f: {  	s20 =	simm.s32 $_scs_section_size  }
0xa0: {  	s5 =	simm.s32 $_size__tile_overlayer_lowered;
	s6 =	simm.s32 $_tile_overlayer_lowered  }
0xa1: {  	s7 =	simm.s32 $0x1BFF;
	s21 =	sshll.u32 s6, $0x1;
	s4 =	sadd.s32 s20, s19  }
0xa2: {  	s22 =	simm.s32 $0x0;
	s5 =	sshll.u32 s5, $0x1;
	s6 =	sadd.s32 s21, s4  }
0xa3: {  	[timem:s22], [sflag:s7] =	dma.local [hbm:s6], s5  }
0xa4: {  	_ =	swait.ge [sflag:s7], s5  }
0xa5: {  	s5 =	ssub.s32 $0x0, s5;
	[sflag:s7] =	ssyncset.done $0x0  }
0xa6: {  	[sflag:s7] =	ssyncadd.s32 s5;
	_ =	sdelay $0x1  }
0xa7: {  	s23 =	simm.s32 $0x1B8B  }
0xa8: {  	_ =	swait.ge [sflag:s23], $0x1  }
0xa9: {  	[sflag:s23] =	ssyncset.done $0x0  }
0xaa: {  	[sflag:s23] =	ssyncadd.s32 $0xFFFFFFFF  }
0xab: {  	s5 =	sld [smem:$0x0]  }
0xac: {  	s6 =	sand.u32 $0xFFFFFFFE, s1  }
0xad: {  	p0 =	sne.s32 s1, s6  }
0xae: {  	s6 =	sshll.u32 @p0 s6, $0xE  }
0xaf: {  	s6 =	sadd.s32 @p0 $0x11B8D, s6;
	s7 =	sshll.u32 @p0 s5, $0x11  }
0xb0: {  	s6 =	sor.u32 @p0 s7, s6  }
0xb1: {  	[sflag:s6] =	ssyncadd.remote.s32 @p0 $0x1;
	_ =	sdelay $0x1  }
0xb2: {  	s6 =	simm.s32 @p0 $0x1B8D  }
0xb3: {  	_ =	swait.eq @p0 [sflag:s6], $0x1  }
0xb4: {  	[sflag:s6] =	ssyncadd.s32 @p0 $0xFFFFFFFF  }
0xb5: {  	s7 =	sshll.u32 @!p0 s1, $0xE  }
0xb6: {  	s7 =	sor.u32 @!p0 $0x4000, s7;
	s6 =	simm.s32 @!p0 $0x1B8D  }
0xb7: {  	s5 =	sshll.u32 @!p0 s5, $0x11;
	s7 =	sadd.s32 @!p0 $0x11B8D, s7;
	_ =	swait.eq @!p0 [sflag:s6], $0x1  }
0xb8: {  	s5 =	sor.u32 @!p0 s5, s7;
	[sflag:s6] =	ssyncadd.s32 @!p0 $0xFFFFFFFF  }
0xb9: {  	s25 =	simm.s32 $0x1B8E;
	s24 =	sld [smem:$0x3FFE];
	[sflag:s5] =	ssyncadd.remote.s32 @!p0 $0x1  }
0xba: {  	s26 =	simm.s32 $execute0_lowered;
	[smem:$0x3FD2] =	sst s25  }
0xbb: {  	s6 =	sshll.u32 s26, $0x1;
	_ =	strace $0x80000049;
	[dreg:$0x1] =	wrdreg $0xFFFFFFFF  }
0xbc: {  	s28 =	simm.s32 $_size_execute0_lowered;
	s4 =	sadd.s32 s4, s6;
	[dreg:$0x0] =	wrdreg $0x0  }
0xbd: {  	s6 =	sshll.u32 s28, $0x1;
	[dreg:$0x2] =	wrdreg s4  }
0xbe: {  	[dreg:$0x3] =	wrdreg s6  }
0xbf: {  	[dreg:$0x4] =	wrdreg $0xC0  }
0xc0: {  	_ =	task [dreg:s22], $0x5FFFF  }
0xc1: {  	[dreg:$0x1] =	wrdreg $0xFFFFFFFF  }
0xc2: {  	[dreg:$0x0] =	wrdreg $0x60  }
0xc3: {  	[dreg:$0x2] =	wrdreg s24  }
0xc4: {  	[dreg:$0x3] =	wrdreg s17  }
0xc5: {  	[dreg:$0x4] =	wrdreg $0x9  }
0xc6: {  	_ =	task.clear_ibuf [dreg:s22], $0x5FFFF;
	_ =	strace $0x90000049  }
0xc7: {  	s29 =	simm.s32 $0x9;
	_ =	strace $0x8000004B  }
0xc8: {  	_ =	swait.ge [sflag:s29], $0x1  }
0xc9: {  	[sflag:s29] =	ssyncadd.s32 $0xFFFFFFFF  }
0xca: {  	_ =	strace $0x9000004B  }
0xcb: {  	_ =	sfence  }
0xcc: {  	s30 =	sld [smem:$0x0];
	_ =	sdelay $0x2  }
0xcd: {  	s31 =	sshll.u32 s1, $0xD;
	s1 =	sshrl.u32 s1, $0x2  }
0xce: {  	s4 =	sand.u32 $0x4000, s31;
	s1 =	sadd.s32 s1, s30  }
0xcf: {  	s0 =	sor.u32 s4, s0;
	s1 =	sshll.u32 s1, $0x11  }
0xd0: {  	s0 =	sor.u32 s1, s0  }
0xd1: {  	s0 =	sadd.s32 $0x8F2B, s0  }
0xd2: {  	[sflag:s0] =	ssyncadd.remote.s32 $0x1  }
0xd3: {  	_ =	sfence.sel $0xFFFF  }
0xd4: {  	[dreg:$0x0] =	wrdreg $0xFFFFFFFF;
	(pc) =	sbr.abs _section_cstart, $3  }
0xd5: {  	[dreg:$0x1] =	wrdreg $0xFFFFFFFF  }
0xd6: {  	_ =	task.clear_ibuf [dreg:s22], $0x2FFFF;
	_ =	strace $0x9FFFFFFF  }
0xd7: {  	(tm) =	ssettm $0x7FFFFFFF  }
tec
execute0_lowered:
.L_overlay_start_1:
0x0: {  	(tag) =	ssettag $0x1  }
0x1: {  	v0 =	vlaneseq.u32  }
0x2: {  	v0 =	vmul.u32 $0x88, v0  }
0x3: {  	v1 =	vimm.s32 $0x0;
	vm0 =	vcmask $0x300  }
0x4: {  	s4 =	rddreg [dreg:$0x0];
	s1 =	srdreg.scid;
	v1 =	vsel vm0, $0x3, v1;
	v2 =	vadd.s32 $0x880, v0  }
0x5: {  	s0 =	stileid.u32;
	s2 =	rddreg [dreg:$0x1];
	v3 =	vadd.s32 $0x1100, v0;
	v4 =	vadd.s32 $0x1980, v0;
	v5 =	vor.u32 $0x1, v0  }
0x6: {  	s3 =	simm.s32 $0x0;
	s9 =	simm.s32 $0x80;
	s10 =	simm.s32 $0x1900;
	v6 =	vadd.s32 $0x881, v0;
	v7 =	vadd.s32 $0x1101, v0;
	v8 =	vadd.s32 $0x1981, v0  }
0x7: {  	s11 =	simm.s32 $0x1;
	s12 =	simm.s32 $0x3900;
	s13 =	simm.s32 $0x5900;
	v9 =	vor.u32 $0x2, v0;
	v10 =	vadd.s32 $0x882, v0;
	v11 =	vadd.s32 $0x1102, v0  }
0x8: {  	s14 =	simm.s32 $0x2;
	s15 =	simm.s32 $0x4;
	s16 =	simm.s32 $0x7B00;
	v12 =	vadd.s32 $0x1982, v0;
	v13 =	vor.u32 $0x3, v0;
	v14 =	vadd.s32 $0x883, v0  }
0x9: {  	s17 =	simm.s32 $0x3;
	s5 =	sand.u32 $0x1, s1;
	s6 =	sshll.u32 s0, $0x1;
	v15 =	vadd.s32 $0x1103, v0;
	v16 =	vadd.s32 $0x1983, v0;
	v17 =	vor.u32 $0x4, v0  }
0xa: {  	s18 =	simm.s32 $0x0;
	s1 =	rddreg [dreg:$0x2];
	s6 =	sor.u32 s5, s6;
	v18 =	vadd.s32 $0x884, v0;
	v19 =	vadd.s32 $0x1104, v0;
	v20 =	vadd.s32 $0x1984, v0  }
0xb: {  	[smem:$0x7FF] =	sst s3;
	s5 =	ssub.s32 $0x2, s5;
	s7 =	smul.u32 $0x320, s6;
	v21 =	vor.u32 $0x5, v0;
	v22 =	vadd.s32 $0x885, v0;
	v23 =	vadd.s32 $0x1105, v0  }
0xc: {  	_ =	strace $0x8000004A;
	s8 =	sshrl.u32 s5, $0x1;
	s6 =	smul.u32 $0x32, s6;
	v24 =	vadd.s32 $0x1985, v0;
	v25 =	vor.u32 $0x6, v0;
	v26 =	vadd.s32 $0x886, v0  }
0xd: {  	v27 =	vadd.s32 $0x1106, v0;
	v28 =	vadd.s32 $0x1986, v0;
	v29 =	vor.u32 $0x7, v0;
	s8 =	ssub.s32 s5, s8;
	s7 =	sadd.s32 s7, s4;
	s4 =	sadd.s32 $0xD2400, s4  }
0xe: {  	v30 =	vadd.s32 $0x887, v0;
	v31 =	vadd.s32 $0x1107, v0;
	v32 =	vadd.s32 $0x1987, v0;
	s5 =	sadd.s32 $0xCC000, s7;
	s7 =	smax.u32 s8, $0x1;
	s8 =	simm.s32 $0x5  }
.LBB2_1:
0xf: {  	[tilespmem:s3], [sflag:$0x5] =	stream.linear.gather [hbm4b:s5+s3], $0x1900, $0x38;
	[tilespmem:$0x9D00] =	vst v63  }
0x10: {  	_ =	swait.ge [sflag:s8], $0x1900  }
0x11: {  	[sflag:s8] =	ssyncset.done $0x0  }
0x12: {  	s19 =	simm.s32 $0x0;
	[sflag:s8] =	ssyncadd.s32 $0xFFFFE700  }
0x13: {  	[tilespmem:s10], [sflag:$0x1] =	stream.indirect.gather [hbm4b:s4+s9], $0x40, s3, s9, $0xb8;
	[tilespmem:$0x9D00] =	vst v63  }
.LBB2_2:
0x14: {  	_ =	swait.ge [sflag:s11], $0x2000  }
0x15: {  	s20 =	sshllo.u32 s19, $0x1;
	s26 =	simm.s32 $0x0;
	s28 =	simm.s32 $0x1  }
0x16: {  	s22 =	simm.s32 $0x2;
	s29 =	simm.s32 $0x3;
	s30 =	simm.s32 $0x4  }
0x17: {  	s23 =	simm.s32 $0x7;
	p0 =	seq.s32 s19, $0x0;
	s31 =	simm.s32 $0x5;
	v33 =	vmov s26;
	v34 =	vmov s28;
	v35 =	vmov s22  }
0x18: {  	[sflag:s11] =	ssyncset.done $0x0;
	s21 =	sshll.u32 s20, $0x7;
	v36 =	vmov s29;
	v37 =	vmov s30;
	v38 =	vmov s23;
	s22 =	simm.s32 @!p0 $0x3  }
0x19: {  	v39 =	vmov s31;
	s23 =	simm.s32 $0x6;
	[sflag:s11] =	ssyncadd.s32 $0xFFFFE000;
	s21 =	sand.u32 $0x3FFFFF80, s21;
	v33 =	vshrl.u32 v33, $0x3;
	v38 =	vshrl.u32 v38, $0x3  }
0x1a: {  	v40 =	vmov s23;
	v34 =	vshrl.u32 v34, $0x3;
	v35 =	vshrl.u32 v35, $0x3;
	[tilespmem:s12], [sflag:$0x2] =	stream.indirect.gather [hbm4b:s4+s9], $0x40, s21, s9, $0xb8;
	[tilespmem:$0x9D00] =	vst v63  }
0x1b: {  	v36 =	vshrl.u32 v36, $0x3;
	v37 =	vshrl.u32 v37, $0x3;
	v38 =	vshll.u32 v38, v1;
	_ =	swait.ge @!p0 [sflag:s22], $0x2000  }
0x1c: {  	v55 =	vshrl.u32 v39, $0x3;
	v33 =	vshll.u32 v33, v1;
	v38 =	vbroadcast v38, $0x0;
	[sflag:s22] =	ssyncset.done @!p0 $0x0  }
0x1d: {  	v34 =	vshll.u32 v34, v1;
	v51 =	vshll.u32 v35, v1;
	v33 =	vbroadcast v33, $0x0;
	[sflag:s22] =	ssyncadd.s32 @!p0 $0xFFFFE000;
	s22 =	simm.s32 $0x1A00  }
0x1e: {  	v52 =	vshll.u32 v36, v1;
	v47 =	vbroadcast v34, $0x0;
	v42 =	vadd.s32 v29, v38;
	v41 =	vld [tilespmem:s22+$0xC0]  }
0x1f: {  	v54 =	vshll.u32 v37, v1;
	v53 =	vbroadcast v51, $0x0;
	v44 =	vadd.s32 v0, v33;
	v43 =	vld [tilespmem:s22+$0xFFFFFF00]  }
0x20: {  	v36 =	vshll.u32 v55, v1;
	v35 =	vbroadcast v52, $0x0;
	v46 =	vadd.s32 v5, v47;
	v45 =	vld [tilespmem:s22+$0xFFFFFF40]  }
0x21: {  	v40 =	vshrl.u32 v40, $0x3;
	v34 =	vbroadcast v54, $0x0;
	v49 =	vadd.s32 v9, v53;
	v48 =	vld [tilespmem:s22+$0xFFFFFF80]  }
0x22: {  	v37 =	vbroadcast v36, $0x0;
	v56 =	vshll.u32 v40, v1;
	v50 =	vadd.s32 v13, v35;
	v39 =	vld [tilespmem:s22+$0xFFFFFFC0]  }
0x23: {  	v36 =	vbroadcast v56, $0x0;
	v52 =	vadd.s32 v17, v34;
	v51 =	vld [tilespmem:s22+$0x0];
	[tilespmem:v42+s13+$0x0] =	vst.idx.msk $0xffff, v41  }
0x24: {  	v60 =	vadd.s32 v21, v37;
	v59 =	vld [tilespmem:s22+$0x40];
	[tilespmem:v44+s13+$0x0] =	vst.idx.msk $0xffff, v43  }
0x25: {  	v61 =	vld [tilespmem:s22+$0x80];
	v62 =	vadd.s32 v25, v36;
	[tilespmem:v46+s13+$0x0] =	vst.idx.msk $0xffff, v45  }
0x26: {  	v58 =	vadd.s32 v30, v38;
	[tilespmem:v49+s13+$0x0] =	vst.idx.msk $0xffff, v48;
	v57 =	vld [tilespmem:s22+$0xD0]  }
0x27: {  	v63 =	vadd.s32 v6, v47;
	[tilespmem:v50+s13+$0x0] =	vst.idx.msk $0xffff, v39;
	v46 =	vld [tilespmem:s22+$0xFFFFFF50]  }
0x28: {  	v55 =	vadd.s32 v10, v53;
	[tilespmem:v52+s13+$0x0] =	vst.idx.msk $0xffff, v51;
	v54 =	vld [tilespmem:s22+$0xFFFFFF90]  }
0x29: {  	v56 =	vadd.s32 v14, v35;
	[tilespmem:v60+s13+$0x0] =	vst.idx.msk $0xffff, v59;
	v50 =	vld [tilespmem:s22+$0xFFFFFFD0]  }
0x2a: {  	[tilespmem:v62+s13+$0x0] =	vst.idx.msk $0xffff, v61;
	v45 =	vadd.s32 v22, v37;
	v44 =	vld [tilespmem:s22+$0x50]  }
0x2b: {  	v59 =	vadd.s32 v18, v34;
	[tilespmem:v58+s13+$0x0] =	vst.idx.msk $0xffff, v57;
	v58 =	vld [tilespmem:s22+$0x10]  }
0x2c: {  	v57 =	vadd.s32 v31, v38;
	[tilespmem:v63+s13+$0x0] =	vst.idx.msk $0xffff, v46;
	v40 =	vld [tilespmem:s22+$0xE0]  }
0x2d: {  	v62 =	vadd.s32 v2, v33;
	v61 =	vld [tilespmem:s22+$0xFFFFFF10];
	[tilespmem:v55+s13+$0x0] =	vst.idx.msk $0xffff, v54  }
0x2e: {  	v60 =	vadd.s32 v26, v36;
	v63 =	vld [tilespmem:s22+$0x90];
	[tilespmem:v56+s13+$0x0] =	vst.idx.msk $0xffff, v50  }
0x2f: {  	v51 =	vadd.s32 v7, v47;
	[tilespmem:v45+s13+$0x0] =	vst.idx.msk $0xffff, v44;
	v50 =	vld [tilespmem:s22+$0xFFFFFF60]  }
0x30: {  	v56 =	vadd.s32 v11, v53;
	v55 =	vld [tilespmem:s22+$0xFFFFFFA0];
	[tilespmem:v59+s13+$0x0] =	vst.idx.msk $0xffff, v58  }
0x31: {  	v58 =	vadd.s32 v15, v35;
	[tilespmem:v57+s13+$0x0] =	vst.idx.msk $0xffff, v40;
	v57 =	vld [tilespmem:s22+$0xFFFFFFE0]  }
0x32: {  	v38 =	vadd.s32 v32, v38;
	[tilespmem:v62+s13+$0x0] =	vst.idx.msk $0xffff, v61;
	v52 =	vld [tilespmem:s22+$0xF0]  }
0x33: {  	[tilespmem:v60+s13+$0x0] =	vst.idx.msk $0xffff, v63;
	v60 =	vadd.s32 v19, v34;
	v59 =	vld [tilespmem:s22+$0x20]  }
0x34: {  	s26 =	simm.s32 $0xA;
	s28 =	simm.s32 $0xB;
	v41 =	vadd.s32 v23, v37;
	v43 =	vadd.s32 v27, v36;
	[tilespmem:v51+s13+$0x0] =	vst.idx.msk $0xffff, v50;
	v40 =	vld [tilespmem:s22+$0x60]  }
0x35: {  	s24 =	simm.s32 $0x8;
	s29 =	simm.s32 $0xC;
	v48 =	vadd.s32 v3, v33;
	v54 =	vmov s26;
	v44 =	vmov s28;
	v42 =	vld [tilespmem:s22+$0xA0];
	[tilespmem:v56+s13+$0x0] =	vst.idx.msk $0xffff, v55  }
0x36: {  	s25 =	simm.s32 $0x9;
	v46 =	vmov s29;
	v53 =	vadd.s32 v12, v53;
	v45 =	vld [tilespmem:s22+$0xFFFFFF20];
	v63 =	vmov s24;
	[tilespmem:v58+s13+$0x0] =	vst.idx.msk $0xffff, v57  }
0x37: {  	s30 =	simm.s32 $0xD;
	s31 =	simm.s32 $0xE;
	s24 =	sshll.u32 s19, $0x1;
	v39 =	vshrl.u32 v63, $0x3;
	v51 =	vmov s25;
	v49 =	vld [tilespmem:s22+$0xFFFFFF70];
	[tilespmem:v38+s13+$0x0] =	vst.idx.msk $0xffff, v52;
	v52 =	vadd.s32 v8, v47  }
0x38: {  	s23 =	simm.s32 $0x10;
	s21 =	sadd.s32 s6, s24;
	s24 =	simm.s32 $0xF;
	v50 =	vld [tilespmem:s22+$0xFFFFFFB0];
	[tilespmem:v60+s13+$0x0] =	vst.idx.msk $0xffff, v59;
	v38 =	vmov s30;
	v47 =	vshll.u32 v39, v1;
	v39 =	vmov s31  }
.LBB2_3:
0x39: {  	p1 =	slt.u32 s23, $0x78;
	v51 =	vshrl.u32 v51, $0x3;
	v55 =	vmov s24;
	v56 =	vld [tilespmem:s22+$0xFFFFFFF0];
	v35 =	vadd.s32 v16, v35;
	[tilespmem:v41+s13+$0x0] =	vst.idx.msk $0xffff, v40  }
0x3a: {  	v40 =	vshrl.u32 v54, $0x3;
	v34 =	vadd.s32 v20, v34;
	v41 =	vshrl.u32 v55, $0x3;
	v54 =	vld [tilespmem:s22+$0x30];
	[tilespmem:v43+s13+$0x0] =	vst.idx.msk $0xffff, v42  }
0x3b: {  	v37 =	vadd.s32 v24, v37;
	v42 =	vshrl.u32 v44, $0x3;
	v41 =	vshll.u32 v41, v1;
	[tilespmem:v48+s13+$0x0] =	vst.idx.msk $0xffff, v45;
	v43 =	vld [tilespmem:s22+$0x70]  }
0x3c: {  	v36 =	vadd.s32 v28, v36;
	v44 =	vshrl.u32 v46, $0x3;
	v41 =	vbroadcast v41, $0x0;
	[tilespmem:v52+s13+$0x0] =	vst.idx.msk $0xffff, v49;
	v45 =	vld [tilespmem:s22+$0xB0]  }
0x3d: {  	v46 =	vshll.u32 v51, v1;
	v49 =	vadd.s32 v4, v33;
	v33 =	vbroadcast v47, $0x0;
	v48 =	vld [tilespmem:s22+$0xFFFFFF30];
	[tilespmem:v53+s13+$0x0] =	vst.idx.msk $0xffff, v50;
	s22 =	sadd.s32 $0x200, s22  }
0x3e: {  	v40 =	vshll.u32 v40, v1;
	v47 =	vbroadcast v46, $0x0;
	v46 =	vld [tilespmem:s22+$0xC0];
	v50 =	vadd.s32 v29, v41;
	[tilespmem:v35+s13+$0x0] =	vst.idx.msk $0xffff, v56  }
0x3f: {  	v53 =	vbroadcast v40, $0x0;
	v52 =	vadd.s32 v0, v33;
	v35 =	vshll.u32 v42, v1;
	v51 =	vld [tilespmem:s22+$0xFFFFFF00];
	[tilespmem:v34+s13+$0x0] =	vst.idx.msk $0xffff, v54  }
0x40: {  	v42 =	vadd.s32 v5, v47;
	v35 =	vbroadcast v35, $0x0;
	v34 =	vshll.u32 v44, v1;
	v40 =	vld [tilespmem:s22+$0xFFFFFF40];
	[tilespmem:v37+s13+$0x0] =	vst.idx.msk $0xffff, v43  }
0x41: {  	v44 =	vadd.s32 v9, v53;
	v34 =	vbroadcast v34, $0x0;
	v37 =	vshrl.u32 v38, $0x3;
	v43 =	vld [tilespmem:s22+$0xFFFFFF80];
	[tilespmem:v36+s13+$0x0] =	vst.idx.msk $0xffff, v45  }
0x42: {  	v39 =	vshrl.u32 v39, $0x3;
	v45 =	vadd.s32 v13, v35;
	v36 =	vshll.u32 v37, v1;
	v38 =	vld [tilespmem:s22+$0xFFFFFFC0];
	[tilespmem:v49+s13+$0x0] =	vst.idx.msk $0xffff, v48  }
0x43: {  	v49 =	vadd.s32 v17, v34;
	v37 =	vbroadcast v36, $0x0;
	v36 =	vshll.u32 v39, v1;
	v48 =	vld [tilespmem:s22+$0x0];
	[tilespmem:v50+s13+$0x0] =	vst.idx.msk $0xffff, v46  }
0x44: {  	v36 =	vbroadcast v36, $0x0;
	v46 =	vadd.s32 v30, v41;
	[tilespmem:v52+s13+$0x0] =	vst.idx.msk $0xffff, v51;
	v39 =	vld [tilespmem:s22+$0xD0]  }
0x45: {  	[tilespmem:v42+s13+$0x0] =	vst.idx.msk $0xffff, v40;
	v40 =	vld [tilespmem:s22+$0x40];
	v42 =	vadd.s32 v21, v37  }
0x46: {  	[tilespmem:v44+s13+$0x0] =	vst.idx.msk $0xffff, v43;
	v43 =	vld [tilespmem:s22+$0x80];
	v44 =	vadd.s32 v25, v36  }
0x47: {  	v51 =	vadd.s32 v6, v47;
	v50 =	vld [tilespmem:s22+$0xFFFFFF50];
	[tilespmem:v45+s13+$0x0] =	vst.idx.msk $0xffff, v38  }
0x48: {  	v45 =	vadd.s32 v10, v53;
	v38 =	vld [tilespmem:s22+$0xFFFFFF90];
	[tilespmem:v49+s13+$0x0] =	vst.idx.msk $0xffff, v48  }
0x49: {  	v49 =	vadd.s32 v14, v35;
	v48 =	vld [tilespmem:s22+$0xFFFFFFD0];
	[tilespmem:v46+s13+$0x0] =	vst.idx.msk $0xffff, v39  }
0x4a: {  	[tilespmem:v42+s13+$0x0] =	vst.idx.msk $0xffff, v40;
	v39 =	vld [tilespmem:s22+$0xE0];
	v40 =	vadd.s32 v31, v41  }
0x4b: {  	v46 =	vadd.s32 v18, v34;
	v42 =	vld [tilespmem:s22+$0x10];
	[tilespmem:v44+s13+$0x0] =	vst.idx.msk $0xffff, v43  }
0x4c: {  	v44 =	vadd.s32 v22, v37;
	[tilespmem:v51+s13+$0x0] =	vst.idx.msk $0xffff, v50;
	v43 =	vld [tilespmem:s22+$0x50]  }
0x4d: {  	[tilespmem:v45+s13+$0x0] =	vst.idx.msk $0xffff, v38;
	v38 =	vld [tilespmem:s22+$0x90];
	v45 =	vadd.s32 v26, v36  }
0x4e: {  	v51 =	vadd.s32 v2, v33;
	v50 =	vld [tilespmem:s22+$0xFFFFFF10];
	[tilespmem:v49+s13+$0x0] =	vst.idx.msk $0xffff, v48  }
0x4f: {  	v49 =	vadd.s32 v7, v47;
	v48 =	vld [tilespmem:s22+$0xFFFFFF60];
	[tilespmem:v40+s13+$0x0] =	vst.idx.msk $0xffff, v39  }
0x50: {  	[tilespmem:v46+s13+$0x0] =	vst.idx.msk $0xffff, v42;
	v39 =	vld [tilespmem:s22+$0xF0];
	v46 =	vadd.s32 v32, v41  }
0x51: {  	v55 =	vadd.s32 v11, v53;
	v52 =	vld [tilespmem:s22+$0xFFFFFFA0];
	[tilespmem:v44+s13+$0x0] =	vst.idx.msk $0xffff, v43  }
0x52: {  	v57 =	vadd.s32 v15, v35;
	v56 =	vld [tilespmem:s22+$0xFFFFFFE0];
	[tilespmem:v45+s13+$0x0] =	vst.idx.msk $0xffff, v38  }
0x53: {  	v59 =	vadd.s32 v19, v34;
	[tilespmem:v51+s13+$0x0] =	vst.idx.msk $0xffff, v50;
	v58 =	vld [tilespmem:s22+$0x20]  }
.Ltmp0:
0x54: {  	s24 =	sadd.s32 $0x1, s23;
	v41 =	vadd.s32 v23, v37;
	v38 =	vmov s23;
	[tilespmem:v49+s13+$0x0] =	vst.idx.msk $0xffff, v48;
	v40 =	vld [tilespmem:s22+$0x60];
	(pc) =	sbr.rel @p1 .LBB2_3-.Ltmp0, $4  }
0x55: {  	s25 =	sadd.s32 $0x3, s23;
	v43 =	vadd.s32 v27, v36;
	v50 =	vshrl.u32 v38, $0x3;
	v51 =	vmov s24;
	s24 =	sadd.s32 $0x2, s23;
	v42 =	vld [tilespmem:s22+$0xA0];
	[tilespmem:v46+s13+$0x0] =	vst.idx.msk $0xffff, v39  }
0x56: {  	v44 =	vmov s25;
	s25 =	sadd.s32 $0x5, s23;
	v54 =	vmov s24;
	s24 =	sadd.s32 $0x4, s23;
	v48 =	vadd.s32 v3, v33;
	v45 =	vld [tilespmem:s22+$0xFFFFFF20];
	[tilespmem:v55+s13+$0x0] =	vst.idx.msk $0xffff, v52  }
0x57: {  	v38 =	vmov s25;
	v46 =	vmov s24;
	s24 =	sadd.s32 $0x6, s23;
	v52 =	vadd.s32 v8, v47;
	v49 =	vld [tilespmem:s22+$0xFFFFFF70];
	[tilespmem:v57+s13+$0x0] =	vst.idx.msk $0xffff, v56  }
0x58: {  	v53 =	vadd.s32 v12, v53;
	v47 =	vshll.u32 v50, v1;
	v39 =	vmov s24;
	s24 =	sadd.s32 $0x7, s23;
	s23 =	sadd.s32 $0x8, s23;
	v50 =	vld [tilespmem:s22+$0xFFFFFFB0];
	[tilespmem:v59+s13+$0x0] =	vst.idx.msk $0xffff, v58  }
0x59: {  	_ =	sdelay $0x2  }
0x5a: {  	v51 =	vshrl.u32 v51, $0x3  }
0x5b: {  	v55 =	vmov s24;
	v56 =	vld [tilespmem:s22+$0xFFFFFFF0];
	v35 =	vadd.s32 v16, v35;
	[tilespmem:v41+s13+$0x0] =	vst.idx.msk $0xffff, v40;
	v57 =	vshrl.u32 v54, $0x3  }
0x5c: {  	v59 =	vld [tilespmem:s22+$0x30];
	v34 =	vadd.s32 v20, v34;
	v60 =	vshrl.u32 v44, $0x3;
	v58 =	vshrl.u32 v55, $0x3;
	[tilespmem:v43+s13+$0x0] =	vst.idx.msk $0xffff, v42  }
0x5d: {  	v37 =	vadd.s32 v24, v37;
	v62 =	vshrl.u32 v46, $0x3;
	v61 =	vld [tilespmem:s22+$0x70];
	v41 =	vshll.u32 v58, v1;
	[tilespmem:v48+s13+$0x0] =	vst.idx.msk $0xffff, v45  }
0x5e: {  	v36 =	vadd.s32 v28, v36;
	v46 =	vbroadcast v47, $0x0;
	v63 =	vld [tilespmem:s22+$0xB0];
	v41 =	vbroadcast v41, $0x0;
	[tilespmem:v52+s13+$0x0] =	vst.idx.msk $0xffff, v49  }
0x5f: {  	v33 =	vadd.s32 v4, v33;
	s24 =	sadd.s32 $0x200, s22;
	v38 =	vshrl.u32 v38, $0x3;
	v55 =	vshll.u32 v51, v1;
	v48 =	vld [tilespmem:s22+$0xFFFFFF30];
	[tilespmem:v53+s13+$0x0] =	vst.idx.msk $0xffff, v50  }
0x60: {  	v40 =	vshll.u32 v57, v1;
	v47 =	vbroadcast v55, $0x0;
	v49 =	vld [tilespmem:s24+$0xC0];
	v50 =	vadd.s32 v29, v41;
	[tilespmem:v35+s13+$0x0] =	vst.idx.msk $0xffff, v56  }
0x61: {  	v42 =	vshll.u32 v60, v1;
	v40 =	vbroadcast v40, $0x0;
	v35 =	vld [tilespmem:s24+$0xFFFFFF00];
	v56 =	vadd.s32 v0, v46;
	[tilespmem:v34+s13+$0x0] =	vst.idx.msk $0xffff, v59  }
0x62: {  	v57 =	vld [tilespmem:s24+$0xFFFFFF40];
	v44 =	vshll.u32 v62, v1;
	v42 =	vbroadcast v42, $0x0;
	v58 =	vadd.s32 v5, v47;
	[tilespmem:v37+s13+$0x0] =	vst.idx.msk $0xffff, v61  }
0x63: {  	v38 =	vshll.u32 v38, v1;
	v44 =	vbroadcast v44, $0x0;
	v60 =	vadd.s32 v9, v40;
	v59 =	vld [tilespmem:s24+$0xFFFFFF80];
	[tilespmem:v36+s13+$0x0] =	vst.idx.msk $0xffff, v63  }
0x64: {  	v38 =	vbroadcast v38, $0x0;
	v62 =	vadd.s32 v13, v42;
	v61 =	vld [tilespmem:s24+$0xFFFFFFC0];
	[tilespmem:v33+s13+$0x0] =	vst.idx.msk $0xffff, v48  }
0x65: {  	v39 =	vshrl.u32 v39, $0x3;
	v63 =	vadd.s32 v17, v44;
	v33 =	vld [tilespmem:s24+$0x0];
	[tilespmem:v50+s13+$0x0] =	vst.idx.msk $0xffff, v49  }
0x66: {  	v39 =	vshll.u32 v39, v1;
	v34 =	vld [tilespmem:s24+$0x40];
	[tilespmem:v56+s13+$0x0] =	vst.idx.msk $0xffff, v35;
	v56 =	vadd.s32 v21, v38  }
0x67: {  	[tilespmem:v58+s13+$0x0] =	vst.idx.msk $0xffff, v57;
	v35 =	vbroadcast v39, $0x0;
	v49 =	vadd.s32 v30, v41;
	v39 =	vld [tilespmem:s24+$0xD0]  }
0x68: {  	[tilespmem:v60+s13+$0x0] =	vst.idx.msk $0xffff, v59;
	v59 =	vld [tilespmem:s24+$0xFFFFFF50];
	v60 =	vadd.s32 v6, v47  }
0x69: {  	v57 =	vld [tilespmem:s24+$0x80];
	[tilespmem:v62+s13+$0x0] =	vst.idx.msk $0xffff, v61;
	v58 =	vadd.s32 v25, v35  }
0x6a: {  	v61 =	vld [tilespmem:s24+$0xFFFFFF90];
	v62 =	vadd.s32 v10, v40;
	[tilespmem:v63+s13+$0x0] =	vst.idx.msk $0xffff, v33  }
0x6b: {  	v33 =	vld [tilespmem:s24+$0xFFFFFFD0];
	v63 =	vadd.s32 v14, v42;
	[tilespmem:v56+s13+$0x0] =	vst.idx.msk $0xffff, v34  }
0x6c: {  	v56 =	vadd.s32 v18, v44;
	[tilespmem:v49+s13+$0x0] =	vst.idx.msk $0xffff, v39;
	v49 =	vld [tilespmem:s24+$0x10]  }
0x6d: {  	[tilespmem:v60+s13+$0x0] =	vst.idx.msk $0xffff, v59;
	v39 =	vadd.s32 v31, v41;
	v34 =	vld [tilespmem:s24+$0xE0]  }
0x6e: {  	[tilespmem:v58+s13+$0x0] =	vst.idx.msk $0xffff, v57;
	v57 =	vld [tilespmem:s24+$0x50];
	v58 =	vadd.s32 v22, v38  }
0x6f: {  	[tilespmem:v62+s13+$0x0] =	vst.idx.msk $0xffff, v61;
	v61 =	vld [tilespmem:s24+$0xFFFFFF10];
	v62 =	vadd.s32 v2, v46  }
0x70: {  	v60 =	vadd.s32 v26, v35;
	v59 =	vld [tilespmem:s24+$0x90];
	[tilespmem:v63+s13+$0x0] =	vst.idx.msk $0xffff, v33  }
0x71: {  	v55 =	vadd.s32 v11, v40;
	v54 =	vadd.s32 v32, v41;
	v41 =	vld [tilespmem:s24+$0xFFFFFFA0];
	[tilespmem:v56+s13+$0x0] =	vst.idx.msk $0xffff, v49  }
0x72: {  	v53 =	vadd.s32 v7, v47;
	v63 =	vld [tilespmem:s24+$0xFFFFFF60];
	[tilespmem:v39+s13+$0x0] =	vst.idx.msk $0xffff, v34  }
0x73: {  	v56 =	vld [tilespmem:s24+$0xFFFFFFE0];
	[tilespmem:v58+s13+$0x0] =	vst.idx.msk $0xffff, v57;
	v57 =	vadd.s32 v15, v42  }
0x74: {  	[tilespmem:v62+s13+$0x0] =	vst.idx.msk $0xffff, v61;
	v34 =	vld [tilespmem:s24+$0xF0]  }
0x75: {  	v58 =	vld [tilespmem:s24+$0x20];
	[tilespmem:v60+s13+$0x0] =	vst.idx.msk $0xffff, v59;
	v59 =	vadd.s32 v19, v44  }
0x76: {  	v61 =	vadd.s32 v23, v38;
	[tilespmem:v55+s13+$0x0] =	vst.idx.msk $0xffff, v41;
	v60 =	vld [tilespmem:s24+$0x60]  }
0x77: {  	[tilespmem:v53+s13+$0x0] =	vst.idx.msk $0xffff, v63;
	v63 =	vadd.s32 v27, v35;
	v62 =	vld [tilespmem:s24+$0xA0]  }
0x78: {  	v47 =	vadd.s32 v8, v47;
	v55 =	vld [tilespmem:s24+$0xFFFFFF70];
	[tilespmem:v57+s13+$0x0] =	vst.idx.msk $0xffff, v56  }
0x79: {  	v53 =	vld [tilespmem:s24+$0xFFFFFF20];
	[tilespmem:v54+s13+$0x0] =	vst.idx.msk $0xffff, v34;
	v54 =	vadd.s32 v3, v46  }
0x7a: {  	v40 =	vadd.s32 v12, v40;
	v56 =	vld [tilespmem:s24+$0xFFFFFFB0];
	[tilespmem:v59+s13+$0x0] =	vst.idx.msk $0xffff, v58  }
0x7b: {  	v42 =	vadd.s32 v16, v42;
	v57 =	vld [tilespmem:s24+$0xFFFFFFF0];
	[tilespmem:v61+s13+$0x0] =	vst.idx.msk $0xffff, v60  }
0x7c: {  	v59 =	vadd.s32 v20, v44;
	v58 =	vld [tilespmem:s24+$0x30];
	[tilespmem:v63+s13+$0x0] =	vst.idx.msk $0xffff, v62  }
0x7d: {  	v38 =	vadd.s32 v24, v38;
	v60 =	vld [tilespmem:s24+$0x70];
	[tilespmem:v47+s13+$0x0] =	vst.idx.msk $0xffff, v55  }
0x7e: {  	v35 =	vadd.s32 v28, v35;
	v61 =	vld [tilespmem:s24+$0xB0];
	[tilespmem:v54+s13+$0x0] =	vst.idx.msk $0xffff, v53  }
0x7f: {  	v63 =	vadd.s32 v4, v46;
	[tilespmem:v40+s13+$0x0] =	vst.idx.msk $0xffff, v56;
	v62 =	vld [tilespmem:s24+$0xFFFFFF30]  }
0x80: {  	[tilespmem:v42+s13+$0x0] =	vst.idx.msk $0xffff, v57  }
0x81: {  	s25 =	sshll.u32 s21, $0x7;
	[tilespmem:v59+s13+$0x0] =	vst.idx.msk $0xffff, v58  }
0x82: {  	s26 =	sshll.u32 s21, $0xA;
	s22 =	sand.u32 $0xF00, s25;
	[tilespmem:v38+s13+$0x0] =	vst.idx.msk $0xffff, v60  }
0x83: {  	s21 =	sand.u32 $0xFFF8000, s26;
	s22 =	sadd.s32 s2, s22;
	[tilespmem:v35+s13+$0x0] =	vst.idx.msk $0xffff, v61  }
0x84: {  	s28 =	simm.s32 $0x5900;
	s22 =	sadd.s32 s21, s22;
	[tilespmem:v63+s13+$0x0] =	vst.idx.msk $0xffff, v62  }
0x85: {  	[hbm4b:s22+s3] =	stream.linear.scatter [tilespmem:s28], [sflag:$0x3], $0x80, $0x38;
	[tilespmem:$0x9D00] =	vst v63  }
0x86: {  	s29 =	simm.s32 $0x5988;
	s23 =	sadd.s32 $0x10, s22  }
0x87: {  	[hbm4b:s23+s3] =	stream.linear.scatter [tilespmem:s29], [sflag:$0x3], $0x80, $0x38;
	[tilespmem:$0x9D00] =	vst v63  }
0x88: {  	s30 =	simm.s32 $0x5A10;
	s25 =	simm.s32 $0x5B20;
	s31 =	sadd.s32 $0x20, s22  }
0x89: {  	[hbm4b:s31+s3] =	stream.linear.scatter [tilespmem:s30], [sflag:$0x3], $0x80, $0x38;
	[tilespmem:$0x9D00] =	vst v63  }
0x8a: {  	s21 =	simm.s32 $0x440;
	s24 =	sadd.s32 $0x30, s22;
	s23 =	simm.s32 $0x5A98  }
0x8b: {  	[hbm4b:s24+s3] =	stream.linear.scatter [tilespmem:s23], [sflag:$0x3], $0x80, $0x38;
	[tilespmem:$0x9D00] =	vst v63  }
0x8c: {  	s26 =	sadd.s32 $0x40, s22;
	s28 =	simm.s32 $0x5BA8;
	s29 =	sadd.s32 $0x50, s22  }
0x8d: {  	[hbm4b:s26+s3] =	stream.linear.scatter [tilespmem:s25], [sflag:$0x3], $0x80, $0x38;
	[tilespmem:$0x9D00] =	vst v63  }
0x8e: {  	s30 =	simm.s32 $0x5C30;
	s31 =	sadd.s32 $0x60, s22;
	s23 =	simm.s32 $0x2200  }
0x8f: {  	[hbm4b:s29+s3] =	stream.linear.scatter [tilespmem:s28], [sflag:$0x3], $0x80, $0x38;
	[tilespmem:$0x9D00] =	vst v63  }
0x90: {  	s24 =	simm.s32 $0x5CB8;
	s25 =	sadd.s32 $0x70, s22;
	s22 =	sadd.s32 $0x1000, s22  }
0x91: {  	[hbm4b:s31+s3] =	stream.linear.scatter [tilespmem:s30], [sflag:$0x3], $0x80, $0x38;
	[tilespmem:$0x9D00] =	vst v63  }
.LBB2_5:
0x92: {  	[hbm4b:s25+s3] =	stream.linear.scatter [tilespmem:s24], [sflag:$0x3], $0x80, $0x38;
	[tilespmem:$0x9D00] =	vst v63  }
0x93: {  	s24 =	smov.u32 s21;
	s21 =	smov.u32 s23  }
0x94: {  	s26 =	sadd.s32 $0x1100, s23;
	s21 =	sshra.s32 s21, $0x2;
	s25 =	sadd.s32 $0x5900, s24  }
0x95: {  	[hbm4b:s22+s3] =	stream.linear.scatter [tilespmem:s25], [sflag:$0x3], $0x80, $0x38;
	[tilespmem:$0x9D00] =	vst v63  }
0x96: {  	p1 =	sne.s32 s23, $0x7700;
	s23 =	sadd.s32 $0x5988, s24;
	s25 =	sadd.s32 $0x10, s22  }
0x97: {  	[hbm4b:s25+s3] =	stream.linear.scatter [tilespmem:s23], [sflag:$0x3], $0x80, $0x38;
	[tilespmem:$0x9D00] =	vst v63  }
0x98: {  	s23 =	sadd.s32 $0x5A10, s24;
	s25 =	sadd.s32 $0x20, s22  }
0x99: {  	[hbm4b:s25+s3] =	stream.linear.scatter [tilespmem:s23], [sflag:$0x3], $0x80, $0x38;
	[tilespmem:$0x9D00] =	vst v63  }
0x9a: {  	s23 =	sadd.s32 $0x5A98, s24;
	s25 =	sadd.s32 $0x30, s22  }
0x9b: {  	[hbm4b:s25+s3] =	stream.linear.scatter [tilespmem:s23], [sflag:$0x3], $0x80, $0x38;
	[tilespmem:$0x9D00] =	vst v63  }
0x9c: {  	s23 =	sadd.s32 $0x5B20, s24;
	s25 =	sadd.s32 $0x40, s22  }
0x9d: {  	[hbm4b:s25+s3] =	stream.linear.scatter [tilespmem:s23], [sflag:$0x3], $0x80, $0x38;
	[tilespmem:$0x9D00] =	vst v63  }
.Ltmp1:
0x9e: {  	s23 =	sadd.s32 $0x5BA8, s24;
	s25 =	sadd.s32 $0x50, s22;
	(pc) =	sbr.rel @p1 .LBB2_5-.Ltmp1, $4  }
0x9f: {  	[hbm4b:s25+s3] =	stream.linear.scatter [tilespmem:s23], [sflag:$0x3], $0x80, $0x38;
	[tilespmem:$0x9D00] =	vst v63  }
0xa0: {  	s23 =	sadd.s32 $0x5C30, s24;
	s25 =	sadd.s32 $0x60, s22;
	s24 =	sadd.s32 $0x5CB8, s24  }
0xa1: {  	[hbm4b:s25+s3] =	stream.linear.scatter [tilespmem:s23], [sflag:$0x3], $0x80, $0x38;
	[tilespmem:$0x9D00] =	vst v63  }
0xa2: {  	s25 =	sadd.s32 $0x70, s22;
	s22 =	sadd.s32 $0x1000, s22;
	s23 =	smov.u32 s26  }
0xa3: {  	[hbm4b:s25+s3] =	stream.linear.scatter [tilespmem:s24], [sflag:$0x3], $0x80, $0x38;
	[tilespmem:$0x9D00] =	vst v63  }
0xa4: {  	s23 =	sadd.s32 $0x5900, s21  }
0xa5: {  	[hbm4b:s22+s3] =	stream.linear.scatter [tilespmem:s23], [sflag:$0x3], $0x80, $0x38;
	[tilespmem:$0x9D00] =	vst v63  }
0xa6: {  	s30 =	sadd.s32 $0x5988, s21;
	s31 =	sadd.s32 $0x10, s22  }
0xa7: {  	[hbm4b:s31+s3] =	stream.linear.scatter [tilespmem:s30], [sflag:$0x3], $0x80, $0x38;
	[tilespmem:$0x9D00] =	vst v63  }
0xa8: {  	s25 =	sadd.s32 $0x5A10, s21;
	s26 =	sadd.s32 $0x20, s22  }
0xa9: {  	[hbm4b:s26+s3] =	stream.linear.scatter [tilespmem:s25], [sflag:$0x3], $0x80, $0x38;
	[tilespmem:$0x9D00] =	vst v63  }
0xaa: {  	s28 =	sadd.s32 $0x5A98, s21;
	s29 =	sadd.s32 $0x30, s22  }
0xab: {  	[hbm4b:s29+s3] =	stream.linear.scatter [tilespmem:s28], [sflag:$0x3], $0x80, $0x38;
	[tilespmem:$0x9D00] =	vst v63  }
0xac: {  	s30 =	sadd.s32 $0x5B20, s21;
	s31 =	sadd.s32 $0x40, s22  }
0xad: {  	[hbm4b:s31+s3] =	stream.linear.scatter [tilespmem:s30], [sflag:$0x3], $0x80, $0x38;
	[tilespmem:$0x9D00] =	vst v63  }
0xae: {  	s25 =	sadd.s32 $0x5BA8, s21;
	s26 =	sadd.s32 $0x50, s22  }
0xaf: {  	[hbm4b:s26+s3] =	stream.linear.scatter [tilespmem:s25], [sflag:$0x3], $0x80, $0x38;
	[tilespmem:$0x9D00] =	vst v63  }
0xb0: {  	p1 =	sne.s32 s19, $0x18;
	s28 =	sadd.s32 $0x5C30, s21;
	s29 =	sadd.s32 $0x60, s22  }
0xb1: {  	[hbm4b:s29+s3] =	stream.linear.scatter [tilespmem:s28], [sflag:$0x3], $0x80, $0x38;
	[tilespmem:$0x9D00] =	vst v63  }
.Ltmp2:
0xb2: {  	s30 =	sadd.s32 $0x5CB8, s21;
	s31 =	sadd.s32 $0x70, s22;
	(pc) =	sbr.rel @!p1 .LBB2_8-.Ltmp2, $4  }
0xb3: {  	[hbm4b:s31+s3] =	stream.linear.scatter [tilespmem:s30], [sflag:$0x3], $0x80, $0x38;
	[tilespmem:$0x9D00] =	vst v63  }
0xb4: {  	_ =	swait.ge [sflag:s14], $0x2000  }
0xb5: {  	[sflag:s14] =	ssyncset.done $0x0  }
0xb6: {  	s20 =	sadd.s32 s6, s20;
	[sflag:s14] =	ssyncadd.s32 $0xFFFFE000  }
.Ltmp3:
0xb7: {  	(pc) =	sbr.rel @p0 .LBB2_9-.Ltmp3, $4  }
0xb8: {  	s21 =	sshll.u32 s19, $0x8  }
0xb9: {  	s21 =	sand.u32 $0x3FFFFF00, s21  }
0xba: {  	s21 =	sadd.s32 $0x100, s21  }
0xbb: {  	[tilespmem:s10], [sflag:$0x1] =	stream.indirect.gather [hbm4b:s4+s9], $0x40, s21, s9, $0xb8;
	[tilespmem:$0x9D00] =	vst v63  }
.LBB2_8:
0xbc: {  	_ =	swait.ge [sflag:s15], $0x2000  }
0xbd: {  	[sflag:s15] =	ssyncset.done $0x0  }
0xbe: {  	[sflag:s15] =	ssyncadd.s32 $0xFFFFE000  }
.LBB2_9:
0xbf: {  	s21 =	simm.s32 $0x0;
	s28 =	simm.s32 $0x1;
	s22 =	simm.s32 $0x2  }
0xc0: {  	s29 =	simm.s32 $0x3;
	s30 =	simm.s32 $0x4;
	s23 =	simm.s32 $0x7;
	v33 =	vmov s21;
	v34 =	vmov s28;
	v35 =	vmov s22  }
0xc1: {  	s31 =	simm.s32 $0x5;
	v36 =	vmov s29;
	v37 =	vmov s30;
	v38 =	vmov s23  }
0xc2: {  	v39 =	vmov s31;
	s23 =	simm.s32 $0x6;
	v33 =	vshrl.u32 v33, $0x3;
	v38 =	vshrl.u32 v38, $0x3  }
0xc3: {  	v40 =	vmov s23;
	v34 =	vshrl.u32 v34, $0x3;
	v35 =	vshrl.u32 v35, $0x3  }
0xc4: {  	v36 =	vshrl.u32 v36, $0x3;
	v37 =	vshrl.u32 v37, $0x3;
	v38 =	vshll.u32 v38, v1  }
0xc5: {  	v55 =	vshrl.u32 v39, $0x3;
	v33 =	vshll.u32 v33, v1;
	v38 =	vbroadcast v38, $0x0  }
0xc6: {  	s21 =	simm.s32 $0x3A00;
	v34 =	vshll.u32 v34, v1;
	v52 =	vshll.u32 v35, v1;
	v33 =	vbroadcast v33, $0x0  }
0xc7: {  	v41 =	vld [tilespmem:s21+$0xC0];
	v53 =	vshll.u32 v36, v1;
	v45 =	vbroadcast v34, $0x0;
	v42 =	vadd.s32 v29, v38  }
0xc8: {  	v43 =	vld [tilespmem:s21+$0xFFFFFF00];
	v54 =	vshll.u32 v37, v1;
	v52 =	vbroadcast v52, $0x0;
	v44 =	vadd.s32 v0, v33  }
0xc9: {  	v46 =	vld [tilespmem:s21+$0xFFFFFF40];
	v36 =	vshll.u32 v55, v1;
	v35 =	vbroadcast v53, $0x0;
	v47 =	vadd.s32 v5, v45  }
0xca: {  	v48 =	vld [tilespmem:s21+$0xFFFFFF80];
	v40 =	vshrl.u32 v40, $0x3;
	v34 =	vbroadcast v54, $0x0;
	v49 =	vadd.s32 v9, v52  }
0xcb: {  	v39 =	vld [tilespmem:s21+$0xFFFFFFC0];
	v37 =	vbroadcast v36, $0x0;
	v56 =	vshll.u32 v40, v1;
	v50 =	vadd.s32 v13, v35  }
0xcc: {  	v51 =	vld [tilespmem:s21+$0x0];
	v36 =	vbroadcast v56, $0x0;
	v53 =	vadd.s32 v17, v34;
	[tilespmem:v42+s16+$0x0] =	vst.idx.msk $0xffff, v41  }
0xcd: {  	v59 =	vld [tilespmem:s21+$0x40];
	v60 =	vadd.s32 v21, v37;
	[tilespmem:v44+s16+$0x0] =	vst.idx.msk $0xffff, v43  }
0xce: {  	v61 =	vld [tilespmem:s21+$0x80];
	v62 =	vadd.s32 v25, v36;
	[tilespmem:v47+s16+$0x0] =	vst.idx.msk $0xffff, v46  }
0xcf: {  	v58 =	vadd.s32 v30, v38;
	[tilespmem:v49+s16+$0x0] =	vst.idx.msk $0xffff, v48;
	v57 =	vld [tilespmem:s21+$0xD0]  }
0xd0: {  	v63 =	vadd.s32 v6, v45;
	[tilespmem:v50+s16+$0x0] =	vst.idx.msk $0xffff, v39;
	v47 =	vld [tilespmem:s21+$0xFFFFFF50]  }
0xd1: {  	v55 =	vadd.s32 v10, v52;
	[tilespmem:v53+s16+$0x0] =	vst.idx.msk $0xffff, v51;
	v54 =	vld [tilespmem:s21+$0xFFFFFF90]  }
0xd2: {  	v56 =	vadd.s32 v14, v35;
	[tilespmem:v60+s16+$0x0] =	vst.idx.msk $0xffff, v59;
	v50 =	vld [tilespmem:s21+$0xFFFFFFD0]  }
0xd3: {  	v46 =	vadd.s32 v22, v37;
	[tilespmem:v62+s16+$0x0] =	vst.idx.msk $0xffff, v61;
	v44 =	vld [tilespmem:s21+$0x50]  }
0xd4: {  	v59 =	vadd.s32 v18, v34;
	[tilespmem:v58+s16+$0x0] =	vst.idx.msk $0xffff, v57;
	v58 =	vld [tilespmem:s21+$0x10]  }
0xd5: {  	v57 =	vadd.s32 v31, v38;
	[tilespmem:v63+s16+$0x0] =	vst.idx.msk $0xffff, v47;
	v40 =	vld [tilespmem:s21+$0xE0]  }
0xd6: {  	v60 =	vadd.s32 v26, v36;
	[tilespmem:v55+s16+$0x0] =	vst.idx.msk $0xffff, v54;
	v63 =	vld [tilespmem:s21+$0x90]  }
0xd7: {  	v61 =	vld [tilespmem:s21+$0xFFFFFF10];
	v62 =	vadd.s32 v2, v33;
	[tilespmem:v56+s16+$0x0] =	vst.idx.msk $0xffff, v50  }
0xd8: {  	v51 =	vadd.s32 v7, v45;
	[tilespmem:v46+s16+$0x0] =	vst.idx.msk $0xffff, v44;
	v50 =	vld [tilespmem:s21+$0xFFFFFF60]  }
0xd9: {  	v56 =	vadd.s32 v11, v52;
	v55 =	vld [tilespmem:s21+$0xFFFFFFA0];
	[tilespmem:v59+s16+$0x0] =	vst.idx.msk $0xffff, v58  }
0xda: {  	v58 =	vadd.s32 v15, v35;
	[tilespmem:v57+s16+$0x0] =	vst.idx.msk $0xffff, v40;
	v57 =	vld [tilespmem:s21+$0xFFFFFFE0]  }
0xdb: {  	[tilespmem:v60+s16+$0x0] =	vst.idx.msk $0xffff, v63;
	v60 =	vadd.s32 v19, v34;
	v59 =	vld [tilespmem:s21+$0x20]  }
0xdc: {  	s25 =	simm.s32 $0x9;
	v38 =	vadd.s32 v32, v38;
	[tilespmem:v62+s16+$0x0] =	vst.idx.msk $0xffff, v61;
	v54 =	vld [tilespmem:s21+$0xF0]  }
0xdd: {  	s24 =	simm.s32 $0x8;
	v41 =	vadd.s32 v23, v37;
	v53 =	vmov s25;
	[tilespmem:v51+s16+$0x0] =	vst.idx.msk $0xffff, v50;
	v40 =	vld [tilespmem:s21+$0x60]  }
0xde: {  	s28 =	simm.s32 $0xB;
	s29 =	simm.s32 $0xC;
	v43 =	vadd.s32 v27, v36;
	v48 =	vadd.s32 v3, v33;
	v63 =	vmov s24;
	v42 =	vld [tilespmem:s21+$0xA0];
	[tilespmem:v56+s16+$0x0] =	vst.idx.msk $0xffff, v55  }
0xdf: {  	s31 =	simm.s32 $0xE;
	v44 =	vmov s28;
	v47 =	vmov s29;
	v46 =	vld [tilespmem:s21+$0xFFFFFF20];
	v39 =	vshrl.u32 v63, $0x3;
	[tilespmem:v58+s16+$0x0] =	vst.idx.msk $0xffff, v57  }
0xe0: {  	s26 =	simm.s32 $0xA;
	s30 =	simm.s32 $0xD;
	v51 =	vadd.s32 v8, v45;
	v49 =	vld [tilespmem:s21+$0xFFFFFF70];
	v45 =	vshll.u32 v39, v1;
	v39 =	vmov s31;
	[tilespmem:v60+s16+$0x0] =	vst.idx.msk $0xffff, v59  }
0xe1: {  	s22 =	simm.s32 $0x10;
	s23 =	simm.s32 $0xF;
	v52 =	vadd.s32 v12, v52;
	v50 =	vld [tilespmem:s21+$0xFFFFFFB0];
	[tilespmem:v38+s16+$0x0] =	vst.idx.msk $0xffff, v54;
	v54 =	vmov s26;
	v38 =	vmov s30  }
.LBB2_10:
0xe2: {  	p0 =	slt.u32 s22, $0x78;
	v53 =	vshrl.u32 v53, $0x3;
	v55 =	vmov s23;
	v56 =	vld [tilespmem:s21+$0xFFFFFFF0];
	v35 =	vadd.s32 v16, v35;
	[tilespmem:v41+s16+$0x0] =	vst.idx.msk $0xffff, v40  }
0xe3: {  	v40 =	vshrl.u32 v54, $0x3;
	v34 =	vadd.s32 v20, v34;
	v41 =	vshrl.u32 v55, $0x3;
	v54 =	vld [tilespmem:s21+$0x30];
	[tilespmem:v43+s16+$0x0] =	vst.idx.msk $0xffff, v42  }
0xe4: {  	v37 =	vadd.s32 v24, v37;
	v42 =	vshrl.u32 v44, $0x3;
	v41 =	vshll.u32 v41, v1;
	[tilespmem:v48+s16+$0x0] =	vst.idx.msk $0xffff, v46;
	v43 =	vld [tilespmem:s21+$0x70]  }
0xe5: {  	v36 =	vadd.s32 v28, v36;
	v44 =	vshrl.u32 v47, $0x3;
	v41 =	vbroadcast v41, $0x0;
	[tilespmem:v51+s16+$0x0] =	vst.idx.msk $0xffff, v49;
	v46 =	vld [tilespmem:s21+$0xB0]  }
0xe6: {  	v47 =	vshll.u32 v53, v1;
	v49 =	vadd.s32 v4, v33;
	v33 =	vbroadcast v45, $0x0;
	v48 =	vld [tilespmem:s21+$0xFFFFFF30];
	[tilespmem:v52+s16+$0x0] =	vst.idx.msk $0xffff, v50;
	s21 =	sadd.s32 $0x200, s21  }
0xe7: {  	v40 =	vshll.u32 v40, v1;
	v45 =	vbroadcast v47, $0x0;
	v47 =	vld [tilespmem:s21+$0xC0];
	v50 =	vadd.s32 v29, v41;
	[tilespmem:v35+s16+$0x0] =	vst.idx.msk $0xffff, v56  }
0xe8: {  	v55 =	vbroadcast v40, $0x0;
	v52 =	vadd.s32 v0, v33;
	v35 =	vshll.u32 v42, v1;
	v51 =	vld [tilespmem:s21+$0xFFFFFF00];
	[tilespmem:v34+s16+$0x0] =	vst.idx.msk $0xffff, v54  }
0xe9: {  	v42 =	vadd.s32 v5, v45;
	v35 =	vbroadcast v35, $0x0;
	v34 =	vshll.u32 v44, v1;
	v40 =	vld [tilespmem:s21+$0xFFFFFF40];
	[tilespmem:v37+s16+$0x0] =	vst.idx.msk $0xffff, v43  }
0xea: {  	v44 =	vadd.s32 v9, v55;
	v34 =	vbroadcast v34, $0x0;
	v37 =	vshrl.u32 v38, $0x3;
	v43 =	vld [tilespmem:s21+$0xFFFFFF80];
	[tilespmem:v36+s16+$0x0] =	vst.idx.msk $0xffff, v46  }
0xeb: {  	v39 =	vshrl.u32 v39, $0x3;
	v46 =	vadd.s32 v13, v35;
	v36 =	vshll.u32 v37, v1;
	v38 =	vld [tilespmem:s21+$0xFFFFFFC0];
	[tilespmem:v49+s16+$0x0] =	vst.idx.msk $0xffff, v48  }
0xec: {  	v49 =	vadd.s32 v17, v34;
	v37 =	vbroadcast v36, $0x0;
	v36 =	vshll.u32 v39, v1;
	v48 =	vld [tilespmem:s21+$0x0];
	[tilespmem:v50+s16+$0x0] =	vst.idx.msk $0xffff, v47  }
0xed: {  	v36 =	vbroadcast v36, $0x0;
	v47 =	vadd.s32 v30, v41;
	[tilespmem:v52+s16+$0x0] =	vst.idx.msk $0xffff, v51;
	v39 =	vld [tilespmem:s21+$0xD0]  }
0xee: {  	[tilespmem:v42+s16+$0x0] =	vst.idx.msk $0xffff, v40;
	v40 =	vld [tilespmem:s21+$0x40];
	v42 =	vadd.s32 v21, v37  }
0xef: {  	[tilespmem:v44+s16+$0x0] =	vst.idx.msk $0xffff, v43;
	v43 =	vld [tilespmem:s21+$0x80];
	v44 =	vadd.s32 v25, v36  }
0xf0: {  	v51 =	vadd.s32 v6, v45;
	v50 =	vld [tilespmem:s21+$0xFFFFFF50];
	[tilespmem:v46+s16+$0x0] =	vst.idx.msk $0xffff, v38  }
0xf1: {  	v46 =	vadd.s32 v10, v55;
	v38 =	vld [tilespmem:s21+$0xFFFFFF90];
	[tilespmem:v49+s16+$0x0] =	vst.idx.msk $0xffff, v48  }
0xf2: {  	v49 =	vadd.s32 v14, v35;
	v48 =	vld [tilespmem:s21+$0xFFFFFFD0];
	[tilespmem:v47+s16+$0x0] =	vst.idx.msk $0xffff, v39  }
0xf3: {  	[tilespmem:v42+s16+$0x0] =	vst.idx.msk $0xffff, v40;
	v39 =	vld [tilespmem:s21+$0xE0];
	v40 =	vadd.s32 v31, v41  }
0xf4: {  	v47 =	vadd.s32 v18, v34;
	v42 =	vld [tilespmem:s21+$0x10];
	[tilespmem:v44+s16+$0x0] =	vst.idx.msk $0xffff, v43  }
0xf5: {  	v44 =	vadd.s32 v22, v37;
	[tilespmem:v51+s16+$0x0] =	vst.idx.msk $0xffff, v50;
	v43 =	vld [tilespmem:s21+$0x50]  }
0xf6: {  	[tilespmem:v46+s16+$0x0] =	vst.idx.msk $0xffff, v38;
	v38 =	vld [tilespmem:s21+$0x90];
	v46 =	vadd.s32 v26, v36  }
0xf7: {  	v51 =	vadd.s32 v2, v33;
	v50 =	vld [tilespmem:s21+$0xFFFFFF10];
	[tilespmem:v49+s16+$0x0] =	vst.idx.msk $0xffff, v48  }
0xf8: {  	v49 =	vadd.s32 v7, v45;
	v48 =	vld [tilespmem:s21+$0xFFFFFF60];
	[tilespmem:v40+s16+$0x0] =	vst.idx.msk $0xffff, v39  }
0xf9: {  	[tilespmem:v47+s16+$0x0] =	vst.idx.msk $0xffff, v42;
	v39 =	vld [tilespmem:s21+$0xF0];
	v47 =	vadd.s32 v32, v41  }
0xfa: {  	v56 =	vadd.s32 v11, v55;
	v52 =	vld [tilespmem:s21+$0xFFFFFFA0];
	[tilespmem:v44+s16+$0x0] =	vst.idx.msk $0xffff, v43  }
0xfb: {  	v58 =	vadd.s32 v15, v35;
	v57 =	vld [tilespmem:s21+$0xFFFFFFE0];
	[tilespmem:v46+s16+$0x0] =	vst.idx.msk $0xffff, v38  }
0xfc: {  	v60 =	vadd.s32 v19, v34;
	[tilespmem:v51+s16+$0x0] =	vst.idx.msk $0xffff, v50;
	v59 =	vld [tilespmem:s21+$0x20]  }
.Ltmp4:
0xfd: {  	s23 =	sadd.s32 $0x1, s22;
	v41 =	vadd.s32 v23, v37;
	v38 =	vmov s22;
	[tilespmem:v49+s16+$0x0] =	vst.idx.msk $0xffff, v48;
	v40 =	vld [tilespmem:s21+$0x60];
	(pc) =	sbr.rel @p0 .LBB2_10-.Ltmp4, $4  }
0xfe: {  	s24 =	sadd.s32 $0x3, s22;
	v53 =	vmov s23;
	s23 =	sadd.s32 $0x2, s22;
	v43 =	vadd.s32 v27, v36;
	v50 =	vshrl.u32 v38, $0x3;
	v42 =	vld [tilespmem:s21+$0xA0];
	[tilespmem:v47+s16+$0x0] =	vst.idx.msk $0xffff, v39  }
0xff: {  	v54 =	vmov s23;
	s23 =	sadd.s32 $0x4, s22;
	v44 =	vmov s24;
	s24 =	sadd.s32 $0x5, s22;
	v48 =	vadd.s32 v3, v33;
	v46 =	vld [tilespmem:s21+$0xFFFFFF20];
	[tilespmem:v56+s16+$0x0] =	vst.idx.msk $0xffff, v52  }
0x100: {  	v38 =	vmov s24;
	v51 =	vadd.s32 v8, v45;
	v47 =	vmov s23;
	s23 =	sadd.s32 $0x6, s22;
	v49 =	vld [tilespmem:s21+$0xFFFFFF70];
	[tilespmem:v58+s16+$0x0] =	vst.idx.msk $0xffff, v57  }
0x101: {  	v45 =	vshll.u32 v50, v1;
	v39 =	vmov s23;
	s23 =	sadd.s32 $0x7, s22;
	s22 =	sadd.s32 $0x8, s22;
	v52 =	vadd.s32 v12, v55;
	v50 =	vld [tilespmem:s21+$0xFFFFFFB0];
	[tilespmem:v60+s16+$0x0] =	vst.idx.msk $0xffff, v59  }
0x102: {  	_ =	sdelay $0x2  }
0x103: {  	v53 =	vshrl.u32 v53, $0x3  }
0x104: {  	v55 =	vmov s23;
	v56 =	vld [tilespmem:s21+$0xFFFFFFF0];
	v35 =	vadd.s32 v16, v35;
	[tilespmem:v41+s16+$0x0] =	vst.idx.msk $0xffff, v40;
	v57 =	vshrl.u32 v54, $0x3  }
0x105: {  	v59 =	vld [tilespmem:s21+$0x30];
	v34 =	vadd.s32 v20, v34;
	v60 =	vshrl.u32 v44, $0x3;
	v58 =	vshrl.u32 v55, $0x3;
	[tilespmem:v43+s16+$0x0] =	vst.idx.msk $0xffff, v42  }
0x106: {  	v37 =	vadd.s32 v24, v37;
	v62 =	vshrl.u32 v47, $0x3;
	v61 =	vld [tilespmem:s21+$0x70];
	v41 =	vshll.u32 v58, v1;
	[tilespmem:v48+s16+$0x0] =	vst.idx.msk $0xffff, v46  }
0x107: {  	v36 =	vadd.s32 v28, v36;
	v45 =	vbroadcast v45, $0x0;
	v63 =	vld [tilespmem:s21+$0xB0];
	v41 =	vbroadcast v41, $0x0;
	[tilespmem:v51+s16+$0x0] =	vst.idx.msk $0xffff, v49  }
0x108: {  	v33 =	vadd.s32 v4, v33;
	s24 =	sadd.s32 $0x200, s21;
	v38 =	vshrl.u32 v38, $0x3;
	v55 =	vshll.u32 v53, v1;
	v48 =	vld [tilespmem:s21+$0xFFFFFF30];
	[tilespmem:v52+s16+$0x0] =	vst.idx.msk $0xffff, v50  }
0x109: {  	v40 =	vshll.u32 v57, v1;
	v47 =	vbroadcast v55, $0x0;
	v49 =	vld [tilespmem:s24+$0xC0];
	v50 =	vadd.s32 v29, v41;
	[tilespmem:v35+s16+$0x0] =	vst.idx.msk $0xffff, v56  }
0x10a: {  	v42 =	vshll.u32 v60, v1;
	v40 =	vbroadcast v40, $0x0;
	v35 =	vld [tilespmem:s24+$0xFFFFFF00];
	v56 =	vadd.s32 v0, v45;
	[tilespmem:v34+s16+$0x0] =	vst.idx.msk $0xffff, v59  }
0x10b: {  	v57 =	vld [tilespmem:s24+$0xFFFFFF40];
	v44 =	vshll.u32 v62, v1;
	v42 =	vbroadcast v42, $0x0;
	v58 =	vadd.s32 v5, v47;
	[tilespmem:v37+s16+$0x0] =	vst.idx.msk $0xffff, v61  }
0x10c: {  	v38 =	vshll.u32 v38, v1;
	v44 =	vbroadcast v44, $0x0;
	v60 =	vadd.s32 v9, v40;
	v59 =	vld [tilespmem:s24+$0xFFFFFF80];
	[tilespmem:v36+s16+$0x0] =	vst.idx.msk $0xffff, v63  }
0x10d: {  	v38 =	vbroadcast v38, $0x0;
	v62 =	vadd.s32 v13, v42;
	v61 =	vld [tilespmem:s24+$0xFFFFFFC0];
	[tilespmem:v33+s16+$0x0] =	vst.idx.msk $0xffff, v48  }
0x10e: {  	v39 =	vshrl.u32 v39, $0x3;
	v63 =	vadd.s32 v17, v44;
	v33 =	vld [tilespmem:s24+$0x0];
	[tilespmem:v50+s16+$0x0] =	vst.idx.msk $0xffff, v49  }
0x10f: {  	v39 =	vshll.u32 v39, v1;
	v34 =	vld [tilespmem:s24+$0x40];
	[tilespmem:v56+s16+$0x0] =	vst.idx.msk $0xffff, v35;
	v56 =	vadd.s32 v21, v38  }
0x110: {  	[tilespmem:v58+s16+$0x0] =	vst.idx.msk $0xffff, v57;
	v35 =	vbroadcast v39, $0x0;
	v49 =	vadd.s32 v30, v41;
	v39 =	vld [tilespmem:s24+$0xD0]  }
0x111: {  	[tilespmem:v60+s16+$0x0] =	vst.idx.msk $0xffff, v59;
	v59 =	vld [tilespmem:s24+$0xFFFFFF50];
	v60 =	vadd.s32 v6, v47  }
0x112: {  	v57 =	vld [tilespmem:s24+$0x80];
	[tilespmem:v62+s16+$0x0] =	vst.idx.msk $0xffff, v61;
	v58 =	vadd.s32 v25, v35  }
0x113: {  	v61 =	vld [tilespmem:s24+$0xFFFFFF90];
	v62 =	vadd.s32 v10, v40;
	[tilespmem:v63+s16+$0x0] =	vst.idx.msk $0xffff, v33  }
0x114: {  	v33 =	vld [tilespmem:s24+$0xFFFFFFD0];
	v63 =	vadd.s32 v14, v42;
	[tilespmem:v56+s16+$0x0] =	vst.idx.msk $0xffff, v34  }
0x115: {  	v56 =	vadd.s32 v18, v44;
	[tilespmem:v49+s16+$0x0] =	vst.idx.msk $0xffff, v39;
	v49 =	vld [tilespmem:s24+$0x10]  }
0x116: {  	[tilespmem:v60+s16+$0x0] =	vst.idx.msk $0xffff, v59;
	v39 =	vadd.s32 v31, v41;
	v34 =	vld [tilespmem:s24+$0xE0]  }
0x117: {  	[tilespmem:v58+s16+$0x0] =	vst.idx.msk $0xffff, v57;
	v57 =	vld [tilespmem:s24+$0x50];
	v58 =	vadd.s32 v22, v38  }
0x118: {  	[tilespmem:v62+s16+$0x0] =	vst.idx.msk $0xffff, v61;
	v61 =	vld [tilespmem:s24+$0xFFFFFF10];
	v62 =	vadd.s32 v2, v45  }
0x119: {  	v60 =	vadd.s32 v26, v35;
	v59 =	vld [tilespmem:s24+$0x90];
	[tilespmem:v63+s16+$0x0] =	vst.idx.msk $0xffff, v33  }
0x11a: {  	v55 =	vadd.s32 v11, v40;
	v54 =	vadd.s32 v32, v41;
	v41 =	vld [tilespmem:s24+$0xFFFFFFA0];
	[tilespmem:v56+s16+$0x0] =	vst.idx.msk $0xffff, v49  }
0x11b: {  	v53 =	vadd.s32 v7, v47;
	v63 =	vld [tilespmem:s24+$0xFFFFFF60];
	[tilespmem:v39+s16+$0x0] =	vst.idx.msk $0xffff, v34  }
0x11c: {  	v56 =	vld [tilespmem:s24+$0xFFFFFFE0];
	[tilespmem:v58+s16+$0x0] =	vst.idx.msk $0xffff, v57;
	v57 =	vadd.s32 v15, v42  }
0x11d: {  	[tilespmem:v62+s16+$0x0] =	vst.idx.msk $0xffff, v61;
	v34 =	vld [tilespmem:s24+$0xF0]  }
0x11e: {  	v58 =	vld [tilespmem:s24+$0x20];
	[tilespmem:v60+s16+$0x0] =	vst.idx.msk $0xffff, v59;
	v59 =	vadd.s32 v19, v44  }
0x11f: {  	v61 =	vadd.s32 v23, v38;
	[tilespmem:v55+s16+$0x0] =	vst.idx.msk $0xffff, v41;
	v60 =	vld [tilespmem:s24+$0x60]  }
0x120: {  	[tilespmem:v53+s16+$0x0] =	vst.idx.msk $0xffff, v63;
	v63 =	vadd.s32 v27, v35;
	v62 =	vld [tilespmem:s24+$0xA0]  }
0x121: {  	v47 =	vadd.s32 v8, v47;
	v55 =	vld [tilespmem:s24+$0xFFFFFF70];
	[tilespmem:v57+s16+$0x0] =	vst.idx.msk $0xffff, v56  }
0x122: {  	v53 =	vld [tilespmem:s24+$0xFFFFFF20];
	[tilespmem:v54+s16+$0x0] =	vst.idx.msk $0xffff, v34;
	v54 =	vadd.s32 v3, v45  }
0x123: {  	v40 =	vadd.s32 v12, v40;
	v56 =	vld [tilespmem:s24+$0xFFFFFFB0];
	[tilespmem:v59+s16+$0x0] =	vst.idx.msk $0xffff, v58  }
0x124: {  	v42 =	vadd.s32 v16, v42;
	v57 =	vld [tilespmem:s24+$0xFFFFFFF0];
	[tilespmem:v61+s16+$0x0] =	vst.idx.msk $0xffff, v60  }
0x125: {  	v59 =	vadd.s32 v20, v44;
	v58 =	vld [tilespmem:s24+$0x30];
	[tilespmem:v63+s16+$0x0] =	vst.idx.msk $0xffff, v62  }
0x126: {  	v38 =	vadd.s32 v24, v38;
	v60 =	vld [tilespmem:s24+$0x70];
	[tilespmem:v47+s16+$0x0] =	vst.idx.msk $0xffff, v55  }
0x127: {  	v35 =	vadd.s32 v28, v35;
	v61 =	vld [tilespmem:s24+$0xB0];
	[tilespmem:v54+s16+$0x0] =	vst.idx.msk $0xffff, v53  }
0x128: {  	v63 =	vadd.s32 v4, v45;
	[tilespmem:v40+s16+$0x0] =	vst.idx.msk $0xffff, v56;
	v62 =	vld [tilespmem:s24+$0xFFFFFF30]  }
0x129: {  	[tilespmem:v42+s16+$0x0] =	vst.idx.msk $0xffff, v57  }
0x12a: {  	s25 =	sshll.u32 s20, $0x7;
	[tilespmem:v59+s16+$0x0] =	vst.idx.msk $0xffff, v58  }
0x12b: {  	s26 =	sshll.u32 s20, $0xA;
	s21 =	sand.u32 $0xF80, s25;
	[tilespmem:v38+s16+$0x0] =	vst.idx.msk $0xffff, v60  }
0x12c: {  	s20 =	sand.u32 $0xFFF8000, s26;
	s21 =	sadd.s32 s2, s21;
	[tilespmem:v35+s16+$0x0] =	vst.idx.msk $0xffff, v61  }
0x12d: {  	s28 =	simm.s32 $0x7B00;
	s21 =	sadd.s32 s20, s21;
	[tilespmem:v63+s16+$0x0] =	vst.idx.msk $0xffff, v62  }
0x12e: {  	[hbm4b:s21+s3] =	stream.linear.scatter [tilespmem:s28], [sflag:$0x4], $0x80, $0x38;
	[tilespmem:$0x9D00] =	vst v63  }
0x12f: {  	s29 =	simm.s32 $0x7B88;
	s22 =	sadd.s32 $0x10, s21  }
0x130: {  	[hbm4b:s22+s3] =	stream.linear.scatter [tilespmem:s29], [sflag:$0x4], $0x80, $0x38;
	[tilespmem:$0x9D00] =	vst v63  }
0x131: {  	s30 =	simm.s32 $0x7C10;
	s23 =	simm.s32 $0x7C98;
	s31 =	sadd.s32 $0x20, s21  }
0x132: {  	[hbm4b:s31+s3] =	stream.linear.scatter [tilespmem:s30], [sflag:$0x4], $0x80, $0x38;
	[tilespmem:$0x9D00] =	vst v63  }
0x133: {  	s25 =	simm.s32 $0x7D20;
	s20 =	simm.s32 $0x440;
	s24 =	sadd.s32 $0x30, s21  }
0x134: {  	[hbm4b:s24+s3] =	stream.linear.scatter [tilespmem:s23], [sflag:$0x4], $0x80, $0x38;
	[tilespmem:$0x9D00] =	vst v63  }
0x135: {  	s26 =	sadd.s32 $0x40, s21;
	s28 =	simm.s32 $0x7DA8;
	s29 =	sadd.s32 $0x50, s21  }
0x136: {  	[hbm4b:s26+s3] =	stream.linear.scatter [tilespmem:s25], [sflag:$0x4], $0x80, $0x38;
	[tilespmem:$0x9D00] =	vst v63  }
0x137: {  	s22 =	simm.s32 $0x2200;
	s30 =	simm.s32 $0x7E30;
	s31 =	sadd.s32 $0x60, s21  }
0x138: {  	[hbm4b:s29+s3] =	stream.linear.scatter [tilespmem:s28], [sflag:$0x4], $0x80, $0x38;
	[tilespmem:$0x9D00] =	vst v63  }
0x139: {  	s23 =	simm.s32 $0x7EB8;
	s24 =	sadd.s32 $0x70, s21;
	s21 =	sadd.s32 $0x1000, s21  }
0x13a: {  	[hbm4b:s31+s3] =	stream.linear.scatter [tilespmem:s30], [sflag:$0x4], $0x80, $0x38;
	[tilespmem:$0x9D00] =	vst v63  }
.LBB2_12:
0x13b: {  	[hbm4b:s24+s3] =	stream.linear.scatter [tilespmem:s23], [sflag:$0x4], $0x80, $0x38;
	[tilespmem:$0x9D00] =	vst v63  }
0x13c: {  	s23 =	smov.u32 s20;
	s20 =	smov.u32 s22  }
0x13d: {  	s25 =	sadd.s32 $0x1100, s22;
	s20 =	sshra.s32 s20, $0x2;
	s24 =	sadd.s32 $0x7B00, s23  }
0x13e: {  	[hbm4b:s21+s3] =	stream.linear.scatter [tilespmem:s24], [sflag:$0x4], $0x80, $0x38;
	[tilespmem:$0x9D00] =	vst v63  }
0x13f: {  	p0 =	sne.s32 s22, $0x7700;
	s22 =	sadd.s32 $0x7B88, s23;
	s24 =	sadd.s32 $0x10, s21  }
0x140: {  	[hbm4b:s24+s3] =	stream.linear.scatter [tilespmem:s22], [sflag:$0x4], $0x80, $0x38;
	[tilespmem:$0x9D00] =	vst v63  }
0x141: {  	s22 =	sadd.s32 $0x7C10, s23;
	s24 =	sadd.s32 $0x20, s21  }
0x142: {  	[hbm4b:s24+s3] =	stream.linear.scatter [tilespmem:s22], [sflag:$0x4], $0x80, $0x38;
	[tilespmem:$0x9D00] =	vst v63  }
0x143: {  	s22 =	sadd.s32 $0x7C98, s23;
	s24 =	sadd.s32 $0x30, s21  }
0x144: {  	[hbm4b:s24+s3] =	stream.linear.scatter [tilespmem:s22], [sflag:$0x4], $0x80, $0x38;
	[tilespmem:$0x9D00] =	vst v63  }
0x145: {  	s22 =	sadd.s32 $0x7D20, s23;
	s24 =	sadd.s32 $0x40, s21  }
0x146: {  	[hbm4b:s24+s3] =	stream.linear.scatter [tilespmem:s22], [sflag:$0x4], $0x80, $0x38;
	[tilespmem:$0x9D00] =	vst v63  }
.Ltmp5:
0x147: {  	s22 =	sadd.s32 $0x7DA8, s23;
	s24 =	sadd.s32 $0x50, s21;
	(pc) =	sbr.rel @p0 .LBB2_12-.Ltmp5, $4  }
0x148: {  	[hbm4b:s24+s3] =	stream.linear.scatter [tilespmem:s22], [sflag:$0x4], $0x80, $0x38;
	[tilespmem:$0x9D00] =	vst v63  }
0x149: {  	s22 =	sadd.s32 $0x7E30, s23;
	s24 =	sadd.s32 $0x60, s21;
	s23 =	sadd.s32 $0x7EB8, s23  }
0x14a: {  	[hbm4b:s24+s3] =	stream.linear.scatter [tilespmem:s22], [sflag:$0x4], $0x80, $0x38;
	[tilespmem:$0x9D00] =	vst v63  }
0x14b: {  	s24 =	sadd.s32 $0x70, s21;
	s21 =	sadd.s32 $0x1000, s21;
	s22 =	smov.u32 s25  }
0x14c: {  	[hbm4b:s24+s3] =	stream.linear.scatter [tilespmem:s23], [sflag:$0x4], $0x80, $0x38;
	[tilespmem:$0x9D00] =	vst v63  }
0x14d: {  	s22 =	sadd.s32 $0x7B00, s20  }
0x14e: {  	[hbm4b:s21+s3] =	stream.linear.scatter [tilespmem:s22], [sflag:$0x4], $0x80, $0x38;
	[tilespmem:$0x9D00] =	vst v63  }
0x14f: {  	s25 =	sadd.s32 $0x7B88, s20;
	s26 =	sadd.s32 $0x10, s21  }
0x150: {  	[hbm4b:s26+s3] =	stream.linear.scatter [tilespmem:s25], [sflag:$0x4], $0x80, $0x38;
	[tilespmem:$0x9D00] =	vst v63  }
0x151: {  	s28 =	sadd.s32 $0x7C10, s20;
	s29 =	sadd.s32 $0x20, s21  }
0x152: {  	[hbm4b:s29+s3] =	stream.linear.scatter [tilespmem:s28], [sflag:$0x4], $0x80, $0x38;
	[tilespmem:$0x9D00] =	vst v63  }
0x153: {  	s30 =	sadd.s32 $0x7C98, s20;
	s31 =	sadd.s32 $0x30, s21  }
0x154: {  	[hbm4b:s31+s3] =	stream.linear.scatter [tilespmem:s30], [sflag:$0x4], $0x80, $0x38;
	[tilespmem:$0x9D00] =	vst v63  }
0x155: {  	s23 =	sadd.s32 $0x7D20, s20;
	s24 =	sadd.s32 $0x40, s21;
	s19 =	sadd.s32 $0x1, s19  }
0x156: {  	[hbm4b:s24+s3] =	stream.linear.scatter [tilespmem:s23], [sflag:$0x4], $0x80, $0x38;
	[tilespmem:$0x9D00] =	vst v63  }
0x157: {  	p0 =	sne.s32 s19, $0x19;
	s25 =	sadd.s32 $0x7DA8, s20;
	s26 =	sadd.s32 $0x50, s21  }
0x158: {  	[hbm4b:s26+s3] =	stream.linear.scatter [tilespmem:s25], [sflag:$0x4], $0x80, $0x38;
	[tilespmem:$0x9D00] =	vst v63  }
.Ltmp6:
0x159: {  	_ = 	snop;
	(pc) =	sbr.rel @p0 .LBB2_2-.Ltmp6, $4  }
0x15a: {  	s28 =	sadd.s32 $0x7E30, s20;
	s29 =	sadd.s32 $0x60, s21  }
0x15b: {  	[hbm4b:s29+s3] =	stream.linear.scatter [tilespmem:s28], [sflag:$0x4], $0x80, $0x38;
	[tilespmem:$0x9D00] =	vst v63  }
0x15c: {  	s30 =	sadd.s32 $0x7EB8, s20;
	s31 =	sadd.s32 $0x70, s21  }
0x15d: {  	[hbm4b:s31+s3] =	stream.linear.scatter [tilespmem:s30], [sflag:$0x4], $0x80, $0x38;
	[tilespmem:$0x9D00] =	vst v63  }
0x15e: {  	s18 =	sadd.s32 $0x1, s18  }
0x15f: {  	_ =	swait.ge [sflag:s17], $0x2000;
	p0 =	sne.s32 s18, s7  }
.Ltmp7:
0x160: {  	[sflag:s17] =	ssyncset.done $0x0;
	(pc) =	sbr.rel @p0 .LBB2_1-.Ltmp7, $4  }
0x161: {  	[sflag:s17] =	ssyncadd.s32 $0xFFFFE000  }
0x162: {  	_ =	swait.ge [sflag:s15], $0x2000  }
0x163: {  	[sflag:s15] =	ssyncset.done $0x0  }
0x164: {  	[sflag:s15] =	ssyncadd.s32 $0xFFFFE000  }
0x165: {  	_ =	sfence.sel $0x180000  }
0x166: {  	[bflag:$0x0] =	sbarrier.arrive $0xFFFF  }
0x167: {  	p0 =	sne.s32 s0, $0x0;
	_ =	strace $0x9000004A  }
0x168: {  	s0 =	sadd.s32 @!p0 $0x100000, s1;
	[bflag:$0x2] =	sbarrier.arrive $0xFFFF  }
0x169: {  	[sflag:s0] =	ssyncadd.tile.s32 @!p0 $0x1;
	_ =	shalt  }
.Lfunc_end2:
_tile_overlayer_lowered:
.L_overlay_start_2:
0x16a: {  	(tag) =	ssettag $0x2  }
0x16b: {  	s0 =	rddreg [dreg:$0x0];
	s2 =	stileid.u32  }
0x16c: {  	s1 =	rddreg [dreg:$0x1];
	p0 =	sne.s32 s2, $0x0  }
0x16d: {  	s3 =	rddreg [dreg:$0x2];
	[bflag:$0x3] =	sbarrier.arrive $0xFFFF;
	s2 =	simm.s32 @!p0 $0x1C05  }
0x16e: {  	[timem:s3], [sflag:s2] =	dma.local @!p0 [hbm:s0], s1  }
0x16f: {  	s0 =	simm.s32 @!p0 $0x5  }
0x170: {  	_ =	swait.ge @!p0 [sflag:s0], s1  }
0x171: {  	s1 =	ssub.s32 @!p0 $0x0, s1;
	[sflag:s0] =	ssyncset.done @!p0 $0x0  }
0x172: {  	[sflag:s0] =	ssyncadd.s32 @!p0 s1  }
0x173: {  	[bflag:$0x3] =	sbarrier.arrive $0xFFFF  }
0x174: {  	_ =	shalt  }

// kernel: kernel.7.cloned.1.call-start
scs
__scs_entry_jumppad:
0x0: {  	(pc) =	sbr.rel $0x88, $3  }
0x1: {  	(tag) =	ssettag $0x0;
	lr =	simm.s32 $0x1  }
0x2: {  	[smem:$0x3F9D] =	sst lr;
	_ =	strace $0xD0000000  }
0x3: {  	_ = 	snop  }
0x4: {  	_ = 	snop  }
0x5: {  	_ = 	snop  }
0x6: {  	_ = 	snop  }
0x7: {  	_ = 	snop  }
__scs_overlays_trampoline_lowered:
0x8: {  	[smem:$0x3FAC] =	sst s0  }
0x9: {  	[smem:$0x3FAD] =	sst s1  }
0xa: {  	[smem:$0x3FAE] =	sst s2  }
0xb: {  	[smem:$0x3FAF] =	sst s3  }
0xc: {  	[smem:$0x3FB0] =	sst s4  }
0xd: {  	[smem:$0x3FB1] =	sst s5  }
0xe: {  	[smem:$0x3FB2] =	sst s6  }
0xf: {  	[smem:$0x3FB3] =	sst s7  }
0x10: {  	[smem:$0x3FB4] =	sst s8  }
0x11: {  	[smem:$0x3FB5] =	sst s9;
	s0 =	simm.s32 @!p0 $0x0  }
0x12: {  	s1 =	sld [smem:$0x3F9B];
	s0 =	simm.s32 @p0 $0x1  }
0x13: {  	[smem:$0x3FB6] =	sst s0;
	s0 =	simm.s32 @!p1 $0x0  }
0x14: {  	s2 =	sld [smem:$0x3F9A];
	s0 =	simm.s32 @p1 $0x1  }
0x15: {  	[smem:$0x3FB7] =	sst s0;
	s0 =	simm.s32 @!p2 $0x0  }
0x16: {  	s3 =	sld [smem:$0x3FDB];
	s0 =	simm.s32 @p2 $0x1  }
0x17: {  	s4 =	simm.s32 $0x1BF5;
	[smem:$0x3FB9] =	sst s0  }
0x18: {  	s0 =	sld [smem:$0x3F9C];
	_ =	swait.ge [sflag:s4], $0x0  }
0x19: {  	s7 =	sld [smem:$0x3F9D]  }
0x1a: {  	s8 =	sadd.s32 $0xFFFFE003, lr  }
0x1b: {  	s9 =	sadd.s32 $0xFFFFFEF7, lr;
	s5 =	simm.s32 $0xFFFFFFFF;
	p2 =	slt.u32 s8, $0xFFFFF086  }
0x1c: {  	p1 =	slt.u32 s9, $0xF7A;
	s5 =	simm.s32 @!p2 $0x0  }
0x1d: {  	s5 =	simm.s32 @p1 $0x1;
	p0 =	seq.s32 s7, s2  }
0x1e: {  	s7 =	smul.u32 @!p0 $0xF7A, s2;
	p2 =	seq.s32 @!p0 s5, $0x0  }
0x1f: {  	s9 =	smul.u32 $0xF7A, s1;
	s8 =	simm.s32 @!p0 $0x1BF5;
	p2 =	por !p2, p0  }
0x20: {  	[sflag:s8] =	ssyncset.s32 @!p0 $0xFFFFF086;
	s6 =	sadd.s32 @!p0 s3, s7;
	s7 =	simm.s32 @!p0 $0x108  }
0x21: {  	s3 =	sadd.s32 s3, s9;
	s6 =	sadd.s32 @!p0 $0x88, s6;
	s7 =	simm.s32 @p2 $0x1082  }
0x22: {  	[simem:s7], [sflag:s8] =	dma.local @!p0 [hbm:s6], $0xF7A  }
0x23: {  	s9 =	sor.u32 $0xD0000000, s2;
	s6 =	simm.s32 $0x108;
	_ =	swait.ge @!p0 [sflag:s8], $0x0  }
0x24: {  	s3 =	sadd.s32 $0x88, s3;
	s6 =	simm.s32 @!p1 $0x1082;
	[sflag:s4] =	ssyncset.s32 $0xFFFFF086  }
0x25: {  	[simem:s6], [sflag:s4] =	dma.local [hbm:s3], $0xF7A  }
0x26: {  	[smem:$0x3F9D] =	sst s1;
	(tag) =	ssettag s2;
	_ =	strace s9  }
0x27: {  	s1 =	sld [smem:$0x3FAD]  }
0x28: {  	s2 =	sld [smem:$0x3FAE]  }
0x29: {  	s4 =	sld [smem:$0x3FB0]  }
0x2a: {  	p0 =	seq.s32 s5, $0x0;
	s5 =	sld [smem:$0x3FB1]  }
0x2b: {  	s6 =	sld [smem:$0x3FB2]  }
0x2c: {  	s7 =	sld [smem:$0x3FB3]  }
0x2d: {  	s3 =	simm.s32 $0x108;
	s8 =	sld [smem:$0x3FB4]  }
0x2e: {  	s3 =	simm.s32 @!p0 $0x1082;
	s9 =	sld [smem:$0x3FB5]  }
0x2f: {  	lr =	sadd.s32 s0, s3;
	s0 =	sld [smem:$0x3FAC]  }
0x30: {  	s3 =	sld [smem:$0x3FAF]  }
0x31: {  	[smem:$0x3FB8] =	sst s10  }
0x32: {  	s10 =	sld [smem:$0x3FB6];
	_ =	sdelay $0x3  }
0x33: {  	p0 =	seq.s32 s10, $0x1;
	s10 =	sld [smem:$0x3FB8];
	_ =	sdelay $0x3  }
0x34: {  	[smem:$0x3FB8] =	sst s10  }
0x35: {  	s10 =	sld [smem:$0x3FB7];
	_ =	sdelay $0x3  }
0x36: {  	p1 =	seq.s32 s10, $0x1;
	s10 =	sld [smem:$0x3FB8];
	_ =	sdelay $0x3  }
0x37: {  	[smem:$0x3FB8] =	sst s10  }
0x38: {  	s10 =	sld [smem:$0x3FB9]  }
0x39: {  	_ = 	snop;
	(pc) =	sbr.ind lr, $3  }
0x3a: {  	_ = 	snop  }
0x3b: {  	_ = 	snop  }
0x3c: {  	p2 =	seq.s32 s10, $0x1;
	s10 =	sld [smem:$0x3FB8]  }
0x3d: {  	_ =	shalt  }
0x3e: {  	_ =	shalt  }
0x3f: {  	_ =	shalt  }
0x40: {  	_ =	shalt  }
0x41: {  	_ =	shalt  }
0x42: {  	_ =	shalt  }
0x43: {  	_ =	shalt  }
0x44: {  	_ =	shalt  }
0x45: {  	_ =	shalt  }
0x46: {  	_ =	shalt  }
0x47: {  	_ =	shalt  }
0x48: {  	_ =	shalt  }
0x49: {  	_ =	shalt  }
0x4a: {  	_ =	shalt  }
0x4b: {  	_ =	shalt  }
0x4c: {  	_ =	shalt  }
0x4d: {  	_ =	shalt  }
0x4e: {  	_ =	shalt  }
0x4f: {  	_ =	shalt  }
0x50: {  	_ =	shalt  }
0x51: {  	_ =	shalt  }
0x52: {  	_ =	shalt  }
0x53: {  	_ =	shalt  }
0x54: {  	_ =	shalt  }
0x55: {  	_ =	shalt  }
0x56: {  	_ =	shalt  }
0x57: {  	_ =	shalt  }
0x58: {  	_ =	shalt  }
0x59: {  	_ =	shalt  }
0x5a: {  	_ =	shalt  }
0x5b: {  	_ =	shalt  }
0x5c: {  	_ =	shalt  }
0x5d: {  	_ =	shalt  }
0x5e: {  	_ =	shalt  }
0x5f: {  	_ =	shalt  }
0x60: {  	_ =	shalt  }
0x61: {  	_ =	shalt  }
0x62: {  	_ =	shalt  }
0x63: {  	_ =	shalt  }
0x64: {  	_ =	shalt  }
0x65: {  	_ =	shalt  }
0x66: {  	_ =	shalt  }
0x67: {  	_ =	shalt  }
0x68: {  	_ =	shalt  }
0x69: {  	_ =	shalt  }
0x6a: {  	_ =	shalt  }
0x6b: {  	_ =	shalt  }
0x6c: {  	_ =	shalt  }
0x6d: {  	_ =	shalt  }
0x6e: {  	_ =	shalt  }
0x6f: {  	_ =	shalt  }
0x70: {  	_ =	shalt  }
0x71: {  	_ =	shalt  }
0x72: {  	_ =	shalt  }
0x73: {  	_ =	shalt  }
0x74: {  	_ =	shalt  }
0x75: {  	_ =	shalt  }
0x76: {  	_ =	shalt  }
0x77: {  	_ =	shalt  }
0x78: {  	_ =	shalt  }
0x79: {  	_ =	shalt  }
0x7a: {  	_ =	shalt  }
0x7b: {  	_ =	shalt  }
0x7c: {  	_ =	shalt  }
0x7d: {  	_ =	shalt  }
0x7e: {  	_ =	shalt  }
0x7f: {  	_ =	shalt  }
0x80: {  	_ =	shalt  }
0x81: {  	_ =	shalt  }
0x82: {  	_ =	shalt  }
0x83: {  	_ =	shalt  }
0x84: {  	_ =	shalt  }
0x85: {  	_ =	shalt  }
0x86: {  	_ =	shalt  }
0x87: {  	_ =	shalt  }
.Lfunc_end0:
.L_simem_size_0:
called_computation.1_lowered:
.L_overlay_start_0:
0x88: {  	s2 =	sld [smem:$0x3FD9]  }
0x89: {  	s3 =	sld [smem:$0x3FFE];
	_ =	sdelay $0x1  }
0x8a: {  	s1 =	srdreg.scid  }
0x8b: {  	s0 =	sand.u32 $0x1, s1  }
0x8c: {  	s14 =	sshll.u32 s0, $0xA;
	s2 =	sadd.s32 s3, s2  }
0x8d: {  	s2 =	sadd.s32 s2, s14  }
0x8e: {  	[smem:$0x3FC4] =	sst s2  }
0x8f: {  	_ = 	snop  }
0x90: {  	s2 =	sld [smem:$0x3FD0];
	_ =	sdelay $0x2  }
0x91: {  	s15 =	simm.s32 $0xB;
	s4 =	simm.s32 $0x10  }
0x92: {  	[smem:s4], [sflag:s15] =	dma.local [hbm:s2], $0x1  }
0x93: {  	_ =	swait.eq [sflag:s15], $0x1  }
0x94: {  	[sflag:s15] =	ssyncset.done $0x0  }
0x95: {  	[sflag:s15] =	ssyncadd.s32 $0xFFFFFFFF  }
0x96: {  	s16 =	sld [smem:$0x11];
	(tm) =	ssettm $0x1  }
0x97: {  	s17 =	sld [smem:$0x3FFB];
	_ =	sdelay $0x3  }
0x98: {  	_ =	strace s17  }
0x99: {  	s3 =	sld [smem:$0x3FFC];
	_ =	sdelay $0x3  }
0x9a: {  	_ =	strace s3  }
0x9b: {  	s3 =	sld [smem:$0x3FFD];
	_ =	sdelay $0x3  }
0x9c: {  	_ =	strace s3  }
0x9d: {  	_ =	strace $0x8FFFFFFF  }
0x9e: {  	s18 =	sld [smem:$0x3FDB];
	_ =	sdelay $0x1  }
0x9f: {  	s19 =	simm.s32 $_scs_section_size  }
0xa0: {  	s5 =	simm.s32 $_size__tile_overlayer_lowered;
	s6 =	simm.s32 $_tile_overlayer_lowered  }
0xa1: {  	s22 =	simm.s32 $0x1BFF;
	s21 =	sshll.u32 s6, $0x1;
	s3 =	sadd.s32 s19, s18  }
0xa2: {  	s7 =	simm.s32 $0x0;
	s20 =	sshll.u32 s5, $0x1;
	s5 =	sadd.s32 s21, s3  }
0xa3: {  	[timem:s7], [sflag:s22] =	dma.local [hbm:s5], s20  }
0xa4: {  	_ =	swait.ge [sflag:s22], s20  }
0xa5: {  	s4 =	ssub.s32 $0x0, s20;
	[sflag:s22] =	ssyncset.done $0x0  }
0xa6: {  	[sflag:s22] =	ssyncadd.s32 s4;
	_ =	sdelay $0x1  }
0xa7: {  	s23 =	simm.s32 $0x1B8B  }
0xa8: {  	_ =	swait.ge [sflag:s23], $0x1  }
0xa9: {  	[sflag:s23] =	ssyncset.done $0x0  }
0xaa: {  	s25 =	simm.s32 $0x1B8E;
	s24 =	sld [smem:$0x3FFE];
	[sflag:s23] =	ssyncadd.s32 $0xFFFFFFFF  }
0xab: {  	s26 =	simm.s32 $execute0_lowered;
	[smem:$0x3FD2] =	sst s25  }
0xac: {  	s5 =	sshll.u32 s26, $0x1;
	_ =	strace $0x80000046;
	[dreg:$0x1] =	wrdreg $0xFFFFFFFF  }
0xad: {  	s28 =	simm.s32 $_size_execute0_lowered;
	s3 =	sadd.s32 s3, s5;
	[dreg:$0x0] =	wrdreg $0x0  }
0xae: {  	s5 =	sshll.u32 s28, $0x1;
	[dreg:$0x2] =	wrdreg s3  }
0xaf: {  	[dreg:$0x3] =	wrdreg s5  }
0xb0: {  	[dreg:$0x4] =	wrdreg $0xC0  }
0xb1: {  	_ =	task [dreg:s7], $0x5FFFF  }
0xb2: {  	[dreg:$0x1] =	wrdreg $0xFFFFFFFF  }
0xb3: {  	[dreg:$0x0] =	wrdreg $0x60  }
0xb4: {  	[dreg:$0x2] =	wrdreg s24  }
0xb5: {  	[dreg:$0x3] =	wrdreg s16  }
0xb6: {  	[dreg:$0x4] =	wrdreg $0xA  }
0xb7: {  	_ =	task.clear_ibuf [dreg:s7], $0x5FFFF;
	_ =	strace $0x90000046  }
0xb8: {  	s29 =	simm.s32 $0xA;
	_ =	strace $0x80000048  }
0xb9: {  	_ =	swait.ge [sflag:s29], $0x1  }
0xba: {  	[sflag:s29] =	ssyncadd.s32 $0xFFFFFFFF  }
0xbb: {  	_ =	strace $0x90000048  }
0xbc: {  	_ =	sfence  }
0xbd: {  	s30 =	sld [smem:$0x0];
	_ =	sdelay $0x2  }
0xbe: {  	s31 =	sshll.u32 s1, $0xD;
	s1 =	sshrl.u32 s1, $0x2  }
0xbf: {  	s3 =	sand.u32 $0x4000, s31;
	s1 =	sadd.s32 s1, s30  }
0xc0: {  	s0 =	sor.u32 s3, s0;
	s1 =	sshll.u32 s1, $0x11  }
0xc1: {  	s0 =	sor.u32 s1, s0  }
0xc2: {  	s0 =	sadd.s32 $0x8F2B, s0  }
0xc3: {  	[sflag:s0] =	ssyncadd.remote.s32 $0x1  }
0xc4: {  	_ =	sfence.sel $0xFFFF  }
0xc5: {  	[dreg:$0x0] =	wrdreg $0xFFFFFFFF;
	(pc) =	sbr.abs _section_cstart, $3  }
0xc6: {  	[dreg:$0x1] =	wrdreg $0xFFFFFFFF  }
0xc7: {  	_ =	task.clear_ibuf [dreg:s7], $0x2FFFF;
	_ =	strace $0x9FFFFFFF  }
0xc8: {  	(tm) =	ssettm $0x7FFFFFFF  }
0xc9: {  	_ =	shalt  }
tec
execute0_lowered:
.L_overlay_start_1:
0x0: {  	(tag) =	ssettag $0x1  }
0x1: {  	v0 =	vlaneseq.u32  }
0x2: {  	v0 =	vmul.u32 $0x88, v0  }
0x3: {  	v1 =	vimm.s32 $0x0;
	vm0 =	vcmask $0x300  }
0x4: {  	s4 =	rddreg [dreg:$0x0];
	s1 =	srdreg.scid;
	v1 =	vsel vm0, $0x3, v1;
	v2 =	vadd.s32 $0x880, v0  }
0x5: {  	s0 =	stileid.u32;
	s2 =	rddreg [dreg:$0x1];
	v3 =	vadd.s32 $0x1100, v0;
	v4 =	vadd.s32 $0x1980, v0;
	v5 =	vor.u32 $0x1, v0  }
0x6: {  	s3 =	simm.s32 $0x0;
	s9 =	simm.s32 $0x80;
	s10 =	simm.s32 $0x1900;
	v6 =	vadd.s32 $0x881, v0;
	v7 =	vadd.s32 $0x1101, v0;
	v8 =	vadd.s32 $0x1981, v0  }
0x7: {  	s11 =	simm.s32 $0x1;
	s12 =	simm.s32 $0x3900;
	s13 =	simm.s32 $0x5900;
	v9 =	vor.u32 $0x2, v0;
	v10 =	vadd.s32 $0x882, v0;
	v11 =	vadd.s32 $0x1102, v0  }
0x8: {  	s14 =	simm.s32 $0x2;
	s15 =	simm.s32 $0x4;
	s16 =	simm.s32 $0x7B00;
	v12 =	vadd.s32 $0x1982, v0;
	v13 =	vor.u32 $0x3, v0;
	v14 =	vadd.s32 $0x883, v0  }
0x9: {  	s17 =	simm.s32 $0x3;
	s5 =	sand.u32 $0x1, s1;
	s6 =	sshll.u32 s0, $0x1;
	v15 =	vadd.s32 $0x1103, v0;
	v16 =	vadd.s32 $0x1983, v0;
	v17 =	vor.u32 $0x4, v0  }
0xa: {  	s18 =	simm.s32 $0x0;
	s1 =	rddreg [dreg:$0x2];
	s6 =	sor.u32 s5, s6;
	v18 =	vadd.s32 $0x884, v0;
	v19 =	vadd.s32 $0x1104, v0;
	v20 =	vadd.s32 $0x1984, v0  }
0xb: {  	[smem:$0x7FF] =	sst s3;
	s5 =	ssub.s32 $0x2, s5;
	s7 =	smul.u32 $0x320, s6;
	v21 =	vor.u32 $0x5, v0;
	v22 =	vadd.s32 $0x885, v0;
	v23 =	vadd.s32 $0x1105, v0  }
0xc: {  	_ =	strace $0x80000047;
	s8 =	sshrl.u32 s5, $0x1;
	s6 =	smul.u32 $0x32, s6;
	v24 =	vadd.s32 $0x1985, v0;
	v25 =	vor.u32 $0x6, v0;
	v26 =	vadd.s32 $0x886, v0  }
0xd: {  	v27 =	vadd.s32 $0x1106, v0;
	v28 =	vadd.s32 $0x1986, v0;
	v29 =	vor.u32 $0x7, v0;
	s8 =	ssub.s32 s5, s8;
	s7 =	sadd.s32 s7, s4;
	s4 =	sadd.s32 $0x8A00, s4  }
0xe: {  	v30 =	vadd.s32 $0x887, v0;
	v31 =	vadd.s32 $0x1107, v0;
	v32 =	vadd.s32 $0x1987, v0;
	s5 =	sadd.s32 $0x2600, s7;
	s7 =	smax.u32 s8, $0x1;
	s8 =	simm.s32 $0x5  }
.LBB2_1:
0xf: {  	[tilespmem:s3], [sflag:$0x5] =	stream.linear.gather [hbm4b:s5+s3], $0x1900, $0x38;
	[tilespmem:$0x9D00] =	vst v63  }
0x10: {  	_ =	swait.ge [sflag:s8], $0x1900  }
0x11: {  	[sflag:s8] =	ssyncset.done $0x0  }
0x12: {  	s19 =	simm.s32 $0x0;
	[sflag:s8] =	ssyncadd.s32 $0xFFFFE700  }
0x13: {  	[tilespmem:s10], [sflag:$0x1] =	stream.indirect.gather [hbm4b:s4+s9], $0x40, s3, s9, $0xb8;
	[tilespmem:$0x9D00] =	vst v63  }
.LBB2_2:
0x14: {  	_ =	swait.ge [sflag:s11], $0x2000  }
0x15: {  	s20 =	sshllo.u32 s19, $0x1;
	s26 =	simm.s32 $0x0;
	s28 =	simm.s32 $0x1  }
0x16: {  	s22 =	simm.s32 $0x2;
	s29 =	simm.s32 $0x3;
	s30 =	simm.s32 $0x4  }
0x17: {  	s23 =	simm.s32 $0x7;
	p0 =	seq.s32 s19, $0x0;
	s31 =	simm.s32 $0x5;
	v33 =	vmov s26;
	v34 =	vmov s28;
	v35 =	vmov s22  }
0x18: {  	[sflag:s11] =	ssyncset.done $0x0;
	s21 =	sshll.u32 s20, $0x7;
	v36 =	vmov s29;
	v37 =	vmov s30;
	v38 =	vmov s23;
	s22 =	simm.s32 @!p0 $0x3  }
0x19: {  	v39 =	vmov s31;
	s23 =	simm.s32 $0x6;
	[sflag:s11] =	ssyncadd.s32 $0xFFFFE000;
	s21 =	sand.u32 $0x3FFFFF80, s21;
	v33 =	vshrl.u32 v33, $0x3;
	v38 =	vshrl.u32 v38, $0x3  }
0x1a: {  	v40 =	vmov s23;
	v34 =	vshrl.u32 v34, $0x3;
	v35 =	vshrl.u32 v35, $0x3;
	[tilespmem:s12], [sflag:$0x2] =	stream.indirect.gather [hbm4b:s4+s9], $0x40, s21, s9, $0xb8;
	[tilespmem:$0x9D00] =	vst v63  }
0x1b: {  	v36 =	vshrl.u32 v36, $0x3;
	v37 =	vshrl.u32 v37, $0x3;
	v38 =	vshll.u32 v38, v1;
	_ =	swait.ge @!p0 [sflag:s22], $0x2000  }
0x1c: {  	v55 =	vshrl.u32 v39, $0x3;
	v33 =	vshll.u32 v33, v1;
	v38 =	vbroadcast v38, $0x0;
	[sflag:s22] =	ssyncset.done @!p0 $0x0  }
0x1d: {  	v34 =	vshll.u32 v34, v1;
	v51 =	vshll.u32 v35, v1;
	v33 =	vbroadcast v33, $0x0;
	[sflag:s22] =	ssyncadd.s32 @!p0 $0xFFFFE000;
	s22 =	simm.s32 $0x1A00  }
0x1e: {  	v52 =	vshll.u32 v36, v1;
	v47 =	vbroadcast v34, $0x0;
	v42 =	vadd.s32 v29, v38;
	v41 =	vld [tilespmem:s22+$0xC0]  }
0x1f: {  	v54 =	vshll.u32 v37, v1;
	v53 =	vbroadcast v51, $0x0;
	v44 =	vadd.s32 v0, v33;
	v43 =	vld [tilespmem:s22+$0xFFFFFF00]  }
0x20: {  	v36 =	vshll.u32 v55, v1;
	v35 =	vbroadcast v52, $0x0;
	v46 =	vadd.s32 v5, v47;
	v45 =	vld [tilespmem:s22+$0xFFFFFF40]  }
0x21: {  	v40 =	vshrl.u32 v40, $0x3;
	v34 =	vbroadcast v54, $0x0;
	v49 =	vadd.s32 v9, v53;
	v48 =	vld [tilespmem:s22+$0xFFFFFF80]  }
0x22: {  	v37 =	vbroadcast v36, $0x0;
	v56 =	vshll.u32 v40, v1;
	v50 =	vadd.s32 v13, v35;
	v39 =	vld [tilespmem:s22+$0xFFFFFFC0]  }
0x23: {  	v36 =	vbroadcast v56, $0x0;
	v52 =	vadd.s32 v17, v34;
	v51 =	vld [tilespmem:s22+$0x0];
	[tilespmem:v42+s13+$0x0] =	vst.idx.msk $0xffff, v41  }
0x24: {  	v60 =	vadd.s32 v21, v37;
	v59 =	vld [tilespmem:s22+$0x40];
	[tilespmem:v44+s13+$0x0] =	vst.idx.msk $0xffff, v43  }
0x25: {  	v61 =	vld [tilespmem:s22+$0x80];
	v62 =	vadd.s32 v25, v36;
	[tilespmem:v46+s13+$0x0] =	vst.idx.msk $0xffff, v45  }
0x26: {  	v58 =	vadd.s32 v30, v38;
	[tilespmem:v49+s13+$0x0] =	vst.idx.msk $0xffff, v48;
	v57 =	vld [tilespmem:s22+$0xD0]  }
0x27: {  	v63 =	vadd.s32 v6, v47;
	[tilespmem:v50+s13+$0x0] =	vst.idx.msk $0xffff, v39;
	v46 =	vld [tilespmem:s22+$0xFFFFFF50]  }
0x28: {  	v55 =	vadd.s32 v10, v53;
	[tilespmem:v52+s13+$0x0] =	vst.idx.msk $0xffff, v51;
	v54 =	vld [tilespmem:s22+$0xFFFFFF90]  }
0x29: {  	v56 =	vadd.s32 v14, v35;
	[tilespmem:v60+s13+$0x0] =	vst.idx.msk $0xffff, v59;
	v50 =	vld [tilespmem:s22+$0xFFFFFFD0]  }
0x2a: {  	[tilespmem:v62+s13+$0x0] =	vst.idx.msk $0xffff, v61;
	v45 =	vadd.s32 v22, v37;
	v44 =	vld [tilespmem:s22+$0x50]  }
0x2b: {  	v59 =	vadd.s32 v18, v34;
	[tilespmem:v58+s13+$0x0] =	vst.idx.msk $0xffff, v57;
	v58 =	vld [tilespmem:s22+$0x10]  }
0x2c: {  	v57 =	vadd.s32 v31, v38;
	[tilespmem:v63+s13+$0x0] =	vst.idx.msk $0xffff, v46;
	v40 =	vld [tilespmem:s22+$0xE0]  }
0x2d: {  	v62 =	vadd.s32 v2, v33;
	v61 =	vld [tilespmem:s22+$0xFFFFFF10];
	[tilespmem:v55+s13+$0x0] =	vst.idx.msk $0xffff, v54  }
0x2e: {  	v60 =	vadd.s32 v26, v36;
	v63 =	vld [tilespmem:s22+$0x90];
	[tilespmem:v56+s13+$0x0] =	vst.idx.msk $0xffff, v50  }
0x2f: {  	v51 =	vadd.s32 v7, v47;
	[tilespmem:v45+s13+$0x0] =	vst.idx.msk $0xffff, v44;
	v50 =	vld [tilespmem:s22+$0xFFFFFF60]  }
0x30: {  	v56 =	vadd.s32 v11, v53;
	v55 =	vld [tilespmem:s22+$0xFFFFFFA0];
	[tilespmem:v59+s13+$0x0] =	vst.idx.msk $0xffff, v58  }
0x31: {  	v58 =	vadd.s32 v15, v35;
	[tilespmem:v57+s13+$0x0] =	vst.idx.msk $0xffff, v40;
	v57 =	vld [tilespmem:s22+$0xFFFFFFE0]  }
0x32: {  	v38 =	vadd.s32 v32, v38;
	[tilespmem:v62+s13+$0x0] =	vst.idx.msk $0xffff, v61;
	v52 =	vld [tilespmem:s22+$0xF0]  }
0x33: {  	[tilespmem:v60+s13+$0x0] =	vst.idx.msk $0xffff, v63;
	v60 =	vadd.s32 v19, v34;
	v59 =	vld [tilespmem:s22+$0x20]  }
0x34: {  	s26 =	simm.s32 $0xA;
	s28 =	simm.s32 $0xB;
	v41 =	vadd.s32 v23, v37;
	v43 =	vadd.s32 v27, v36;
	[tilespmem:v51+s13+$0x0] =	vst.idx.msk $0xffff, v50;
	v40 =	vld [tilespmem:s22+$0x60]  }
0x35: {  	s24 =	simm.s32 $0x8;
	s29 =	simm.s32 $0xC;
	v48 =	vadd.s32 v3, v33;
	v54 =	vmov s26;
	v44 =	vmov s28;
	v42 =	vld [tilespmem:s22+$0xA0];
	[tilespmem:v56+s13+$0x0] =	vst.idx.msk $0xffff, v55  }
0x36: {  	s25 =	simm.s32 $0x9;
	v46 =	vmov s29;
	v53 =	vadd.s32 v12, v53;
	v45 =	vld [tilespmem:s22+$0xFFFFFF20];
	v63 =	vmov s24;
	[tilespmem:v58+s13+$0x0] =	vst.idx.msk $0xffff, v57  }
0x37: {  	s30 =	simm.s32 $0xD;
	s31 =	simm.s32 $0xE;
	s24 =	sshll.u32 s19, $0x1;
	v39 =	vshrl.u32 v63, $0x3;
	v51 =	vmov s25;
	v49 =	vld [tilespmem:s22+$0xFFFFFF70];
	[tilespmem:v38+s13+$0x0] =	vst.idx.msk $0xffff, v52;
	v52 =	vadd.s32 v8, v47  }
0x38: {  	s23 =	simm.s32 $0x10;
	s21 =	sadd.s32 s6, s24;
	s24 =	simm.s32 $0xF;
	v50 =	vld [tilespmem:s22+$0xFFFFFFB0];
	[tilespmem:v60+s13+$0x0] =	vst.idx.msk $0xffff, v59;
	v38 =	vmov s30;
	v47 =	vshll.u32 v39, v1;
	v39 =	vmov s31  }
.LBB2_3:
0x39: {  	p1 =	slt.u32 s23, $0x78;
	v51 =	vshrl.u32 v51, $0x3;
	v55 =	vmov s24;
	v56 =	vld [tilespmem:s22+$0xFFFFFFF0];
	v35 =	vadd.s32 v16, v35;
	[tilespmem:v41+s13+$0x0] =	vst.idx.msk $0xffff, v40  }
0x3a: {  	v40 =	vshrl.u32 v54, $0x3;
	v34 =	vadd.s32 v20, v34;
	v41 =	vshrl.u32 v55, $0x3;
	v54 =	vld [tilespmem:s22+$0x30];
	[tilespmem:v43+s13+$0x0] =	vst.idx.msk $0xffff, v42  }
0x3b: {  	v37 =	vadd.s32 v24, v37;
	v42 =	vshrl.u32 v44, $0x3;
	v41 =	vshll.u32 v41, v1;
	[tilespmem:v48+s13+$0x0] =	vst.idx.msk $0xffff, v45;
	v43 =	vld [tilespmem:s22+$0x70]  }
0x3c: {  	v36 =	vadd.s32 v28, v36;
	v44 =	vshrl.u32 v46, $0x3;
	v41 =	vbroadcast v41, $0x0;
	[tilespmem:v52+s13+$0x0] =	vst.idx.msk $0xffff, v49;
	v45 =	vld [tilespmem:s22+$0xB0]  }
0x3d: {  	v46 =	vshll.u32 v51, v1;
	v49 =	vadd.s32 v4, v33;
	v33 =	vbroadcast v47, $0x0;
	v48 =	vld [tilespmem:s22+$0xFFFFFF30];
	[tilespmem:v53+s13+$0x0] =	vst.idx.msk $0xffff, v50;
	s22 =	sadd.s32 $0x200, s22  }
0x3e: {  	v40 =	vshll.u32 v40, v1;
	v47 =	vbroadcast v46, $0x0;
	v46 =	vld [tilespmem:s22+$0xC0];
	v50 =	vadd.s32 v29, v41;
	[tilespmem:v35+s13+$0x0] =	vst.idx.msk $0xffff, v56  }
0x3f: {  	v53 =	vbroadcast v40, $0x0;
	v52 =	vadd.s32 v0, v33;
	v35 =	vshll.u32 v42, v1;
	v51 =	vld [tilespmem:s22+$0xFFFFFF00];
	[tilespmem:v34+s13+$0x0] =	vst.idx.msk $0xffff, v54  }
0x40: {  	v42 =	vadd.s32 v5, v47;
	v35 =	vbroadcast v35, $0x0;
	v34 =	vshll.u32 v44, v1;
	v40 =	vld [tilespmem:s22+$0xFFFFFF40];
	[tilespmem:v37+s13+$0x0] =	vst.idx.msk $0xffff, v43  }
0x41: {  	v44 =	vadd.s32 v9, v53;
	v34 =	vbroadcast v34, $0x0;
	v37 =	vshrl.u32 v38, $0x3;
	v43 =	vld [tilespmem:s22+$0xFFFFFF80];
	[tilespmem:v36+s13+$0x0] =	vst.idx.msk $0xffff, v45  }
0x42: {  	v39 =	vshrl.u32 v39, $0x3;
	v45 =	vadd.s32 v13, v35;
	v36 =	vshll.u32 v37, v1;
	v38 =	vld [tilespmem:s22+$0xFFFFFFC0];
	[tilespmem:v49+s13+$0x0] =	vst.idx.msk $0xffff, v48  }
0x43: {  	v49 =	vadd.s32 v17, v34;
	v37 =	vbroadcast v36, $0x0;
	v36 =	vshll.u32 v39, v1;
	v48 =	vld [tilespmem:s22+$0x0];
	[tilespmem:v50+s13+$0x0] =	vst.idx.msk $0xffff, v46  }
0x44: {  	v36 =	vbroadcast v36, $0x0;
	v46 =	vadd.s32 v30, v41;
	[tilespmem:v52+s13+$0x0] =	vst.idx.msk $0xffff, v51;
	v39 =	vld [tilespmem:s22+$0xD0]  }
0x45: {  	[tilespmem:v42+s13+$0x0] =	vst.idx.msk $0xffff, v40;
	v40 =	vld [tilespmem:s22+$0x40];
	v42 =	vadd.s32 v21, v37  }
0x46: {  	[tilespmem:v44+s13+$0x0] =	vst.idx.msk $0xffff, v43;
	v43 =	vld [tilespmem:s22+$0x80];
	v44 =	vadd.s32 v25, v36  }
0x47: {  	v51 =	vadd.s32 v6, v47;
	v50 =	vld [tilespmem:s22+$0xFFFFFF50];
	[tilespmem:v45+s13+$0x0] =	vst.idx.msk $0xffff, v38  }
0x48: {  	v45 =	vadd.s32 v10, v53;
	v38 =	vld [tilespmem:s22+$0xFFFFFF90];
	[tilespmem:v49+s13+$0x0] =	vst.idx.msk $0xffff, v48  }
0x49: {  	v49 =	vadd.s32 v14, v35;
	v48 =	vld [tilespmem:s22+$0xFFFFFFD0];
	[tilespmem:v46+s13+$0x0] =	vst.idx.msk $0xffff, v39  }
0x4a: {  	[tilespmem:v42+s13+$0x0] =	vst.idx.msk $0xffff, v40;
	v39 =	vld [tilespmem:s22+$0xE0];
	v40 =	vadd.s32 v31, v41  }
0x4b: {  	v46 =	vadd.s32 v18, v34;
	v42 =	vld [tilespmem:s22+$0x10];
	[tilespmem:v44+s13+$0x0] =	vst.idx.msk $0xffff, v43  }
0x4c: {  	v44 =	vadd.s32 v22, v37;
	[tilespmem:v51+s13+$0x0] =	vst.idx.msk $0xffff, v50;
	v43 =	vld [tilespmem:s22+$0x50]  }
0x4d: {  	[tilespmem:v45+s13+$0x0] =	vst.idx.msk $0xffff, v38;
	v38 =	vld [tilespmem:s22+$0x90];
	v45 =	vadd.s32 v26, v36  }
0x4e: {  	v51 =	vadd.s32 v2, v33;
	v50 =	vld [tilespmem:s22+$0xFFFFFF10];
	[tilespmem:v49+s13+$0x0] =	vst.idx.msk $0xffff, v48  }
0x4f: {  	v49 =	vadd.s32 v7, v47;
	v48 =	vld [tilespmem:s22+$0xFFFFFF60];
	[tilespmem:v40+s13+$0x0] =	vst.idx.msk $0xffff, v39  }
0x50: {  	[tilespmem:v46+s13+$0x0] =	vst.idx.msk $0xffff, v42;
	v39 =	vld [tilespmem:s22+$0xF0];
	v46 =	vadd.s32 v32, v41  }
0x51: {  	v55 =	vadd.s32 v11, v53;
	v52 =	vld [tilespmem:s22+$0xFFFFFFA0];
	[tilespmem:v44+s13+$0x0] =	vst.idx.msk $0xffff, v43  }
0x52: {  	v57 =	vadd.s32 v15, v35;
	v56 =	vld [tilespmem:s22+$0xFFFFFFE0];
	[tilespmem:v45+s13+$0x0] =	vst.idx.msk $0xffff, v38  }
0x53: {  	v59 =	vadd.s32 v19, v34;
	[tilespmem:v51+s13+$0x0] =	vst.idx.msk $0xffff, v50;
	v58 =	vld [tilespmem:s22+$0x20]  }
.Ltmp0:
0x54: {  	s24 =	sadd.s32 $0x1, s23;
	v41 =	vadd.s32 v23, v37;
	v38 =	vmov s23;
	[tilespmem:v49+s13+$0x0] =	vst.idx.msk $0xffff, v48;
	v40 =	vld [tilespmem:s22+$0x60];
	(pc) =	sbr.rel @p1 .LBB2_3-.Ltmp0, $4  }
0x55: {  	s25 =	sadd.s32 $0x3, s23;
	v43 =	vadd.s32 v27, v36;
	v50 =	vshrl.u32 v38, $0x3;
	v51 =	vmov s24;
	s24 =	sadd.s32 $0x2, s23;
	v42 =	vld [tilespmem:s22+$0xA0];
	[tilespmem:v46+s13+$0x0] =	vst.idx.msk $0xffff, v39  }
0x56: {  	v44 =	vmov s25;
	s25 =	sadd.s32 $0x5, s23;
	v54 =	vmov s24;
	s24 =	sadd.s32 $0x4, s23;
	v48 =	vadd.s32 v3, v33;
	v45 =	vld [tilespmem:s22+$0xFFFFFF20];
	[tilespmem:v55+s13+$0x0] =	vst.idx.msk $0xffff, v52  }
0x57: {  	v38 =	vmov s25;
	v46 =	vmov s24;
	s24 =	sadd.s32 $0x6, s23;
	v52 =	vadd.s32 v8, v47;
	v49 =	vld [tilespmem:s22+$0xFFFFFF70];
	[tilespmem:v57+s13+$0x0] =	vst.idx.msk $0xffff, v56  }
0x58: {  	v53 =	vadd.s32 v12, v53;
	v47 =	vshll.u32 v50, v1;
	v39 =	vmov s24;
	s24 =	sadd.s32 $0x7, s23;
	s23 =	sadd.s32 $0x8, s23;
	v50 =	vld [tilespmem:s22+$0xFFFFFFB0];
	[tilespmem:v59+s13+$0x0] =	vst.idx.msk $0xffff, v58  }
0x59: {  	_ =	sdelay $0x2  }
0x5a: {  	v51 =	vshrl.u32 v51, $0x3  }
0x5b: {  	v55 =	vmov s24;
	v56 =	vld [tilespmem:s22+$0xFFFFFFF0];
	v35 =	vadd.s32 v16, v35;
	[tilespmem:v41+s13+$0x0] =	vst.idx.msk $0xffff, v40;
	v57 =	vshrl.u32 v54, $0x3  }
0x5c: {  	v59 =	vld [tilespmem:s22+$0x30];
	v34 =	vadd.s32 v20, v34;
	v60 =	vshrl.u32 v44, $0x3;
	v58 =	vshrl.u32 v55, $0x3;
	[tilespmem:v43+s13+$0x0] =	vst.idx.msk $0xffff, v42  }
0x5d: {  	v37 =	vadd.s32 v24, v37;
	v62 =	vshrl.u32 v46, $0x3;
	v61 =	vld [tilespmem:s22+$0x70];
	v41 =	vshll.u32 v58, v1;
	[tilespmem:v48+s13+$0x0] =	vst.idx.msk $0xffff, v45  }
0x5e: {  	v36 =	vadd.s32 v28, v36;
	v46 =	vbroadcast v47, $0x0;
	v63 =	vld [tilespmem:s22+$0xB0];
	v41 =	vbroadcast v41, $0x0;
	[tilespmem:v52+s13+$0x0] =	vst.idx.msk $0xffff, v49  }
0x5f: {  	v33 =	vadd.s32 v4, v33;
	s24 =	sadd.s32 $0x200, s22;
	v38 =	vshrl.u32 v38, $0x3;
	v55 =	vshll.u32 v51, v1;
	v48 =	vld [tilespmem:s22+$0xFFFFFF30];
	[tilespmem:v53+s13+$0x0] =	vst.idx.msk $0xffff, v50  }
0x60: {  	v40 =	vshll.u32 v57, v1;
	v47 =	vbroadcast v55, $0x0;
	v49 =	vld [tilespmem:s24+$0xC0];
	v50 =	vadd.s32 v29, v41;
	[tilespmem:v35+s13+$0x0] =	vst.idx.msk $0xffff, v56  }
0x61: {  	v42 =	vshll.u32 v60, v1;
	v40 =	vbroadcast v40, $0x0;
	v35 =	vld [tilespmem:s24+$0xFFFFFF00];
	v56 =	vadd.s32 v0, v46;
	[tilespmem:v34+s13+$0x0] =	vst.idx.msk $0xffff, v59  }
0x62: {  	v57 =	vld [tilespmem:s24+$0xFFFFFF40];
	v44 =	vshll.u32 v62, v1;
	v42 =	vbroadcast v42, $0x0;
	v58 =	vadd.s32 v5, v47;
	[tilespmem:v37+s13+$0x0] =	vst.idx.msk $0xffff, v61  }
0x63: {  	v38 =	vshll.u32 v38, v1;
	v44 =	vbroadcast v44, $0x0;
	v60 =	vadd.s32 v9, v40;
	v59 =	vld [tilespmem:s24+$0xFFFFFF80];
	[tilespmem:v36+s13+$0x0] =	vst.idx.msk $0xffff, v63  }
0x64: {  	v38 =	vbroadcast v38, $0x0;
	v62 =	vadd.s32 v13, v42;
	v61 =	vld [tilespmem:s24+$0xFFFFFFC0];
	[tilespmem:v33+s13+$0x0] =	vst.idx.msk $0xffff, v48  }
0x65: {  	v39 =	vshrl.u32 v39, $0x3;
	v63 =	vadd.s32 v17, v44;
	v33 =	vld [tilespmem:s24+$0x0];
	[tilespmem:v50+s13+$0x0] =	vst.idx.msk $0xffff, v49  }
0x66: {  	v39 =	vshll.u32 v39, v1;
	v34 =	vld [tilespmem:s24+$0x40];
	[tilespmem:v56+s13+$0x0] =	vst.idx.msk $0xffff, v35;
	v56 =	vadd.s32 v21, v38  }
0x67: {  	[tilespmem:v58+s13+$0x0] =	vst.idx.msk $0xffff, v57;
	v35 =	vbroadcast v39, $0x0;
	v49 =	vadd.s32 v30, v41;
	v39 =	vld [tilespmem:s24+$0xD0]  }
0x68: {  	[tilespmem:v60+s13+$0x0] =	vst.idx.msk $0xffff, v59;
	v59 =	vld [tilespmem:s24+$0xFFFFFF50];
	v60 =	vadd.s32 v6, v47  }
0x69: {  	v57 =	vld [tilespmem:s24+$0x80];
	[tilespmem:v62+s13+$0x0] =	vst.idx.msk $0xffff, v61;
	v58 =	vadd.s32 v25, v35  }
0x6a: {  	v61 =	vld [tilespmem:s24+$0xFFFFFF90];
	v62 =	vadd.s32 v10, v40;
	[tilespmem:v63+s13+$0x0] =	vst.idx.msk $0xffff, v33  }
0x6b: {  	v33 =	vld [tilespmem:s24+$0xFFFFFFD0];
	v63 =	vadd.s32 v14, v42;
	[tilespmem:v56+s13+$0x0] =	vst.idx.msk $0xffff, v34  }
0x6c: {  	v56 =	vadd.s32 v18, v44;
	[tilespmem:v49+s13+$0x0] =	vst.idx.msk $0xffff, v39;
	v49 =	vld [tilespmem:s24+$0x10]  }
0x6d: {  	[tilespmem:v60+s13+$0x0] =	vst.idx.msk $0xffff, v59;
	v39 =	vadd.s32 v31, v41;
	v34 =	vld [tilespmem:s24+$0xE0]  }
0x6e: {  	[tilespmem:v58+s13+$0x0] =	vst.idx.msk $0xffff, v57;
	v57 =	vld [tilespmem:s24+$0x50];
	v58 =	vadd.s32 v22, v38  }
0x6f: {  	[tilespmem:v62+s13+$0x0] =	vst.idx.msk $0xffff, v61;
	v61 =	vld [tilespmem:s24+$0xFFFFFF10];
	v62 =	vadd.s32 v2, v46  }
0x70: {  	v60 =	vadd.s32 v26, v35;
	v59 =	vld [tilespmem:s24+$0x90];
	[tilespmem:v63+s13+$0x0] =	vst.idx.msk $0xffff, v33  }
0x71: {  	v55 =	vadd.s32 v11, v40;
	v54 =	vadd.s32 v32, v41;
	v41 =	vld [tilespmem:s24+$0xFFFFFFA0];
	[tilespmem:v56+s13+$0x0] =	vst.idx.msk $0xffff, v49  }
0x72: {  	v53 =	vadd.s32 v7, v47;
	v63 =	vld [tilespmem:s24+$0xFFFFFF60];
	[tilespmem:v39+s13+$0x0] =	vst.idx.msk $0xffff, v34  }
0x73: {  	v56 =	vld [tilespmem:s24+$0xFFFFFFE0];
	[tilespmem:v58+s13+$0x0] =	vst.idx.msk $0xffff, v57;
	v57 =	vadd.s32 v15, v42  }
0x74: {  	[tilespmem:v62+s13+$0x0] =	vst.idx.msk $0xffff, v61;
	v34 =	vld [tilespmem:s24+$0xF0]  }
0x75: {  	v58 =	vld [tilespmem:s24+$0x20];
	[tilespmem:v60+s13+$0x0] =	vst.idx.msk $0xffff, v59;
	v59 =	vadd.s32 v19, v44  }
0x76: {  	v61 =	vadd.s32 v23, v38;
	[tilespmem:v55+s13+$0x0] =	vst.idx.msk $0xffff, v41;
	v60 =	vld [tilespmem:s24+$0x60]  }
0x77: {  	[tilespmem:v53+s13+$0x0] =	vst.idx.msk $0xffff, v63;
	v63 =	vadd.s32 v27, v35;
	v62 =	vld [tilespmem:s24+$0xA0]  }
0x78: {  	v47 =	vadd.s32 v8, v47;
	v55 =	vld [tilespmem:s24+$0xFFFFFF70];
	[tilespmem:v57+s13+$0x0] =	vst.idx.msk $0xffff, v56  }
0x79: {  	v53 =	vld [tilespmem:s24+$0xFFFFFF20];
	[tilespmem:v54+s13+$0x0] =	vst.idx.msk $0xffff, v34;
	v54 =	vadd.s32 v3, v46  }
0x7a: {  	v40 =	vadd.s32 v12, v40;
	v56 =	vld [tilespmem:s24+$0xFFFFFFB0];
	[tilespmem:v59+s13+$0x0] =	vst.idx.msk $0xffff, v58  }
0x7b: {  	v42 =	vadd.s32 v16, v42;
	v57 =	vld [tilespmem:s24+$0xFFFFFFF0];
	[tilespmem:v61+s13+$0x0] =	vst.idx.msk $0xffff, v60  }
0x7c: {  	v59 =	vadd.s32 v20, v44;
	v58 =	vld [tilespmem:s24+$0x30];
	[tilespmem:v63+s13+$0x0] =	vst.idx.msk $0xffff, v62  }
0x7d: {  	v38 =	vadd.s32 v24, v38;
	v60 =	vld [tilespmem:s24+$0x70];
	[tilespmem:v47+s13+$0x0] =	vst.idx.msk $0xffff, v55  }
0x7e: {  	v35 =	vadd.s32 v28, v35;
	v61 =	vld [tilespmem:s24+$0xB0];
	[tilespmem:v54+s13+$0x0] =	vst.idx.msk $0xffff, v53  }
0x7f: {  	v63 =	vadd.s32 v4, v46;
	[tilespmem:v40+s13+$0x0] =	vst.idx.msk $0xffff, v56;
	v62 =	vld [tilespmem:s24+$0xFFFFFF30]  }
0x80: {  	[tilespmem:v42+s13+$0x0] =	vst.idx.msk $0xffff, v57  }
0x81: {  	s25 =	sshll.u32 s21, $0x7;
	[tilespmem:v59+s13+$0x0] =	vst.idx.msk $0xffff, v58  }
0x82: {  	s26 =	sshll.u32 s21, $0xA;
	s22 =	sand.u32 $0xF00, s25;
	[tilespmem:v38+s13+$0x0] =	vst.idx.msk $0xffff, v60  }
0x83: {  	s21 =	sand.u32 $0xFFF8000, s26;
	s22 =	sadd.s32 s2, s22;
	[tilespmem:v35+s13+$0x0] =	vst.idx.msk $0xffff, v61  }
0x84: {  	s28 =	simm.s32 $0x5900;
	s22 =	sadd.s32 s21, s22;
	[tilespmem:v63+s13+$0x0] =	vst.idx.msk $0xffff, v62  }
0x85: {  	[hbm4b:s22+s3] =	stream.linear.scatter [tilespmem:s28], [sflag:$0x3], $0x80, $0x38;
	[tilespmem:$0x9D00] =	vst v63  }
0x86: {  	s29 =	simm.s32 $0x5988;
	s23 =	sadd.s32 $0x10, s22  }
0x87: {  	[hbm4b:s23+s3] =	stream.linear.scatter [tilespmem:s29], [sflag:$0x3], $0x80, $0x38;
	[tilespmem:$0x9D00] =	vst v63  }
0x88: {  	s30 =	simm.s32 $0x5A10;
	s25 =	simm.s32 $0x5B20;
	s31 =	sadd.s32 $0x20, s22  }
0x89: {  	[hbm4b:s31+s3] =	stream.linear.scatter [tilespmem:s30], [sflag:$0x3], $0x80, $0x38;
	[tilespmem:$0x9D00] =	vst v63  }
0x8a: {  	s21 =	simm.s32 $0x440;
	s24 =	sadd.s32 $0x30, s22;
	s23 =	simm.s32 $0x5A98  }
0x8b: {  	[hbm4b:s24+s3] =	stream.linear.scatter [tilespmem:s23], [sflag:$0x3], $0x80, $0x38;
	[tilespmem:$0x9D00] =	vst v63  }
0x8c: {  	s26 =	sadd.s32 $0x40, s22;
	s28 =	simm.s32 $0x5BA8;
	s29 =	sadd.s32 $0x50, s22  }
0x8d: {  	[hbm4b:s26+s3] =	stream.linear.scatter [tilespmem:s25], [sflag:$0x3], $0x80, $0x38;
	[tilespmem:$0x9D00] =	vst v63  }
0x8e: {  	s30 =	simm.s32 $0x5C30;
	s31 =	sadd.s32 $0x60, s22;
	s23 =	simm.s32 $0x2200  }
0x8f: {  	[hbm4b:s29+s3] =	stream.linear.scatter [tilespmem:s28], [sflag:$0x3], $0x80, $0x38;
	[tilespmem:$0x9D00] =	vst v63  }
0x90: {  	s24 =	simm.s32 $0x5CB8;
	s25 =	sadd.s32 $0x70, s22;
	s22 =	sadd.s32 $0x1000, s22  }
0x91: {  	[hbm4b:s31+s3] =	stream.linear.scatter [tilespmem:s30], [sflag:$0x3], $0x80, $0x38;
	[tilespmem:$0x9D00] =	vst v63  }
.LBB2_5:
0x92: {  	[hbm4b:s25+s3] =	stream.linear.scatter [tilespmem:s24], [sflag:$0x3], $0x80, $0x38;
	[tilespmem:$0x9D00] =	vst v63  }
0x93: {  	s24 =	smov.u32 s21;
	s21 =	smov.u32 s23  }
0x94: {  	s26 =	sadd.s32 $0x1100, s23;
	s21 =	sshra.s32 s21, $0x2;
	s25 =	sadd.s32 $0x5900, s24  }
0x95: {  	[hbm4b:s22+s3] =	stream.linear.scatter [tilespmem:s25], [sflag:$0x3], $0x80, $0x38;
	[tilespmem:$0x9D00] =	vst v63  }
0x96: {  	p1 =	sne.s32 s23, $0x7700;
	s23 =	sadd.s32 $0x5988, s24;
	s25 =	sadd.s32 $0x10, s22  }
0x97: {  	[hbm4b:s25+s3] =	stream.linear.scatter [tilespmem:s23], [sflag:$0x3], $0x80, $0x38;
	[tilespmem:$0x9D00] =	vst v63  }
0x98: {  	s23 =	sadd.s32 $0x5A10, s24;
	s25 =	sadd.s32 $0x20, s22  }
0x99: {  	[hbm4b:s25+s3] =	stream.linear.scatter [tilespmem:s23], [sflag:$0x3], $0x80, $0x38;
	[tilespmem:$0x9D00] =	vst v63  }
0x9a: {  	s23 =	sadd.s32 $0x5A98, s24;
	s25 =	sadd.s32 $0x30, s22  }
0x9b: {  	[hbm4b:s25+s3] =	stream.linear.scatter [tilespmem:s23], [sflag:$0x3], $0x80, $0x38;
	[tilespmem:$0x9D00] =	vst v63  }
0x9c: {  	s23 =	sadd.s32 $0x5B20, s24;
	s25 =	sadd.s32 $0x40, s22  }
0x9d: {  	[hbm4b:s25+s3] =	stream.linear.scatter [tilespmem:s23], [sflag:$0x3], $0x80, $0x38;
	[tilespmem:$0x9D00] =	vst v63  }
.Ltmp1:
0x9e: {  	s23 =	sadd.s32 $0x5BA8, s24;
	s25 =	sadd.s32 $0x50, s22;
	(pc) =	sbr.rel @p1 .LBB2_5-.Ltmp1, $4  }
0x9f: {  	[hbm4b:s25+s3] =	stream.linear.scatter [tilespmem:s23], [sflag:$0x3], $0x80, $0x38;
	[tilespmem:$0x9D00] =	vst v63  }
0xa0: {  	s23 =	sadd.s32 $0x5C30, s24;
	s25 =	sadd.s32 $0x60, s22;
	s24 =	sadd.s32 $0x5CB8, s24  }
0xa1: {  	[hbm4b:s25+s3] =	stream.linear.scatter [tilespmem:s23], [sflag:$0x3], $0x80, $0x38;
	[tilespmem:$0x9D00] =	vst v63  }
0xa2: {  	s25 =	sadd.s32 $0x70, s22;
	s22 =	sadd.s32 $0x1000, s22;
	s23 =	smov.u32 s26  }
0xa3: {  	[hbm4b:s25+s3] =	stream.linear.scatter [tilespmem:s24], [sflag:$0x3], $0x80, $0x38;
	[tilespmem:$0x9D00] =	vst v63  }
0xa4: {  	s23 =	sadd.s32 $0x5900, s21  }
0xa5: {  	[hbm4b:s22+s3] =	stream.linear.scatter [tilespmem:s23], [sflag:$0x3], $0x80, $0x38;
	[tilespmem:$0x9D00] =	vst v63  }
0xa6: {  	s30 =	sadd.s32 $0x5988, s21;
	s31 =	sadd.s32 $0x10, s22  }
0xa7: {  	[hbm4b:s31+s3] =	stream.linear.scatter [tilespmem:s30], [sflag:$0x3], $0x80, $0x38;
	[tilespmem:$0x9D00] =	vst v63  }
0xa8: {  	s25 =	sadd.s32 $0x5A10, s21;
	s26 =	sadd.s32 $0x20, s22  }
0xa9: {  	[hbm4b:s26+s3] =	stream.linear.scatter [tilespmem:s25], [sflag:$0x3], $0x80, $0x38;
	[tilespmem:$0x9D00] =	vst v63  }
0xaa: {  	s28 =	sadd.s32 $0x5A98, s21;
	s29 =	sadd.s32 $0x30, s22  }
0xab: {  	[hbm4b:s29+s3] =	stream.linear.scatter [tilespmem:s28], [sflag:$0x3], $0x80, $0x38;
	[tilespmem:$0x9D00] =	vst v63  }
0xac: {  	s30 =	sadd.s32 $0x5B20, s21;
	s31 =	sadd.s32 $0x40, s22  }
0xad: {  	[hbm4b:s31+s3] =	stream.linear.scatter [tilespmem:s30], [sflag:$0x3], $0x80, $0x38;
	[tilespmem:$0x9D00] =	vst v63  }
0xae: {  	s25 =	sadd.s32 $0x5BA8, s21;
	s26 =	sadd.s32 $0x50, s22  }
0xaf: {  	[hbm4b:s26+s3] =	stream.linear.scatter [tilespmem:s25], [sflag:$0x3], $0x80, $0x38;
	[tilespmem:$0x9D00] =	vst v63  }
0xb0: {  	p1 =	sne.s32 s19, $0x18;
	s28 =	sadd.s32 $0x5C30, s21;
	s29 =	sadd.s32 $0x60, s22  }
0xb1: {  	[hbm4b:s29+s3] =	stream.linear.scatter [tilespmem:s28], [sflag:$0x3], $0x80, $0x38;
	[tilespmem:$0x9D00] =	vst v63  }
.Ltmp2:
0xb2: {  	s30 =	sadd.s32 $0x5CB8, s21;
	s31 =	sadd.s32 $0x70, s22;
	(pc) =	sbr.rel @!p1 .LBB2_8-.Ltmp2, $4  }
0xb3: {  	[hbm4b:s31+s3] =	stream.linear.scatter [tilespmem:s30], [sflag:$0x3], $0x80, $0x38;
	[tilespmem:$0x9D00] =	vst v63  }
0xb4: {  	_ =	swait.ge [sflag:s14], $0x2000  }
0xb5: {  	[sflag:s14] =	ssyncset.done $0x0  }
0xb6: {  	s20 =	sadd.s32 s6, s20;
	[sflag:s14] =	ssyncadd.s32 $0xFFFFE000  }
.Ltmp3:
0xb7: {  	(pc) =	sbr.rel @p0 .LBB2_9-.Ltmp3, $4  }
0xb8: {  	s21 =	sshll.u32 s19, $0x8  }
0xb9: {  	s21 =	sand.u32 $0x3FFFFF00, s21  }
0xba: {  	s21 =	sadd.s32 $0x100, s21  }
0xbb: {  	[tilespmem:s10], [sflag:$0x1] =	stream.indirect.gather [hbm4b:s4+s9], $0x40, s21, s9, $0xb8;
	[tilespmem:$0x9D00] =	vst v63  }
.LBB2_8:
0xbc: {  	_ =	swait.ge [sflag:s15], $0x2000  }
0xbd: {  	[sflag:s15] =	ssyncset.done $0x0  }
0xbe: {  	[sflag:s15] =	ssyncadd.s32 $0xFFFFE000  }
.LBB2_9:
0xbf: {  	s21 =	simm.s32 $0x0;
	s28 =	simm.s32 $0x1;
	s22 =	simm.s32 $0x2  }
0xc0: {  	s29 =	simm.s32 $0x3;
	s30 =	simm.s32 $0x4;
	s23 =	simm.s32 $0x7;
	v33 =	vmov s21;
	v34 =	vmov s28;
	v35 =	vmov s22  }
0xc1: {  	s31 =	simm.s32 $0x5;
	v36 =	vmov s29;
	v37 =	vmov s30;
	v38 =	vmov s23  }
0xc2: {  	v39 =	vmov s31;
	s23 =	simm.s32 $0x6;
	v33 =	vshrl.u32 v33, $0x3;
	v38 =	vshrl.u32 v38, $0x3  }
0xc3: {  	v40 =	vmov s23;
	v34 =	vshrl.u32 v34, $0x3;
	v35 =	vshrl.u32 v35, $0x3  }
0xc4: {  	v36 =	vshrl.u32 v36, $0x3;
	v37 =	vshrl.u32 v37, $0x3;
	v38 =	vshll.u32 v38, v1  }
0xc5: {  	v55 =	vshrl.u32 v39, $0x3;
	v33 =	vshll.u32 v33, v1;
	v38 =	vbroadcast v38, $0x0  }
0xc6: {  	s21 =	simm.s32 $0x3A00;
	v34 =	vshll.u32 v34, v1;
	v52 =	vshll.u32 v35, v1;
	v33 =	vbroadcast v33, $0x0  }
0xc7: {  	v41 =	vld [tilespmem:s21+$0xC0];
	v53 =	vshll.u32 v36, v1;
	v45 =	vbroadcast v34, $0x0;
	v42 =	vadd.s32 v29, v38  }
0xc8: {  	v43 =	vld [tilespmem:s21+$0xFFFFFF00];
	v54 =	vshll.u32 v37, v1;
	v52 =	vbroadcast v52, $0x0;
	v44 =	vadd.s32 v0, v33  }
0xc9: {  	v46 =	vld [tilespmem:s21+$0xFFFFFF40];
	v36 =	vshll.u32 v55, v1;
	v35 =	vbroadcast v53, $0x0;
	v47 =	vadd.s32 v5, v45  }
0xca: {  	v48 =	vld [tilespmem:s21+$0xFFFFFF80];
	v40 =	vshrl.u32 v40, $0x3;
	v34 =	vbroadcast v54, $0x0;
	v49 =	vadd.s32 v9, v52  }
0xcb: {  	v39 =	vld [tilespmem:s21+$0xFFFFFFC0];
	v37 =	vbroadcast v36, $0x0;
	v56 =	vshll.u32 v40, v1;
	v50 =	vadd.s32 v13, v35  }
0xcc: {  	v51 =	vld [tilespmem:s21+$0x0];
	v36 =	vbroadcast v56, $0x0;
	v53 =	vadd.s32 v17, v34;
	[tilespmem:v42+s16+$0x0] =	vst.idx.msk $0xffff, v41  }
0xcd: {  	v59 =	vld [tilespmem:s21+$0x40];
	v60 =	vadd.s32 v21, v37;
	[tilespmem:v44+s16+$0x0] =	vst.idx.msk $0xffff, v43  }
0xce: {  	v61 =	vld [tilespmem:s21+$0x80];
	v62 =	vadd.s32 v25, v36;
	[tilespmem:v47+s16+$0x0] =	vst.idx.msk $0xffff, v46  }
0xcf: {  	v58 =	vadd.s32 v30, v38;
	[tilespmem:v49+s16+$0x0] =	vst.idx.msk $0xffff, v48;
	v57 =	vld [tilespmem:s21+$0xD0]  }
0xd0: {  	v63 =	vadd.s32 v6, v45;
	[tilespmem:v50+s16+$0x0] =	vst.idx.msk $0xffff, v39;
	v47 =	vld [tilespmem:s21+$0xFFFFFF50]  }
0xd1: {  	v55 =	vadd.s32 v10, v52;
	[tilespmem:v53+s16+$0x0] =	vst.idx.msk $0xffff, v51;
	v54 =	vld [tilespmem:s21+$0xFFFFFF90]  }
0xd2: {  	v56 =	vadd.s32 v14, v35;
	[tilespmem:v60+s16+$0x0] =	vst.idx.msk $0xffff, v59;
	v50 =	vld [tilespmem:s21+$0xFFFFFFD0]  }
0xd3: {  	v46 =	vadd.s32 v22, v37;
	[tilespmem:v62+s16+$0x0] =	vst.idx.msk $0xffff, v61;
	v44 =	vld [tilespmem:s21+$0x50]  }
0xd4: {  	v59 =	vadd.s32 v18, v34;
	[tilespmem:v58+s16+$0x0] =	vst.idx.msk $0xffff, v57;
	v58 =	vld [tilespmem:s21+$0x10]  }
0xd5: {  	v57 =	vadd.s32 v31, v38;
	[tilespmem:v63+s16+$0x0] =	vst.idx.msk $0xffff, v47;
	v40 =	vld [tilespmem:s21+$0xE0]  }
0xd6: {  	v60 =	vadd.s32 v26, v36;
	[tilespmem:v55+s16+$0x0] =	vst.idx.msk $0xffff, v54;
	v63 =	vld [tilespmem:s21+$0x90]  }
0xd7: {  	v61 =	vld [tilespmem:s21+$0xFFFFFF10];
	v62 =	vadd.s32 v2, v33;
	[tilespmem:v56+s16+$0x0] =	vst.idx.msk $0xffff, v50  }
0xd8: {  	v51 =	vadd.s32 v7, v45;
	[tilespmem:v46+s16+$0x0] =	vst.idx.msk $0xffff, v44;
	v50 =	vld [tilespmem:s21+$0xFFFFFF60]  }
0xd9: {  	v56 =	vadd.s32 v11, v52;
	v55 =	vld [tilespmem:s21+$0xFFFFFFA0];
	[tilespmem:v59+s16+$0x0] =	vst.idx.msk $0xffff, v58  }
0xda: {  	v58 =	vadd.s32 v15, v35;
	[tilespmem:v57+s16+$0x0] =	vst.idx.msk $0xffff, v40;
	v57 =	vld [tilespmem:s21+$0xFFFFFFE0]  }
0xdb: {  	[tilespmem:v60+s16+$0x0] =	vst.idx.msk $0xffff, v63;
	v60 =	vadd.s32 v19, v34;
	v59 =	vld [tilespmem:s21+$0x20]  }
0xdc: {  	s25 =	simm.s32 $0x9;
	v38 =	vadd.s32 v32, v38;
	[tilespmem:v62+s16+$0x0] =	vst.idx.msk $0xffff, v61;
	v54 =	vld [tilespmem:s21+$0xF0]  }
0xdd: {  	s24 =	simm.s32 $0x8;
	v41 =	vadd.s32 v23, v37;
	v53 =	vmov s25;
	[tilespmem:v51+s16+$0x0] =	vst.idx.msk $0xffff, v50;
	v40 =	vld [tilespmem:s21+$0x60]  }
0xde: {  	s28 =	simm.s32 $0xB;
	s29 =	simm.s32 $0xC;
	v43 =	vadd.s32 v27, v36;
	v48 =	vadd.s32 v3, v33;
	v63 =	vmov s24;
	v42 =	vld [tilespmem:s21+$0xA0];
	[tilespmem:v56+s16+$0x0] =	vst.idx.msk $0xffff, v55  }
0xdf: {  	s31 =	simm.s32 $0xE;
	v44 =	vmov s28;
	v47 =	vmov s29;
	v46 =	vld [tilespmem:s21+$0xFFFFFF20];
	v39 =	vshrl.u32 v63, $0x3;
	[tilespmem:v58+s16+$0x0] =	vst.idx.msk $0xffff, v57  }
0xe0: {  	s26 =	simm.s32 $0xA;
	s30 =	simm.s32 $0xD;
	v51 =	vadd.s32 v8, v45;
	v49 =	vld [tilespmem:s21+$0xFFFFFF70];
	v45 =	vshll.u32 v39, v1;
	v39 =	vmov s31;
	[tilespmem:v60+s16+$0x0] =	vst.idx.msk $0xffff, v59  }
0xe1: {  	s22 =	simm.s32 $0x10;
	s23 =	simm.s32 $0xF;
	v52 =	vadd.s32 v12, v52;
	v50 =	vld [tilespmem:s21+$0xFFFFFFB0];
	[tilespmem:v38+s16+$0x0] =	vst.idx.msk $0xffff, v54;
	v54 =	vmov s26;
	v38 =	vmov s30  }
.LBB2_10:
0xe2: {  	p0 =	slt.u32 s22, $0x78;
	v53 =	vshrl.u32 v53, $0x3;
	v55 =	vmov s23;
	v56 =	vld [tilespmem:s21+$0xFFFFFFF0];
	v35 =	vadd.s32 v16, v35;
	[tilespmem:v41+s16+$0x0] =	vst.idx.msk $0xffff, v40  }
0xe3: {  	v40 =	vshrl.u32 v54, $0x3;
	v34 =	vadd.s32 v20, v34;
	v41 =	vshrl.u32 v55, $0x3;
	v54 =	vld [tilespmem:s21+$0x30];
	[tilespmem:v43+s16+$0x0] =	vst.idx.msk $0xffff, v42  }
0xe4: {  	v37 =	vadd.s32 v24, v37;
	v42 =	vshrl.u32 v44, $0x3;
	v41 =	vshll.u32 v41, v1;
	[tilespmem:v48+s16+$0x0] =	vst.idx.msk $0xffff, v46;
	v43 =	vld [tilespmem:s21+$0x70]  }
0xe5: {  	v36 =	vadd.s32 v28, v36;
	v44 =	vshrl.u32 v47, $0x3;
	v41 =	vbroadcast v41, $0x0;
	[tilespmem:v51+s16+$0x0] =	vst.idx.msk $0xffff, v49;
	v46 =	vld [tilespmem:s21+$0xB0]  }
0xe6: {  	v47 =	vshll.u32 v53, v1;
	v49 =	vadd.s32 v4, v33;
	v33 =	vbroadcast v45, $0x0;
	v48 =	vld [tilespmem:s21+$0xFFFFFF30];
	[tilespmem:v52+s16+$0x0] =	vst.idx.msk $0xffff, v50;
	s21 =	sadd.s32 $0x200, s21  }
0xe7: {  	v40 =	vshll.u32 v40, v1;
	v45 =	vbroadcast v47, $0x0;
	v47 =	vld [tilespmem:s21+$0xC0];
	v50 =	vadd.s32 v29, v41;
	[tilespmem:v35+s16+$0x0] =	vst.idx.msk $0xffff, v56  }
0xe8: {  	v55 =	vbroadcast v40, $0x0;
	v52 =	vadd.s32 v0, v33;
	v35 =	vshll.u32 v42, v1;
	v51 =	vld [tilespmem:s21+$0xFFFFFF00];
	[tilespmem:v34+s16+$0x0] =	vst.idx.msk $0xffff, v54  }
0xe9: {  	v42 =	vadd.s32 v5, v45;
	v35 =	vbroadcast v35, $0x0;
	v34 =	vshll.u32 v44, v1;
	v40 =	vld [tilespmem:s21+$0xFFFFFF40];
	[tilespmem:v37+s16+$0x0] =	vst.idx.msk $0xffff, v43  }
0xea: {  	v44 =	vadd.s32 v9, v55;
	v34 =	vbroadcast v34, $0x0;
	v37 =	vshrl.u32 v38, $0x3;
	v43 =	vld [tilespmem:s21+$0xFFFFFF80];
	[tilespmem:v36+s16+$0x0] =	vst.idx.msk $0xffff, v46  }
0xeb: {  	v39 =	vshrl.u32 v39, $0x3;
	v46 =	vadd.s32 v13, v35;
	v36 =	vshll.u32 v37, v1;
	v38 =	vld [tilespmem:s21+$0xFFFFFFC0];
	[tilespmem:v49+s16+$0x0] =	vst.idx.msk $0xffff, v48  }
0xec: {  	v49 =	vadd.s32 v17, v34;
	v37 =	vbroadcast v36, $0x0;
	v36 =	vshll.u32 v39, v1;
	v48 =	vld [tilespmem:s21+$0x0];
	[tilespmem:v50+s16+$0x0] =	vst.idx.msk $0xffff, v47  }
0xed: {  	v36 =	vbroadcast v36, $0x0;
	v47 =	vadd.s32 v30, v41;
	[tilespmem:v52+s16+$0x0] =	vst.idx.msk $0xffff, v51;
	v39 =	vld [tilespmem:s21+$0xD0]  }
0xee: {  	[tilespmem:v42+s16+$0x0] =	vst.idx.msk $0xffff, v40;
	v40 =	vld [tilespmem:s21+$0x40];
	v42 =	vadd.s32 v21, v37  }
0xef: {  	[tilespmem:v44+s16+$0x0] =	vst.idx.msk $0xffff, v43;
	v43 =	vld [tilespmem:s21+$0x80];
	v44 =	vadd.s32 v25, v36  }
0xf0: {  	v51 =	vadd.s32 v6, v45;
	v50 =	vld [tilespmem:s21+$0xFFFFFF50];
	[tilespmem:v46+s16+$0x0] =	vst.idx.msk $0xffff, v38  }
0xf1: {  	v46 =	vadd.s32 v10, v55;
	v38 =	vld [tilespmem:s21+$0xFFFFFF90];
	[tilespmem:v49+s16+$0x0] =	vst.idx.msk $0xffff, v48  }
0xf2: {  	v49 =	vadd.s32 v14, v35;
	v48 =	vld [tilespmem:s21+$0xFFFFFFD0];
	[tilespmem:v47+s16+$0x0] =	vst.idx.msk $0xffff, v39  }
0xf3: {  	[tilespmem:v42+s16+$0x0] =	vst.idx.msk $0xffff, v40;
	v39 =	vld [tilespmem:s21+$0xE0];
	v40 =	vadd.s32 v31, v41  }
0xf4: {  	v47 =	vadd.s32 v18, v34;
	v42 =	vld [tilespmem:s21+$0x10];
	[tilespmem:v44+s16+$0x0] =	vst.idx.msk $0xffff, v43  }
0xf5: {  	v44 =	vadd.s32 v22, v37;
	[tilespmem:v51+s16+$0x0] =	vst.idx.msk $0xffff, v50;
	v43 =	vld [tilespmem:s21+$0x50]  }
0xf6: {  	[tilespmem:v46+s16+$0x0] =	vst.idx.msk $0xffff, v38;
	v38 =	vld [tilespmem:s21+$0x90];
	v46 =	vadd.s32 v26, v36  }
0xf7: {  	v51 =	vadd.s32 v2, v33;
	v50 =	vld [tilespmem:s21+$0xFFFFFF10];
	[tilespmem:v49+s16+$0x0] =	vst.idx.msk $0xffff, v48  }
0xf8: {  	v49 =	vadd.s32 v7, v45;
	v48 =	vld [tilespmem:s21+$0xFFFFFF60];
	[tilespmem:v40+s16+$0x0] =	vst.idx.msk $0xffff, v39  }
0xf9: {  	[tilespmem:v47+s16+$0x0] =	vst.idx.msk $0xffff, v42;
	v39 =	vld [tilespmem:s21+$0xF0];
	v47 =	vadd.s32 v32, v41  }
0xfa: {  	v56 =	vadd.s32 v11, v55;
	v52 =	vld [tilespmem:s21+$0xFFFFFFA0];
	[tilespmem:v44+s16+$0x0] =	vst.idx.msk $0xffff, v43  }
0xfb: {  	v58 =	vadd.s32 v15, v35;
	v57 =	vld [tilespmem:s21+$0xFFFFFFE0];
	[tilespmem:v46+s16+$0x0] =	vst.idx.msk $0xffff, v38  }
0xfc: {  	v60 =	vadd.s32 v19, v34;
	[tilespmem:v51+s16+$0x0] =	vst.idx.msk $0xffff, v50;
	v59 =	vld [tilespmem:s21+$0x20]  }
.Ltmp4:
0xfd: {  	s23 =	sadd.s32 $0x1, s22;
	v41 =	vadd.s32 v23, v37;
	v38 =	vmov s22;
	[tilespmem:v49+s16+$0x0] =	vst.idx.msk $0xffff, v48;
	v40 =	vld [tilespmem:s21+$0x60];
	(pc) =	sbr.rel @p0 .LBB2_10-.Ltmp4, $4  }
0xfe: {  	s24 =	sadd.s32 $0x3, s22;
	v53 =	vmov s23;
	s23 =	sadd.s32 $0x2, s22;
	v43 =	vadd.s32 v27, v36;
	v50 =	vshrl.u32 v38, $0x3;
	v42 =	vld [tilespmem:s21+$0xA0];
	[tilespmem:v47+s16+$0x0] =	vst.idx.msk $0xffff, v39  }
0xff: {  	v54 =	vmov s23;
	s23 =	sadd.s32 $0x4, s22;
	v44 =	vmov s24;
	s24 =	sadd.s32 $0x5, s22;
	v48 =	vadd.s32 v3, v33;
	v46 =	vld [tilespmem:s21+$0xFFFFFF20];
	[tilespmem:v56+s16+$0x0] =	vst.idx.msk $0xffff, v52  }
0x100: {  	v38 =	vmov s24;
	v51 =	vadd.s32 v8, v45;
	v47 =	vmov s23;
	s23 =	sadd.s32 $0x6, s22;
	v49 =	vld [tilespmem:s21+$0xFFFFFF70];
	[tilespmem:v58+s16+$0x0] =	vst.idx.msk $0xffff, v57  }
0x101: {  	v45 =	vshll.u32 v50, v1;
	v39 =	vmov s23;
	s23 =	sadd.s32 $0x7, s22;
	s22 =	sadd.s32 $0x8, s22;
	v52 =	vadd.s32 v12, v55;
	v50 =	vld [tilespmem:s21+$0xFFFFFFB0];
	[tilespmem:v60+s16+$0x0] =	vst.idx.msk $0xffff, v59  }
0x102: {  	_ =	sdelay $0x2  }
0x103: {  	v53 =	vshrl.u32 v53, $0x3  }
0x104: {  	v55 =	vmov s23;
	v56 =	vld [tilespmem:s21+$0xFFFFFFF0];
	v35 =	vadd.s32 v16, v35;
	[tilespmem:v41+s16+$0x0] =	vst.idx.msk $0xffff, v40;
	v57 =	vshrl.u32 v54, $0x3  }
0x105: {  	v59 =	vld [tilespmem:s21+$0x30];
	v34 =	vadd.s32 v20, v34;
	v60 =	vshrl.u32 v44, $0x3;
	v58 =	vshrl.u32 v55, $0x3;
	[tilespmem:v43+s16+$0x0] =	vst.idx.msk $0xffff, v42  }
0x106: {  	v37 =	vadd.s32 v24, v37;
	v62 =	vshrl.u32 v47, $0x3;
	v61 =	vld [tilespmem:s21+$0x70];
	v41 =	vshll.u32 v58, v1;
	[tilespmem:v48+s16+$0x0] =	vst.idx.msk $0xffff, v46  }
0x107: {  	v36 =	vadd.s32 v28, v36;
	v45 =	vbroadcast v45, $0x0;
	v63 =	vld [tilespmem:s21+$0xB0];
	v41 =	vbroadcast v41, $0x0;
	[tilespmem:v51+s16+$0x0] =	vst.idx.msk $0xffff, v49  }
0x108: {  	v33 =	vadd.s32 v4, v33;
	s24 =	sadd.s32 $0x200, s21;
	v38 =	vshrl.u32 v38, $0x3;
	v55 =	vshll.u32 v53, v1;
	v48 =	vld [tilespmem:s21+$0xFFFFFF30];
	[tilespmem:v52+s16+$0x0] =	vst.idx.msk $0xffff, v50  }
0x109: {  	v40 =	vshll.u32 v57, v1;
	v47 =	vbroadcast v55, $0x0;
	v49 =	vld [tilespmem:s24+$0xC0];
	v50 =	vadd.s32 v29, v41;
	[tilespmem:v35+s16+$0x0] =	vst.idx.msk $0xffff, v56  }
0x10a: {  	v42 =	vshll.u32 v60, v1;
	v40 =	vbroadcast v40, $0x0;
	v35 =	vld [tilespmem:s24+$0xFFFFFF00];
	v56 =	vadd.s32 v0, v45;
	[tilespmem:v34+s16+$0x0] =	vst.idx.msk $0xffff, v59  }
0x10b: {  	v57 =	vld [tilespmem:s24+$0xFFFFFF40];
	v44 =	vshll.u32 v62, v1;
	v42 =	vbroadcast v42, $0x0;
	v58 =	vadd.s32 v5, v47;
	[tilespmem:v37+s16+$0x0] =	vst.idx.msk $0xffff, v61  }
0x10c: {  	v38 =	vshll.u32 v38, v1;
	v44 =	vbroadcast v44, $0x0;
	v60 =	vadd.s32 v9, v40;
	v59 =	vld [tilespmem:s24+$0xFFFFFF80];
	[tilespmem:v36+s16+$0x0] =	vst.idx.msk $0xffff, v63  }
0x10d: {  	v38 =	vbroadcast v38, $0x0;
	v62 =	vadd.s32 v13, v42;
	v61 =	vld [tilespmem:s24+$0xFFFFFFC0];
	[tilespmem:v33+s16+$0x0] =	vst.idx.msk $0xffff, v48  }
0x10e: {  	v39 =	vshrl.u32 v39, $0x3;
	v63 =	vadd.s32 v17, v44;
	v33 =	vld [tilespmem:s24+$0x0];
	[tilespmem:v50+s16+$0x0] =	vst.idx.msk $0xffff, v49  }
0x10f: {  	v39 =	vshll.u32 v39, v1;
	v34 =	vld [tilespmem:s24+$0x40];
	[tilespmem:v56+s16+$0x0] =	vst.idx.msk $0xffff, v35;
	v56 =	vadd.s32 v21, v38  }
0x110: {  	[tilespmem:v58+s16+$0x0] =	vst.idx.msk $0xffff, v57;
	v35 =	vbroadcast v39, $0x0;
	v49 =	vadd.s32 v30, v41;
	v39 =	vld [tilespmem:s24+$0xD0]  }
0x111: {  	[tilespmem:v60+s16+$0x0] =	vst.idx.msk $0xffff, v59;
	v59 =	vld [tilespmem:s24+$0xFFFFFF50];
	v60 =	vadd.s32 v6, v47  }
0x112: {  	v57 =	vld [tilespmem:s24+$0x80];
	[tilespmem:v62+s16+$0x0] =	vst.idx.msk $0xffff, v61;
	v58 =	vadd.s32 v25, v35  }
0x113: {  	v61 =	vld [tilespmem:s24+$0xFFFFFF90];
	v62 =	vadd.s32 v10, v40;
	[tilespmem:v63+s16+$0x0] =	vst.idx.msk $0xffff, v33  }
0x114: {  	v33 =	vld [tilespmem:s24+$0xFFFFFFD0];
	v63 =	vadd.s32 v14, v42;
	[tilespmem:v56+s16+$0x0] =	vst.idx.msk $0xffff, v34  }
0x115: {  	v56 =	vadd.s32 v18, v44;
	[tilespmem:v49+s16+$0x0] =	vst.idx.msk $0xffff, v39;
	v49 =	vld [tilespmem:s24+$0x10]  }
0x116: {  	[tilespmem:v60+s16+$0x0] =	vst.idx.msk $0xffff, v59;
	v39 =	vadd.s32 v31, v41;
	v34 =	vld [tilespmem:s24+$0xE0]  }
0x117: {  	[tilespmem:v58+s16+$0x0] =	vst.idx.msk $0xffff, v57;
	v57 =	vld [tilespmem:s24+$0x50];
	v58 =	vadd.s32 v22, v38  }
0x118: {  	[tilespmem:v62+s16+$0x0] =	vst.idx.msk $0xffff, v61;
	v61 =	vld [tilespmem:s24+$0xFFFFFF10];
	v62 =	vadd.s32 v2, v45  }
0x119: {  	v60 =	vadd.s32 v26, v35;
	v59 =	vld [tilespmem:s24+$0x90];
	[tilespmem:v63+s16+$0x0] =	vst.idx.msk $0xffff, v33  }
0x11a: {  	v55 =	vadd.s32 v11, v40;
	v54 =	vadd.s32 v32, v41;
	v41 =	vld [tilespmem:s24+$0xFFFFFFA0];
	[tilespmem:v56+s16+$0x0] =	vst.idx.msk $0xffff, v49  }
0x11b: {  	v53 =	vadd.s32 v7, v47;
	v63 =	vld [tilespmem:s24+$0xFFFFFF60];
	[tilespmem:v39+s16+$0x0] =	vst.idx.msk $0xffff, v34  }
0x11c: {  	v56 =	vld [tilespmem:s24+$0xFFFFFFE0];
	[tilespmem:v58+s16+$0x0] =	vst.idx.msk $0xffff, v57;
	v57 =	vadd.s32 v15, v42  }
0x11d: {  	[tilespmem:v62+s16+$0x0] =	vst.idx.msk $0xffff, v61;
	v34 =	vld [tilespmem:s24+$0xF0]  }
0x11e: {  	v58 =	vld [tilespmem:s24+$0x20];
	[tilespmem:v60+s16+$0x0] =	vst.idx.msk $0xffff, v59;
	v59 =	vadd.s32 v19, v44  }
0x11f: {  	v61 =	vadd.s32 v23, v38;
	[tilespmem:v55+s16+$0x0] =	vst.idx.msk $0xffff, v41;
	v60 =	vld [tilespmem:s24+$0x60]  }
0x120: {  	[tilespmem:v53+s16+$0x0] =	vst.idx.msk $0xffff, v63;
	v63 =	vadd.s32 v27, v35;
	v62 =	vld [tilespmem:s24+$0xA0]  }
0x121: {  	v47 =	vadd.s32 v8, v47;
	v55 =	vld [tilespmem:s24+$0xFFFFFF70];
	[tilespmem:v57+s16+$0x0] =	vst.idx.msk $0xffff, v56  }
0x122: {  	v53 =	vld [tilespmem:s24+$0xFFFFFF20];
	[tilespmem:v54+s16+$0x0] =	vst.idx.msk $0xffff, v34;
	v54 =	vadd.s32 v3, v45  }
0x123: {  	v40 =	vadd.s32 v12, v40;
	v56 =	vld [tilespmem:s24+$0xFFFFFFB0];
	[tilespmem:v59+s16+$0x0] =	vst.idx.msk $0xffff, v58  }
0x124: {  	v42 =	vadd.s32 v16, v42;
	v57 =	vld [tilespmem:s24+$0xFFFFFFF0];
	[tilespmem:v61+s16+$0x0] =	vst.idx.msk $0xffff, v60  }
0x125: {  	v59 =	vadd.s32 v20, v44;
	v58 =	vld [tilespmem:s24+$0x30];
	[tilespmem:v63+s16+$0x0] =	vst.idx.msk $0xffff, v62  }
0x126: {  	v38 =	vadd.s32 v24, v38;
	v60 =	vld [tilespmem:s24+$0x70];
	[tilespmem:v47+s16+$0x0] =	vst.idx.msk $0xffff, v55  }
0x127: {  	v35 =	vadd.s32 v28, v35;
	v61 =	vld [tilespmem:s24+$0xB0];
	[tilespmem:v54+s16+$0x0] =	vst.idx.msk $0xffff, v53  }
0x128: {  	v63 =	vadd.s32 v4, v45;
	[tilespmem:v40+s16+$0x0] =	vst.idx.msk $0xffff, v56;
	v62 =	vld [tilespmem:s24+$0xFFFFFF30]  }
0x129: {  	[tilespmem:v42+s16+$0x0] =	vst.idx.msk $0xffff, v57  }
0x12a: {  	s25 =	sshll.u32 s20, $0x7;
	[tilespmem:v59+s16+$0x0] =	vst.idx.msk $0xffff, v58  }
0x12b: {  	s26 =	sshll.u32 s20, $0xA;
	s21 =	sand.u32 $0xF80, s25;
	[tilespmem:v38+s16+$0x0] =	vst.idx.msk $0xffff, v60  }
0x12c: {  	s20 =	sand.u32 $0xFFF8000, s26;
	s21 =	sadd.s32 s2, s21;
	[tilespmem:v35+s16+$0x0] =	vst.idx.msk $0xffff, v61  }
0x12d: {  	s28 =	simm.s32 $0x7B00;
	s21 =	sadd.s32 s20, s21;
	[tilespmem:v63+s16+$0x0] =	vst.idx.msk $0xffff, v62  }
0x12e: {  	[hbm4b:s21+s3] =	stream.linear.scatter [tilespmem:s28], [sflag:$0x4], $0x80, $0x38;
	[tilespmem:$0x9D00] =	vst v63  }
0x12f: {  	s29 =	simm.s32 $0x7B88;
	s22 =	sadd.s32 $0x10, s21  }
0x130: {  	[hbm4b:s22+s3] =	stream.linear.scatter [tilespmem:s29], [sflag:$0x4], $0x80, $0x38;
	[tilespmem:$0x9D00] =	vst v63  }
0x131: {  	s30 =	simm.s32 $0x7C10;
	s23 =	simm.s32 $0x7C98;
	s31 =	sadd.s32 $0x20, s21  }
0x132: {  	[hbm4b:s31+s3] =	stream.linear.scatter [tilespmem:s30], [sflag:$0x4], $0x80, $0x38;
	[tilespmem:$0x9D00] =	vst v63  }
0x133: {  	s25 =	simm.s32 $0x7D20;
	s20 =	simm.s32 $0x440;
	s24 =	sadd.s32 $0x30, s21  }
0x134: {  	[hbm4b:s24+s3] =	stream.linear.scatter [tilespmem:s23], [sflag:$0x4], $0x80, $0x38;
	[tilespmem:$0x9D00] =	vst v63  }
0x135: {  	s26 =	sadd.s32 $0x40, s21;
	s28 =	simm.s32 $0x7DA8;
	s29 =	sadd.s32 $0x50, s21  }
0x136: {  	[hbm4b:s26+s3] =	stream.linear.scatter [tilespmem:s25], [sflag:$0x4], $0x80, $0x38;
	[tilespmem:$0x9D00] =	vst v63  }
0x137: {  	s22 =	simm.s32 $0x2200;
	s30 =	simm.s32 $0x7E30;
	s31 =	sadd.s32 $0x60, s21  }
0x138: {  	[hbm4b:s29+s3] =	stream.linear.scatter [tilespmem:s28], [sflag:$0x4], $0x80, $0x38;
	[tilespmem:$0x9D00] =	vst v63  }
0x139: {  	s23 =	simm.s32 $0x7EB8;
	s24 =	sadd.s32 $0x70, s21;
	s21 =	sadd.s32 $0x1000, s21  }
0x13a: {  	[hbm4b:s31+s3] =	stream.linear.scatter [tilespmem:s30], [sflag:$0x4], $0x80, $0x38;
	[tilespmem:$0x9D00] =	vst v63  }
.LBB2_12:
0x13b: {  	[hbm4b:s24+s3] =	stream.linear.scatter [tilespmem:s23], [sflag:$0x4], $0x80, $0x38;
	[tilespmem:$0x9D00] =	vst v63  }
0x13c: {  	s23 =	smov.u32 s20;
	s20 =	smov.u32 s22  }
0x13d: {  	s25 =	sadd.s32 $0x1100, s22;
	s20 =	sshra.s32 s20, $0x2;
	s24 =	sadd.s32 $0x7B00, s23  }
0x13e: {  	[hbm4b:s21+s3] =	stream.linear.scatter [tilespmem:s24], [sflag:$0x4], $0x80, $0x38;
	[tilespmem:$0x9D00] =	vst v63  }
0x13f: {  	p0 =	sne.s32 s22, $0x7700;
	s22 =	sadd.s32 $0x7B88, s23;
	s24 =	sadd.s32 $0x10, s21  }
0x140: {  	[hbm4b:s24+s3] =	stream.linear.scatter [tilespmem:s22], [sflag:$0x4], $0x80, $0x38;
	[tilespmem:$0x9D00] =	vst v63  }
0x141: {  	s22 =	sadd.s32 $0x7C10, s23;
	s24 =	sadd.s32 $0x20, s21  }
0x142: {  	[hbm4b:s24+s3] =	stream.linear.scatter [tilespmem:s22], [sflag:$0x4], $0x80, $0x38;
	[tilespmem:$0x9D00] =	vst v63  }
0x143: {  	s22 =	sadd.s32 $0x7C98, s23;
	s24 =	sadd.s32 $0x30, s21  }
0x144: {  	[hbm4b:s24+s3] =	stream.linear.scatter [tilespmem:s22], [sflag:$0x4], $0x80, $0x38;
	[tilespmem:$0x9D00] =	vst v63  }
0x145: {  	s22 =	sadd.s32 $0x7D20, s23;
	s24 =	sadd.s32 $0x40, s21  }
0x146: {  	[hbm4b:s24+s3] =	stream.linear.scatter [tilespmem:s22], [sflag:$0x4], $0x80, $0x38;
	[tilespmem:$0x9D00] =	vst v63  }
.Ltmp5:
0x147: {  	s22 =	sadd.s32 $0x7DA8, s23;
	s24 =	sadd.s32 $0x50, s21;
	(pc) =	sbr.rel @p0 .LBB2_12-.Ltmp5, $4  }
0x148: {  	[hbm4b:s24+s3] =	stream.linear.scatter [tilespmem:s22], [sflag:$0x4], $0x80, $0x38;
	[tilespmem:$0x9D00] =	vst v63  }
0x149: {  	s22 =	sadd.s32 $0x7E30, s23;
	s24 =	sadd.s32 $0x60, s21;
	s23 =	sadd.s32 $0x7EB8, s23  }
0x14a: {  	[hbm4b:s24+s3] =	stream.linear.scatter [tilespmem:s22], [sflag:$0x4], $0x80, $0x38;
	[tilespmem:$0x9D00] =	vst v63  }
0x14b: {  	s24 =	sadd.s32 $0x70, s21;
	s21 =	sadd.s32 $0x1000, s21;
	s22 =	smov.u32 s25  }
0x14c: {  	[hbm4b:s24+s3] =	stream.linear.scatter [tilespmem:s23], [sflag:$0x4], $0x80, $0x38;
	[tilespmem:$0x9D00] =	vst v63  }
0x14d: {  	s22 =	sadd.s32 $0x7B00, s20  }
0x14e: {  	[hbm4b:s21+s3] =	stream.linear.scatter [tilespmem:s22], [sflag:$0x4], $0x80, $0x38;
	[tilespmem:$0x9D00] =	vst v63  }
0x14f: {  	s25 =	sadd.s32 $0x7B88, s20;
	s26 =	sadd.s32 $0x10, s21  }
0x150: {  	[hbm4b:s26+s3] =	stream.linear.scatter [tilespmem:s25], [sflag:$0x4], $0x80, $0x38;
	[tilespmem:$0x9D00] =	vst v63  }
0x151: {  	s28 =	sadd.s32 $0x7C10, s20;
	s29 =	sadd.s32 $0x20, s21  }
0x152: {  	[hbm4b:s29+s3] =	stream.linear.scatter [tilespmem:s28], [sflag:$0x4], $0x80, $0x38;
	[tilespmem:$0x9D00] =	vst v63  }
0x153: {  	s30 =	sadd.s32 $0x7C98, s20;
	s31 =	sadd.s32 $0x30, s21  }
0x154: {  	[hbm4b:s31+s3] =	stream.linear.scatter [tilespmem:s30], [sflag:$0x4], $0x80, $0x38;
	[tilespmem:$0x9D00] =	vst v63  }
0x155: {  	s23 =	sadd.s32 $0x7D20, s20;
	s24 =	sadd.s32 $0x40, s21;
	s19 =	sadd.s32 $0x1, s19  }
0x156: {  	[hbm4b:s24+s3] =	stream.linear.scatter [tilespmem:s23], [sflag:$0x4], $0x80, $0x38;
	[tilespmem:$0x9D00] =	vst v63  }
0x157: {  	p0 =	sne.s32 s19, $0x19;
	s25 =	sadd.s32 $0x7DA8, s20;
	s26 =	sadd.s32 $0x50, s21  }
0x158: {  	[hbm4b:s26+s3] =	stream.linear.scatter [tilespmem:s25], [sflag:$0x4], $0x80, $0x38;
	[tilespmem:$0x9D00] =	vst v63  }
.Ltmp6:
0x159: {  	_ = 	snop;
	(pc) =	sbr.rel @p0 .LBB2_2-.Ltmp6, $4  }
0x15a: {  	s28 =	sadd.s32 $0x7E30, s20;
	s29 =	sadd.s32 $0x60, s21  }
0x15b: {  	[hbm4b:s29+s3] =	stream.linear.scatter [tilespmem:s28], [sflag:$0x4], $0x80, $0x38;
	[tilespmem:$0x9D00] =	vst v63  }
0x15c: {  	s30 =	sadd.s32 $0x7EB8, s20;
	s31 =	sadd.s32 $0x70, s21  }
0x15d: {  	[hbm4b:s31+s3] =	stream.linear.scatter [tilespmem:s30], [sflag:$0x4], $0x80, $0x38;
	[tilespmem:$0x9D00] =	vst v63  }
0x15e: {  	s18 =	sadd.s32 $0x1, s18  }
0x15f: {  	_ =	swait.ge [sflag:s17], $0x2000;
	p0 =	sne.s32 s18, s7  }
.Ltmp7:
0x160: {  	[sflag:s17] =	ssyncset.done $0x0;
	(pc) =	sbr.rel @p0 .LBB2_1-.Ltmp7, $4  }
0x161: {  	[sflag:s17] =	ssyncadd.s32 $0xFFFFE000  }
0x162: {  	_ =	swait.ge [sflag:s15], $0x2000  }
0x163: {  	[sflag:s15] =	ssyncset.done $0x0  }
0x164: {  	[sflag:s15] =	ssyncadd.s32 $0xFFFFE000  }
0x165: {  	_ =	sfence.sel $0x180000  }
0x166: {  	[bflag:$0x0] =	sbarrier.arrive $0xFFFF  }
0x167: {  	p0 =	sne.s32 s0, $0x0;
	_ =	strace $0x90000047  }
0x168: {  	s0 =	sadd.s32 @!p0 $0x100000, s1;
	[bflag:$0x2] =	sbarrier.arrive $0xFFFF  }
0x169: {  	[sflag:s0] =	ssyncadd.tile.s32 @!p0 $0x1;
	_ =	shalt  }
.Lfunc_end2:
_tile_overlayer_lowered:
.L_overlay_start_2:
0x16a: {  	(tag) =	ssettag $0x2  }
0x16b: {  	s0 =	rddreg [dreg:$0x0];
	s2 =	stileid.u32  }
0x16c: {  	s1 =	rddreg [dreg:$0x1];
	p0 =	sne.s32 s2, $0x0  }
0x16d: {  	s3 =	rddreg [dreg:$0x2];
	[bflag:$0x3] =	sbarrier.arrive $0xFFFF;
	s2 =	simm.s32 @!p0 $0x1C05  }
0x16e: {  	[timem:s3], [sflag:s2] =	dma.local @!p0 [hbm:s0], s1  }
0x16f: {  	s0 =	simm.s32 @!p0 $0x5  }
0x170: {  	_ =	swait.ge @!p0 [sflag:s0], s1  }
0x171: {  	s1 =	ssub.s32 @!p0 $0x0, s1;
	[sflag:s0] =	ssyncset.done @!p0 $0x0  }
0x172: {  	[sflag:s0] =	ssyncadd.s32 @!p0 s1  }
0x173: {  	[bflag:$0x3] =	sbarrier.arrive $0xFFFF  }
0x174: {  	_ =	shalt  }

</sc_bundles>
